<compile_context>
chip_gen: v7x
topology: tpu7x:2x2x1
jax: 0.10.2.dev20260603
libtpu: 0.0.44.dev20260713+nightly
codegen_flags: <defaults>
</compile_context>

<pallas_src>
import functools

import jax
import jax.numpy as jnp
from jax import lax
from jax.experimental import pallas as pl
from jax.experimental.pallas import tpu as pltpu
from jax.experimental.pallas import tpu_sc as plsc

N = 10000
E = 320000
D = 128
NC = 2
NS = 16
NW = NC * NS
CHUNK = 80
CHUNKS_PER_W = E // (NW * CHUNK)
ROW_BLK = 624
ROW_BLK_LAST = N - (NS - 1) * ROW_BLK
DEG_W = 16

_MESH = plsc.VectorSubcoreMesh(
    core_axis_name="c", subcore_axis_name="s", num_cores=NC, num_subcores=NS
)


@functools.partial(
    pl.kernel,
    out_type=jax.ShapeDtypeStruct((NC, N, DEG_W), jnp.float32),
    mesh=_MESH,
    compiler_params=pltpu.CompilerParams(use_tc_tiling_on_sc=False),
    scratch_types=[
        pltpu.VMEM((CHUNKS_PER_W, CHUNK), jnp.int32),
        pltpu.VMEM((CHUNK, DEG_W), jnp.float32),
        pltpu.VMEM_SHARED((N, DEG_W), jnp.float32),
        pltpu.SemaphoreType.DMA,
    ],
)
def _deg_kernel(dst_hbm, ones_hbm, zeros_hbm, out_hbm, idx_v, ones_v, acc_sh,
                sem):
    c = lax.axis_index("c")
    s = lax.axis_index("s")
    wid = s * NC + c
    r0 = s * ROW_BLK

    @pl.when(s < NS - 1)
    def _():
        pltpu.sync_copy(zeros_hbm.at[pl.ds(0, ROW_BLK)],
                        acc_sh.at[pl.ds(r0, ROW_BLK)])

    @pl.when(s == NS - 1)
    def _():
        pltpu.sync_copy(zeros_hbm, acc_sh.at[pl.ds(r0, ROW_BLK_LAST)])

    pltpu.sync_copy(ones_hbm, ones_v)
    pltpu.sync_copy(dst_hbm.at[wid], idx_v)
    plsc.subcore_barrier()

    WINDOW = 8

    def body(i, carry):
        @pl.when(i >= WINDOW)
        def _():
            pltpu.make_async_copy(ones_v, acc_sh.at[idx_v.at[0]], sem).wait()

        pltpu.async_copy(ones_v, acc_sh.at[idx_v.at[i]], sem, add=True)
        return carry

    lax.fori_loop(0, CHUNKS_PER_W, body, 0)

    def drain(i, carry):
        pltpu.make_async_copy(ones_v, acc_sh.at[idx_v.at[0]], sem).wait()
        return carry

    lax.fori_loop(0, WINDOW, drain, 0)
    plsc.subcore_barrier()

    @pl.when(s < NS - 1)
    def _():
        pltpu.sync_copy(acc_sh.at[pl.ds(r0, ROW_BLK)],
                        out_hbm.at[c, pl.ds(r0, ROW_BLK)])

    @pl.when(s == NS - 1)
    def _():
        pltpu.sync_copy(acc_sh.at[pl.ds(r0, ROW_BLK_LAST)],
                        out_hbm.at[c, pl.ds(r0, ROW_BLK_LAST)])


@functools.partial(
    pl.kernel,
    out_type=jax.ShapeDtypeStruct((NC, N, D), jnp.float32),
    mesh=_MESH,
    scratch_types=(
        [pltpu.VMEM((2, CHUNK), jnp.int32)] * 8
        + [pltpu.VMEM((CHUNK, D), jnp.float32)] * 4
        + [pltpu.VMEM_SHARED((N, D), jnp.float32)]
        + [pltpu.SemaphoreType.DMA] * 16
    ),
)
def _scatter_kernel(g_hbm, ec_hbm, zeros_hbm, out_hbm, *scr):
    ibs = scr[0:8]
    rows = scr[8:12]
    acc_sh = scr[12]
    isems = scr[13:21]
    gsems = scr[21:25]
    ssems = scr[25:29]
    c = lax.axis_index("c")
    s = lax.axis_index("s")
    wid = s * NC + c
    r0 = s * ROW_BLK

    @pl.when(s < NS - 1)
    def _():
        pltpu.sync_copy(zeros_hbm.at[pl.ds(0, ROW_BLK)],
                        acc_sh.at[pl.ds(r0, ROW_BLK)])

    @pl.when(s == NS - 1)
    def _():
        pltpu.sync_copy(zeros_hbm, acc_sh.at[pl.ds(r0, ROW_BLK_LAST)])

    plsc.subcore_barrier()

    NCH = CHUNKS_PER_W

    def idx_start(j, k):
        pltpu.async_copy(ec_hbm.at[wid, j], ibs[k], isems[k])

    def idx_wait(j, k):
        pltpu.make_async_copy(ec_hbm.at[wid, j], ibs[k], isems[k]).wait()

    def gather_start(k, r):
        pltpu.async_copy(g_hbm.at[ibs[k].at[0]], rows[r], gsems[r])

    def gather_wait(k, r):
        pltpu.make_async_copy(g_hbm.at[ibs[k].at[0]], rows[r], gsems[r]).wait()

    def scat_start(k, r):
        pltpu.async_copy(rows[r], acc_sh.at[ibs[k].at[1]], ssems[r], add=True)

    def scat_wait(k, r):
        pltpu.make_async_copy(rows[r], acc_sh.at[ibs[k].at[1]],
                              ssems[r]).wait()

    for p in range(5):
        idx_start(p, p)
    idx_wait(0, 0)
    gather_start(0, 0)

    def half(j, m):
        k = m % 8
        r = m % 4

        @pl.when((j >= 3) & (j - 3 <= NCH - 1))
        def _():
            scat_wait((m - 3) % 8, (m - 3) % 4)

        @pl.when(j + 5 <= NCH - 1)
        def _():
            idx_start(j + 5, (m + 5) % 8)

        @pl.when(j + 1 <= NCH - 1)
        def _():
            idx_wait(j + 1, (m + 1) % 8)
            gather_start((m + 1) % 8, (m + 1) % 4)

        @pl.when(j <= NCH - 1)
        def _():
            gather_wait(k, r)
            scat_start(k, r)

    def body(i, carry):
        j = 8 * i
        for m in range(8):
            half(j + m, m)
        return carry

    lax.fori_loop(0, (NCH + 7) // 8, body, 0)
    plsc.subcore_barrier()

    @pl.when(s < NS - 1)
    def _():
        pltpu.sync_copy(acc_sh.at[pl.ds(r0, ROW_BLK)],
                        out_hbm.at[c, pl.ds(r0, ROW_BLK)])

    @pl.when(s == NS - 1)
    def _():
        pltpu.sync_copy(acc_sh.at[pl.ds(r0, ROW_BLK_LAST)],
                        out_hbm.at[c, pl.ds(r0, ROW_BLK_LAST)])


_R = 2000


def _dinv_from(deg_ref):
    deg = deg_ref[0, :, 0:1] + deg_ref[1, :, 0:1] + 1.0
    return lax.rsqrt(deg)


def _tc1_body(x_ref, w_ref, deg_ref, g_ref):
    dinv = _dinv_from(deg_ref)
    h = jnp.dot(x_ref[...], w_ref[...], preferred_element_type=jnp.float32)
    g_ref[...] = h * dinv


def _tc2_body(s_ref, g_ref, deg_ref, w_ref, b_ref, out_ref):
    dinv = _dinv_from(deg_ref)
    pre = (s_ref[0] + s_ref[1] + g_ref[...]) * dinv + b_ref[...]
    a = jnp.maximum(pre, 0.0)
    h2 = jnp.dot(a, w_ref[...], preferred_element_type=jnp.float32)
    out_ref[...] = h2 * dinv


def _tc3_body(s_ref, g_ref, deg_ref, b2_ref, wv_ref, bv_ref, wo_ref, bo_ref,
              out_ref):
    dinv = _dinv_from(deg_ref)
    h = (s_ref[0] + s_ref[1] + g_ref[...]) * dinv + b2_ref[...]
    t = jnp.dot(h, wv_ref[...], preferred_element_type=jnp.float32) + bv_ref[...]
    out_ref[...] = (
        jnp.dot(t, wo_ref[...], preferred_element_type=jnp.float32) + bo_ref[...]
    )


_row_spec = pl.BlockSpec((_R, D), lambda i: (i, 0))
_w_spec = pl.BlockSpec((D, D), lambda i: (0, 0))
_b_spec = pl.BlockSpec((1, D), lambda i: (0, 0))
_deg_spec = pl.BlockSpec((NC, _R, DEG_W), lambda i: (0, i, 0))
_s_spec = pl.BlockSpec((NC, _R, D), lambda i: (0, i, 0))
_out_struct = jax.ShapeDtypeStruct((N, D), jnp.float32)
_tc1 = pl.pallas_call(
    _tc1_body,
    grid=(N // _R,),
    in_specs=[_row_spec, _w_spec, _deg_spec],
    out_specs=_row_spec,
    out_shape=_out_struct,
)

_tc2 = pl.pallas_call(
    _tc2_body,
    grid=(N // _R,),
    in_specs=[_s_spec, _row_spec, _deg_spec, _w_spec, _b_spec],
    out_specs=_row_spec,
    out_shape=_out_struct,
)

_tc3 = pl.pallas_call(
    _tc3_body,
    grid=(N // _R,),
    in_specs=[_s_spec, _row_spec, _deg_spec, _b_spec, _w_spec, _b_spec,
              _w_spec, _b_spec],
    out_specs=_row_spec,
    out_shape=_out_struct,
)


def kernel(x, edge_index, W1, b1, W2, b2, Wq, bq, Wk, bk, Wv, bv, Wo, bo):
    ec = jnp.concatenate(
        [edge_index[0].reshape(NW, CHUNKS_PER_W, 1, CHUNK),
         edge_index[1].reshape(NW, CHUNKS_PER_W, 1, CHUNK)],
        axis=2)
    ones_deg = jnp.ones((CHUNK, DEG_W), jnp.float32)
    zeros_deg = jnp.zeros((ROW_BLK_LAST, DEG_W), jnp.float32)
    zeros_s = jnp.zeros((ROW_BLK_LAST, D), jnp.float32)

    degt = _deg_kernel(edge_index[1].reshape(NW, CHUNKS_PER_W, CHUNK),
                       ones_deg, zeros_deg)
    g1 = _tc1(x, W1, degt)
    s1 = _scatter_kernel(g1, ec, zeros_s)
    g2 = _tc2(s1, g1, degt, W2, b1.reshape(1, D))
    s2 = _scatter_kernel(g2, ec, zeros_s)
    out = _tc3(s2, g2, degt, b2.reshape(1, D), Wv, bv.reshape(1, D),
               Wo, bo.reshape(1, D))
    return out.reshape(N, 1, D)

# --- scband reference (transcript-rebuilt; emitter-appended) ---
"""Pipeline reference for scband-graph-neural-network-79869211837089 (READ-ONLY COPY).

The authoritative reference and input builder live on the scoring server;
editing this copy changes nothing except your own understanding.
"""

import jax, jax.numpy as jnp
import numpy as np

N_NODES = 10000
N_EDGES = 320000
D = 128
NUM_HEADS = 4
HEAD_DIM = 32


def gcn_conv(x, src, dst, W, b):
    # torch_geometric GCNConv: add self loops, symmetric normalization, then linear + scatter-add
    N = x.shape[0]
    loop = jnp.arange(N, dtype=src.dtype)
    src2 = jnp.concatenate([src, loop])
    dst2 = jnp.concatenate([dst, loop])
    deg = jnp.zeros((N,), dtype=x.dtype).at[dst2].add(1.0)
    dinv = jnp.where(deg > 0, jax.lax.rsqrt(deg), 0.0)
    norm = dinv[src2] * dinv[dst2]
    h = x @ W  # linear (no bias before propagate)
    msg = h[src2] * norm[:, None]          # gather (SparseCore)
    out = jax.ops.segment_sum(msg, dst2, num_segments=N)  # scatter-add (SparseCore)
    return out + b


def mha(x, Wq, bq, Wk, bk, Wv, bv, Wo, bo):
    # Faithful to the torch MultiHeadAttention with batch=N, implicit seq_len=1
    B = x.shape[0]
    q = (x @ Wq + bq).reshape(B, -1, NUM_HEADS, HEAD_DIM).transpose(0, 2, 1, 3)
    k = (x @ Wk + bk).reshape(B, -1, NUM_HEADS, HEAD_DIM).transpose(0, 2, 1, 3)
    v = (x @ Wv + bv).reshape(B, -1, NUM_HEADS, HEAD_DIM).transpose(0, 2, 1, 3)
    scores = jnp.matmul(q, k.transpose(0, 1, 3, 2)) / jnp.sqrt(jnp.float32(HEAD_DIM))
    attn = jax.nn.softmax(scores, axis=-1)
    out = jnp.matmul(attn, v)
    out = out.transpose(0, 2, 1, 3).reshape(B, -1, NUM_HEADS * HEAD_DIM)
    return out @ Wo + bo


def setup_inputs(seed: int = 0) -> dict:
    key = jax.random.key(seed)
    ks = jax.random.split(key, 16)
    s = 1.0 / np.sqrt(D)
    x = jax.random.normal(ks[0], (N_NODES, D), dtype=jnp.float32)
    edge_index = jax.random.randint(ks[1], (2, N_EDGES), 0, N_NODES, dtype=jnp.int32)
    return {
        'x': x,
        'edge_index': edge_index,
        'W1': jax.random.normal(ks[2], (D, D), jnp.float32) * s,
        'b1': jnp.zeros((D,), jnp.float32),
        'W2': jax.random.normal(ks[3], (D, D), jnp.float32) * s,
        'b2': jnp.zeros((D,), jnp.float32),
        'Wq': jax.random.normal(ks[4], (D, NUM_HEADS * HEAD_DIM), jnp.float32) * s,
        'bq': jnp.zeros((NUM_HEADS * HEAD_DIM,), jnp.float32),
        'Wk': jax.random.normal(ks[5], (D, NUM_HEADS * HEAD_DIM), jnp.float32) * s,
        'bk': jnp.zeros((NUM_HEADS * HEAD_DIM,), jnp.float32),
        'Wv': jax.random.normal(ks[6], (D, NUM_HEADS * HEAD_DIM), jnp.float32) * s,
        'bv': jnp.zeros((NUM_HEADS * HEAD_DIM,), jnp.float32),
        'Wo': jax.random.normal(ks[7], (NUM_HEADS * HEAD_DIM, D), jnp.float32) * s,
        'bo': jnp.zeros((D,), jnp.float32),
    }


def reference(x, edge_index, W1, b1, W2, b2, Wq, bq, Wk, bk, Wv, bv, Wo, bo):
    src, dst = edge_index[0], edge_index[1]
    # convs[:-1]: GCN -> relu -> dropout(eval: identity)
    h = gcn_conv(x, src, dst, W1, b1)
    h = jax.nn.relu(h)
    # convs[-1]
    h = gcn_conv(h, src, dst, W2, b2)
    # attention over nodes (seq_len = 1)
    out = mha(h, Wq, bq, Wk, bk, Wv, bv, Wo, bo)
    return out

if __name__ == "__main__":
    import jax
    _d = setup_inputs()
    print(jax.jit(kernel)(*tuple(_d.values())))

</pallas_src>

<mosaic_0001>
#map = affine_map<(d0, d1) -> (0, 0)>
#map1 = affine_map<(d0, d1) -> (0, 0, 0, 0)>
#map2 = affine_map<(d0, d1) -> (0, 0, 0)>
module attributes {stable_mosaic.version = 14 : i64} {
  func.func @_scatter_kernel(%arg0: i32, %arg1: i32, %arg2: memref<10000x128xf32, #tpu.memory_space<hbm>>, %arg3: memref<32x125x2x80xi32, #tpu.memory_space<hbm>>, %arg4: memref<640x128xf32, #tpu.memory_space<hbm>>, %arg5: memref<2x10000x128xf32, #tpu.memory_space<hbm>>, %arg6: memref<2x80xi32, #tpu.memory_space<vmem>>, %arg7: memref<2x80xi32, #tpu.memory_space<vmem>>, %arg8: memref<2x80xi32, #tpu.memory_space<vmem>>, %arg9: memref<2x80xi32, #tpu.memory_space<vmem>>, %arg10: memref<2x80xi32, #tpu.memory_space<vmem>>, %arg11: memref<2x80xi32, #tpu.memory_space<vmem>>, %arg12: memref<2x80xi32, #tpu.memory_space<vmem>>, %arg13: memref<2x80xi32, #tpu.memory_space<vmem>>, %arg14: memref<80x128xf32, #tpu.memory_space<vmem>>, %arg15: memref<80x128xf32, #tpu.memory_space<vmem>>, %arg16: memref<80x128xf32, #tpu.memory_space<vmem>>, %arg17: memref<80x128xf32, #tpu.memory_space<vmem>>, %arg18: memref<10000x128xf32, #tpu.memory_space<vmem_shared>>, %arg19: memref<!tpu.dma_semaphore, #tpu.memory_space<semaphore_mem>>, %arg20: memref<!tpu.dma_semaphore, #tpu.memory_space<semaphore_mem>>, %arg21: memref<!tpu.dma_semaphore, #tpu.memory_space<semaphore_mem>>, %arg22: memref<!tpu.dma_semaphore, #tpu.memory_space<semaphore_mem>>, %arg23: memref<!tpu.dma_semaphore, #tpu.memory_space<semaphore_mem>>, %arg24: memref<!tpu.dma_semaphore, #tpu.memory_space<semaphore_mem>>, %arg25: memref<!tpu.dma_semaphore, #tpu.memory_space<semaphore_mem>>, %arg26: memref<!tpu.dma_semaphore, #tpu.memory_space<semaphore_mem>>, %arg27: memref<!tpu.dma_semaphore, #tpu.memory_space<semaphore_mem>>, %arg28: memref<!tpu.dma_semaphore, #tpu.memory_space<semaphore_mem>>, %arg29: memref<!tpu.dma_semaphore, #tpu.memory_space<semaphore_mem>>, %arg30: memref<!tpu.dma_semaphore, #tpu.memory_space<semaphore_mem>>, %arg31: memref<!tpu.dma_semaphore, #tpu.memory_space<semaphore_mem>>, %arg32: memref<!tpu.dma_semaphore, #tpu.memory_space<semaphore_mem>>, %arg33: memref<!tpu.dma_semaphore, #tpu.memory_space<semaphore_mem>>, %arg34: memref<!tpu.dma_semaphore, #tpu.memory_space<semaphore_mem>>) attributes {dimension_semantics = [#tpu.dimension_semantics<core_parallel>, #tpu.dimension_semantics<subcore_parallel>], iteration_bounds = array<i64: 2, 16>, scalar_prefetch = 0 : i64, scratch_operands = 29 : i64, tpu.core_type = #tpu.core_type<sc_vector_subcore>, window_params = [{transform_indices = #map}, {transform_indices = #map1}, {transform_indices = #map}, {transform_indices = #map2}]} {
    %mul3A = arith.constant 2 : i32
    %mul3A_0 = arith.muli %arg1, %mul3A : i32
    %add3A = arith.addi %mul3A_0, %arg0 : i32
    %mul3A_1 = arith.constant 624 : i32
    %mul3A_2 = arith.muli %arg1, %mul3A_1 : i32
    %lt3A = arith.constant 15 : i32
    %lt3A_3 = arith.cmpi slt, %arg1, %lt3A : i32
    %convert_element_type3A = arith.extui %lt3A_3 : i1 to i32
    %cond3A = arith.constant 0 : i32
    %cond3A_4 = arith.cmpi ne, %convert_element_type3A, %cond3A : i32
    scf.if %cond3A_4 {
      "tpu.region"() ({
        %run_scoped3A = tpu.sem_alloc : memref<!tpu.dma_semaphore, #tpu.memory_space<semaphore_mem>>
        %dma_start3A_84 = arith.constant 0 : i32
        %dma_start3A_85 = tpu.memref_slice %arg18[%mul3A_2, %dma_start3A_84] : memref<10000x128xf32, #tpu.memory_space<vmem_shared>> -> memref<624x128xf32, #tpu.memory_space<vmem_shared>>
        %dma_start3A_86 = arith.constant 0 : i32
        %dma_start3A_87 = arith.constant 0 : i32
        %dma_start3A_88 = tpu.memref_slice %arg4[%dma_start3A_86, %dma_start3A_87] : memref<640x128xf32, #tpu.memory_space<hbm>> -> memref<624x128xf32, #tpu.memory_space<hbm>>
        tpu.enqueue_dma source(%dma_start3A_88 : memref<624x128xf32, #tpu.memory_space<hbm>>) target(%dma_start3A_85 : memref<624x128xf32, #tpu.memory_space<vmem_shared>>) target_semaphore(%run_scoped3A : memref<!tpu.dma_semaphore, #tpu.memory_space<semaphore_mem>>)
        %dma_wait3A_89 = arith.constant 0 : i32
        %dma_wait3A_90 = tpu.memref_slice %arg18[%mul3A_2, %dma_wait3A_89] : memref<10000x128xf32, #tpu.memory_space<vmem_shared>> -> memref<624x128xf32, #tpu.memory_space<vmem_shared>>
        %dma_wait3A_91 = arith.constant 0 : i32
        %dma_wait3A_92 = arith.constant 0 : i32
        %dma_wait3A_93 = tpu.memref_slice %arg4[%dma_wait3A_91, %dma_wait3A_92] : memref<640x128xf32, #tpu.memory_space<hbm>> -> memref<624x128xf32, #tpu.memory_space<hbm>>
        tpu.wait_dma2 semaphore(%run_scoped3A : memref<!tpu.dma_semaphore, #tpu.memory_space<semaphore_mem>>) src(%dma_wait3A_93 : memref<624x128xf32, #tpu.memory_space<hbm>>) dst(%dma_wait3A_90 : memref<624x128xf32, #tpu.memory_space<vmem_shared>>)
        tpu.yield
      }) : () -> ()
    } else {
    }
    %eq3A = arith.constant 15 : i32
    %eq3A_5 = arith.cmpi eq, %arg1, %eq3A : i32
    %convert_element_type3A_6 = arith.extui %eq3A_5 : i1 to i32
    %cond3A_7 = arith.constant 0 : i32
    %cond3A_8 = arith.cmpi ne, %convert_element_type3A_6, %cond3A_7 : i32
    scf.if %cond3A_8 {
      "tpu.region"() ({
        %run_scoped3A = tpu.sem_alloc : memref<!tpu.dma_semaphore, #tpu.memory_space<semaphore_mem>>
        %dma_start3A_84 = arith.constant 0 : i32
        %dma_start3A_85 = tpu.memref_slice %arg18[%mul3A_2, %dma_start3A_84] : memref<10000x128xf32, #tpu.memory_space<vmem_shared>> -> memref<640x128xf32, #tpu.memory_space<vmem_shared>>
        tpu.enqueue_dma source(%arg4 : memref<640x128xf32, #tpu.memory_space<hbm>>) target(%dma_start3A_85 : memref<640x128xf32, #tpu.memory_space<vmem_shared>>) target_semaphore(%run_scoped3A : memref<!tpu.dma_semaphore, #tpu.memory_space<semaphore_mem>>)
        %dma_wait3A_86 = arith.constant 0 : i32
        %dma_wait3A_87 = tpu.memref_slice %arg18[%mul3A_2, %dma_wait3A_86] : memref<10000x128xf32, #tpu.memory_space<vmem_shared>> -> memref<640x128xf32, #tpu.memory_space<vmem_shared>>
        tpu.wait_dma2 semaphore(%run_scoped3A : memref<!tpu.dma_semaphore, #tpu.memory_space<semaphore_mem>>) src(%arg4 : memref<640x128xf32, #tpu.memory_space<hbm>>) dst(%dma_wait3A_87 : memref<640x128xf32, #tpu.memory_space<vmem_shared>>)
        tpu.yield
      }) : () -> ()
    } else {
    }
    %barrier3A = arith.constant 0 : index
    tpu.barrier barrier_id(%barrier3A)
    %dma_start3A = arith.constant 0 : i32
    %dma_start3A_9 = arith.constant 0 : i32
    %dma_start3A_10 = arith.constant 0 : i32
    %dma_start3A_11 = tpu.memref_slice %arg3[%add3A, %dma_start3A, %dma_start3A_9, %dma_start3A_10] : memref<32x125x2x80xi32, #tpu.memory_space<hbm>> -> memref<1x1x2x80xi32, #tpu.memory_space<hbm>>
    %dma_start3A_12 = tpu.memref_squeeze %dma_start3A_11 : memref<1x1x2x80xi32, #tpu.memory_space<hbm>> -> memref<2x80xi32, #tpu.memory_space<hbm>>
    %dma_start3A_13 = arith.constant 0 : i32
    %dma_start3A_14 = arith.constant 0 : i32
    %dma_start3A_15 = tpu.memref_slice %arg3[%add3A, %dma_start3A, %dma_start3A_13, %dma_start3A_14] : memref<32x125x2x80xi32, #tpu.memory_space<hbm>> -> memref<1x1x2x80xi32, #tpu.memory_space<hbm>>
    %dma_start3A_16 = tpu.memref_squeeze %dma_start3A_15 : memref<1x1x2x80xi32, #tpu.memory_space<hbm>> -> memref<2x80xi32, #tpu.memory_space<hbm>>
    tpu.enqueue_dma source(%dma_start3A_16 : memref<2x80xi32, #tpu.memory_space<hbm>>) target(%arg6 : memref<2x80xi32, #tpu.memory_space<vmem>>) target_semaphore(%arg19 : memref<!tpu.dma_semaphore, #tpu.memory_space<semaphore_mem>>)
    %dma_start3A_17 = arith.constant 1 : i32
    %dma_start3A_18 = arith.constant 0 : i32
    %dma_start3A_19 = arith.constant 0 : i32
    %dma_start3A_20 = tpu.memref_slice %arg3[%add3A, %dma_start3A_17, %dma_start3A_18, %dma_start3A_19] : memref<32x125x2x80xi32, #tpu.memory_space<hbm>> -> memref<1x1x2x80xi32, #tpu.memory_space<hbm>>
    %dma_start3A_21 = tpu.memref_squeeze %dma_start3A_20 : memref<1x1x2x80xi32, #tpu.memory_space<hbm>> -> memref<2x80xi32, #tpu.memory_space<hbm>>
    %dma_start3A_22 = arith.constant 0 : i32
    %dma_start3A_23 = arith.constant 0 : i32
    %dma_start3A_24 = tpu.memref_slice %arg3[%add3A, %dma_start3A_17, %dma_start3A_22, %dma_start3A_23] : memref<32x125x2x80xi32, #tpu.memory_space<hbm>> -> memref<1x1x2x80xi32, #tpu.memory_space<hbm>>
    %dma_start3A_25 = tpu.memref_squeeze %dma_start3A_24 : memref<1x1x2x80xi32, #tpu.memory_space<hbm>> -> memref<2x80xi32, #tpu.memory_space<hbm>>
    tpu.enqueue_dma source(%dma_start3A_25 : memref<2x80xi32, #tpu.memory_space<hbm>>) target(%arg7 : memref<2x80xi32, #tpu.memory_space<vmem>>) target_semaphore(%arg20 : memref<!tpu.dma_semaphore, #tpu.memory_space<semaphore_mem>>)
    %dma_start3A_26 = arith.constant 2 : i32
    %dma_start3A_27 = arith.constant 0 : i32
    %dma_start3A_28 = arith.constant 0 : i32
    %dma_start3A_29 = tpu.memref_slice %arg3[%add3A, %dma_start3A_26, %dma_start3A_27, %dma_start3A_28] : memref<32x125x2x80xi32, #tpu.memory_space<hbm>> -> memref<1x1x2x80xi32, #tpu.memory_space<hbm>>
    %dma_start3A_30 = tpu.memref_squeeze %dma_start3A_29 : memref<1x1x2x80xi32, #tpu.memory_space<hbm>> -> memref<2x80xi32, #tpu.memory_space<hbm>>
    %dma_start3A_31 = arith.constant 0 : i32
    %dma_start3A_32 = arith.constant 0 : i32
    %dma_start3A_33 = tpu.memref_slice %arg3[%add3A, %dma_start3A_26, %dma_start3A_31, %dma_start3A_32] : memref<32x125x2x80xi32, #tpu.memory_space<hbm>> -> memref<1x1x2x80xi32, #tpu.memory_space<hbm>>
    %dma_start3A_34 = tpu.memref_squeeze %dma_start3A_33 : memref<1x1x2x80xi32, #tpu.memory_space<hbm>> -> memref<2x80xi32, #tpu.memory_space<hbm>>
    tpu.enqueue_dma source(%dma_start3A_34 : memref<2x80xi32, #tpu.memory_space<hbm>>) target(%arg8 : memref<2x80xi32, #tpu.memory_space<vmem>>) target_semaphore(%arg21 : memref<!tpu.dma_semaphore, #tpu.memory_space<semaphore_mem>>)
    %dma_start3A_35 = arith.constant 3 : i32
    %dma_start3A_36 = arith.constant 0 : i32
    %dma_start3A_37 = arith.constant 0 : i32
    %dma_start3A_38 = tpu.memref_slice %arg3[%add3A, %dma_start3A_35, %dma_start3A_36, %dma_start3A_37] : memref<32x125x2x80xi32, #tpu.memory_space<hbm>> -> memref<1x1x2x80xi32, #tpu.memory_space<hbm>>
    %dma_start3A_39 = tpu.memref_squeeze %dma_start3A_38 : memref<1x1x2x80xi32, #tpu.memory_space<hbm>> -> memref<2x80xi32, #tpu.memory_space<hbm>>
    %dma_start3A_40 = arith.constant 0 : i32
    %dma_start3A_41 = arith.constant 0 : i32
    %dma_start3A_42 = tpu.memref_slice %arg3[%add3A, %dma_start3A_35, %dma_start3A_40, %dma_start3A_41] : memref<32x125x2x80xi32, #tpu.memory_space<hbm>> -> memref<1x1x2x80xi32, #tpu.memory_space<hbm>>
    %dma_start3A_43 = tpu.memref_squeeze %dma_start3A_42 : memref<1x1x2x80xi32, #tpu.memory_space<hbm>> -> memref<2x80xi32, #tpu.memory_space<hbm>>
    tpu.enqueue_dma source(%dma_start3A_43 : memref<2x80xi32, #tpu.memory_space<hbm>>) target(%arg9 : memref<2x80xi32, #tpu.memory_space<vmem>>) target_semaphore(%arg22 : memref<!tpu.dma_semaphore, #tpu.memory_space<semaphore_mem>>)
    %dma_start3A_44 = arith.constant 4 : i32
    %dma_start3A_45 = arith.constant 0 : i32
    %dma_start3A_46 = arith.constant 0 : i32
    %dma_start3A_47 = tpu.memref_slice %arg3[%add3A, %dma_start3A_44, %dma_start3A_45, %dma_start3A_46] : memref<32x125x2x80xi32, #tpu.memory_space<hbm>> -> memref<1x1x2x80xi32, #tpu.memory_space<hbm>>
    %dma_start3A_48 = tpu.memref_squeeze %dma_start3A_47 : memref<1x1x2x80xi32, #tpu.memory_space<hbm>> -> memref<2x80xi32, #tpu.memory_space<hbm>>
    %dma_start3A_49 = arith.constant 0 : i32
    %dma_start3A_50 = arith.constant 0 : i32
    %dma_start3A_51 = tpu.memref_slice %arg3[%add3A, %dma_start3A_44, %dma_start3A_49, %dma_start3A_50] : memref<32x125x2x80xi32, #tpu.memory_space<hbm>> -> memref<1x1x2x80xi32, #tpu.memory_space<hbm>>
    %dma_start3A_52 = tpu.memref_squeeze %dma_start3A_51 : memref<1x1x2x80xi32, #tpu.memory_space<hbm>> -> memref<2x80xi32, #tpu.memory_space<hbm>>
    tpu.enqueue_dma source(%dma_start3A_52 : memref<2x80xi32, #tpu.memory_space<hbm>>) target(%arg10 : memref<2x80xi32, #tpu.memory_space<vmem>>) target_semaphore(%arg23 : memref<!tpu.dma_semaphore, #tpu.memory_space<semaphore_mem>>)
    %dma_wait3A = arith.constant 0 : i32
    %dma_wait3A_53 = arith.constant 0 : i32
    %dma_wait3A_54 = arith.constant 0 : i32
    %dma_wait3A_55 = tpu.memref_slice %arg3[%add3A, %dma_wait3A, %dma_wait3A_53, %dma_wait3A_54] : memref<32x125x2x80xi32, #tpu.memory_space<hbm>> -> memref<1x1x2x80xi32, #tpu.memory_space<hbm>>
    %dma_wait3A_56 = tpu.memref_squeeze %dma_wait3A_55 : memref<1x1x2x80xi32, #tpu.memory_space<hbm>> -> memref<2x80xi32, #tpu.memory_space<hbm>>
    %dma_wait3A_57 = arith.constant 0 : i32
    %dma_wait3A_58 = arith.constant 0 : i32
    %dma_wait3A_59 = tpu.memref_slice %arg3[%add3A, %dma_wait3A, %dma_wait3A_57, %dma_wait3A_58] : memref<32x125x2x80xi32, #tpu.memory_space<hbm>> -> memref<1x1x2x80xi32, #tpu.memory_space<hbm>>
    %dma_wait3A_60 = tpu.memref_squeeze %dma_wait3A_59 : memref<1x1x2x80xi32, #tpu.memory_space<hbm>> -> memref<2x80xi32, #tpu.memory_space<hbm>>
    tpu.wait_dma2 semaphore(%arg19 : memref<!tpu.dma_semaphore, #tpu.memory_space<semaphore_mem>>) src(%dma_wait3A_60 : memref<2x80xi32, #tpu.memory_space<hbm>>) dst(%arg6 : memref<2x80xi32, #tpu.memory_space<vmem>>)
    %dma_start3A_61 = arith.constant 0 : i32
    %dma_start3A_62 = arith.constant 0 : i32
    %dma_start3A_63 = tpu.memref_slice %arg6[%dma_start3A_61, %dma_start3A_62] : memref<2x80xi32, #tpu.memory_space<vmem>> -> memref<1x80xi32, #tpu.memory_space<vmem>>
    %dma_start3A_64 = tpu.memref_squeeze %dma_start3A_63 : memref<1x80xi32, #tpu.memory_space<vmem>> -> memref<80xi32, #tpu.memory_space<vmem>>
    %dma_start3A_65 = arith.constant 0 : i32
    %dma_start3A_66 = arith.constant 0 : i32
    %dma_start3A_67 = tpu.memref_slice %arg2[%dma_start3A_65, %dma_start3A_66] : memref<10000x128xf32, #tpu.memory_space<hbm>> -> memref<10000x128xf32, #tpu.memory_space<hbm>>
    tpu.enqueue_indirect_dma source(%dma_start3A_67 : memref<10000x128xf32, #tpu.memory_space<hbm>>) target(%arg14 : memref<80x128xf32, #tpu.memory_space<vmem>>) offsets(%dma_start3A_64 : memref<80xi32, #tpu.memory_space<vmem>>) semaphore(%arg27 : memref<!tpu.dma_semaphore, #tpu.memory_space<semaphore_mem>>)
    %scan3A = arith.constant 0 : i32
    %scan3A_68 = arith.constant 0 : i32
    %scan3A_69 = arith.constant 16 : i32
    %scan3A_70 = arith.addi %scan3A_68, %scan3A_69 : i32
    %scan3A_71 = arith.constant 1 : i32
    scf.for %scan3A_84 = %scan3A_68 to %scan3A_70 step %scan3A_71  : i32 {
      %mul3A_85 = arith.constant 8 : i32
      %mul3A_86 = arith.muli %mul3A_85, %scan3A_84 : i32
      %add3A_87 = arith.constant 0 : i32
      %add3A_88 = arith.addi %mul3A_86, %add3A_87 : i32
      %ge3A = arith.constant 3 : i32
      %ge3A_89 = arith.cmpi sge, %add3A_88, %ge3A : i32
      %sub3A = arith.constant 3 : i32
      %sub3A_90 = arith.subi %add3A_88, %sub3A : i32
      %le3A = arith.constant 124 : i32
      %le3A_91 = arith.cmpi sle, %sub3A_90, %le3A : i32
      %and3A = arith.andi %ge3A_89, %le3A_91 : i1
      %convert_element_type3A_92 = arith.extui %and3A : i1 to i32
      %cond3A_93 = arith.constant 0 : i32
      %cond3A_94 = arith.cmpi ne, %convert_element_type3A_92, %cond3A_93 : i32
      scf.if %cond3A_94 {
        %dma_wait3A_331 = arith.constant 1 : i32
        %dma_wait3A_332 = arith.constant 0 : i32
        %dma_wait3A_333 = tpu.memref_slice %arg11[%dma_wait3A_331, %dma_wait3A_332] : memref<2x80xi32, #tpu.memory_space<vmem>> -> memref<1x80xi32, #tpu.memory_space<vmem>>
        %dma_wait3A_334 = tpu.memref_squeeze %dma_wait3A_333 : memref<1x80xi32, #tpu.memory_space<vmem>> -> memref<80xi32, #tpu.memory_space<vmem>>
        %dma_wait3A_335 = arith.constant 0 : i32
        %dma_wait3A_336 = arith.constant 0 : i32
        %dma_wait3A_337 = tpu.memref_slice %arg18[%dma_wait3A_335, %dma_wait3A_336] : memref<10000x128xf32, #tpu.memory_space<vmem_shared>> -> memref<10000x128xf32, #tpu.memory_space<vmem_shared>>
        tpu.wait_indirect_dma semaphore(%arg32 : memref<!tpu.dma_semaphore, #tpu.memory_space<semaphore_mem>>) src(%arg15 : memref<80x128xf32, #tpu.memory_space<vmem>>) dst(%dma_wait3A_337 : memref<10000x128xf32, #tpu.memory_space<vmem_shared>>)
      } else {
      }
      %add3A_95 = arith.constant 5 : i32
      %add3A_96 = arith.addi %add3A_88, %add3A_95 : i32
      %le3A_97 = arith.constant 124 : i32
      %le3A_98 = arith.cmpi sle, %add3A_96, %le3A_97 : i32
      %convert_element_type3A_99 = arith.extui %le3A_98 : i1 to i32
      %cond3A_100 = arith.constant 0 : i32
      %cond3A_101 = arith.cmpi ne, %convert_element_type3A_99, %cond3A_100 : i32
      scf.if %cond3A_101 {
        %add3A_331 = arith.constant 5 : i32
        %add3A_332 = arith.addi %add3A_88, %add3A_331 : i32
        %dma_start3A_333 = arith.constant 0 : i32
        %dma_start3A_334 = arith.constant 0 : i32
        %dma_start3A_335 = tpu.memref_slice %arg3[%add3A, %add3A_332, %dma_start3A_333, %dma_start3A_334] : memref<32x125x2x80xi32, #tpu.memory_space<hbm>> -> memref<1x1x2x80xi32, #tpu.memory_space<hbm>>
        %dma_start3A_336 = tpu.memref_squeeze %dma_start3A_335 : memref<1x1x2x80xi32, #tpu.memory_space<hbm>> -> memref<2x80xi32, #tpu.memory_space<hbm>>
        %dma_start3A_337 = arith.constant 0 : i32
        %dma_start3A_338 = arith.constant 0 : i32
        %dma_start3A_339 = tpu.memref_slice %arg3[%add3A, %add3A_332, %dma_start3A_337, %dma_start3A_338] : memref<32x125x2x80xi32, #tpu.memory_space<hbm>> -> memref<1x1x2x80xi32, #tpu.memory_space<hbm>>
        %dma_start3A_340 = tpu.memref_squeeze %dma_start3A_339 : memref<1x1x2x80xi32, #tpu.memory_space<hbm>> -> memref<2x80xi32, #tpu.memory_space<hbm>>
        tpu.enqueue_dma source(%dma_start3A_340 : memref<2x80xi32, #tpu.memory_space<hbm>>) target(%arg11 : memref<2x80xi32, #tpu.memory_space<vmem>>) target_semaphore(%arg24 : memref<!tpu.dma_semaphore, #tpu.memory_space<semaphore_mem>>)
      } else {
      }
      %add3A_102 = arith.constant 1 : i32
      %add3A_103 = arith.addi %add3A_88, %add3A_102 : i32
      %le3A_104 = arith.constant 124 : i32
      %le3A_105 = arith.cmpi sle, %add3A_103, %le3A_104 : i32
      %convert_element_type3A_106 = arith.extui %le3A_105 : i1 to i32
      %cond3A_107 = arith.constant 0 : i32
      %cond3A_108 = arith.cmpi ne, %convert_element_type3A_106, %cond3A_107 : i32
      scf.if %cond3A_108 {
        %add3A_331 = arith.constant 1 : i32
        %add3A_332 = arith.addi %add3A_88, %add3A_331 : i32
        %dma_wait3A_333 = arith.constant 0 : i32
        %dma_wait3A_334 = arith.constant 0 : i32
        %dma_wait3A_335 = tpu.memref_slice %arg3[%add3A, %add3A_332, %dma_wait3A_333, %dma_wait3A_334] : memref<32x125x2x80xi32, #tpu.memory_space<hbm>> -> memref<1x1x2x80xi32, #tpu.memory_space<hbm>>
        %dma_wait3A_336 = tpu.memref_squeeze %dma_wait3A_335 : memref<1x1x2x80xi32, #tpu.memory_space<hbm>> -> memref<2x80xi32, #tpu.memory_space<hbm>>
        %dma_wait3A_337 = arith.constant 0 : i32
        %dma_wait3A_338 = arith.constant 0 : i32
        %dma_wait3A_339 = tpu.memref_slice %arg3[%add3A, %add3A_332, %dma_wait3A_337, %dma_wait3A_338] : memref<32x125x2x80xi32, #tpu.memory_space<hbm>> -> memref<1x1x2x80xi32, #tpu.memory_space<hbm>>
        %dma_wait3A_340 = tpu.memref_squeeze %dma_wait3A_339 : memref<1x1x2x80xi32, #tpu.memory_space<hbm>> -> memref<2x80xi32, #tpu.memory_space<hbm>>
        tpu.wait_dma2 semaphore(%arg20 : memref<!tpu.dma_semaphore, #tpu.memory_space<semaphore_mem>>) src(%dma_wait3A_340 : memref<2x80xi32, #tpu.memory_space<hbm>>) dst(%arg7 : memref<2x80xi32, #tpu.memory_space<vmem>>)
        %dma_start3A_341 = arith.constant 0 : i32
        %dma_start3A_342 = arith.constant 0 : i32
        %dma_start3A_343 = tpu.memref_slice %arg7[%dma_start3A_341, %dma_start3A_342] : memref<2x80xi32, #tpu.memory_space<vmem>> -> memref<1x80xi32, #tpu.memory_space<vmem>>
        %dma_start3A_344 = tpu.memref_squeeze %dma_start3A_343 : memref<1x80xi32, #tpu.memory_space<vmem>> -> memref<80xi32, #tpu.memory_space<vmem>>
        %dma_start3A_345 = arith.constant 0 : i32
        %dma_start3A_346 = arith.constant 0 : i32
        %dma_start3A_347 = tpu.memref_slice %arg2[%dma_start3A_345, %dma_start3A_346] : memref<10000x128xf32, #tpu.memory_space<hbm>> -> memref<10000x128xf32, #tpu.memory_space<hbm>>
        tpu.enqueue_indirect_dma source(%dma_start3A_347 : memref<10000x128xf32, #tpu.memory_space<hbm>>) target(%arg15 : memref<80x128xf32, #tpu.memory_space<vmem>>) offsets(%dma_start3A_344 : memref<80xi32, #tpu.memory_space<vmem>>) semaphore(%arg28 : memref<!tpu.dma_semaphore, #tpu.memory_space<semaphore_mem>>)
      } else {
      }
      %le3A_109 = arith.constant 124 : i32
      %le3A_110 = arith.cmpi sle, %add3A_88, %le3A_109 : i32
      %convert_element_type3A_111 = arith.extui %le3A_110 : i1 to i32
      %cond3A_112 = arith.constant 0 : i32
      %cond3A_113 = arith.cmpi ne, %convert_element_type3A_111, %cond3A_112 : i32
      scf.if %cond3A_113 {
        %dma_wait3A_331 = arith.constant 0 : i32
        %dma_wait3A_332 = arith.constant 0 : i32
        %dma_wait3A_333 = tpu.memref_slice %arg6[%dma_wait3A_331, %dma_wait3A_332] : memref<2x80xi32, #tpu.memory_space<vmem>> -> memref<1x80xi32, #tpu.memory_space<vmem>>
        %dma_wait3A_334 = tpu.memref_squeeze %dma_wait3A_333 : memref<1x80xi32, #tpu.memory_space<vmem>> -> memref<80xi32, #tpu.memory_space<vmem>>
        %dma_wait3A_335 = arith.constant 0 : i32
        %dma_wait3A_336 = arith.constant 0 : i32
        %dma_wait3A_337 = tpu.memref_slice %arg2[%dma_wait3A_335, %dma_wait3A_336] : memref<10000x128xf32, #tpu.memory_space<hbm>> -> memref<10000x128xf32, #tpu.memory_space<hbm>>
        tpu.wait_indirect_dma semaphore(%arg27 : memref<!tpu.dma_semaphore, #tpu.memory_space<semaphore_mem>>) src(%dma_wait3A_337 : memref<10000x128xf32, #tpu.memory_space<hbm>>) dst(%arg14 : memref<80x128xf32, #tpu.memory_space<vmem>>)
        %dma_start3A_338 = arith.constant 1 : i32
        %dma_start3A_339 = arith.constant 0 : i32
        %dma_start3A_340 = tpu.memref_slice %arg6[%dma_start3A_338, %dma_start3A_339] : memref<2x80xi32, #tpu.memory_space<vmem>> -> memref<1x80xi32, #tpu.memory_space<vmem>>
        %dma_start3A_341 = tpu.memref_squeeze %dma_start3A_340 : memref<1x80xi32, #tpu.memory_space<vmem>> -> memref<80xi32, #tpu.memory_space<vmem>>
        %dma_start3A_342 = arith.constant 0 : i32
        %dma_start3A_343 = arith.constant 0 : i32
        %dma_start3A_344 = tpu.memref_slice %arg18[%dma_start3A_342, %dma_start3A_343] : memref<10000x128xf32, #tpu.memory_space<vmem_shared>> -> memref<10000x128xf32, #tpu.memory_space<vmem_shared>>
        tpu.enqueue_indirect_dma source(%arg14 : memref<80x128xf32, #tpu.memory_space<vmem>>) target(%dma_start3A_344 : memref<10000x128xf32, #tpu.memory_space<vmem_shared>>) offsets(%dma_start3A_341 : memref<80xi32, #tpu.memory_space<vmem>>) semaphore(%arg31 : memref<!tpu.dma_semaphore, #tpu.memory_space<semaphore_mem>>) {add = true}
      } else {
      }
      %add3A_114 = arith.constant 1 : i32
      %add3A_115 = arith.addi %mul3A_86, %add3A_114 : i32
      %ge3A_116 = arith.constant 3 : i32
      %ge3A_117 = arith.cmpi sge, %add3A_115, %ge3A_116 : i32
      %sub3A_118 = arith.constant 3 : i32
      %sub3A_119 = arith.subi %add3A_115, %sub3A_118 : i32
      %le3A_120 = arith.constant 124 : i32
      %le3A_121 = arith.cmpi sle, %sub3A_119, %le3A_120 : i32
      %and3A_122 = arith.andi %ge3A_117, %le3A_121 : i1
      %convert_element_type3A_123 = arith.extui %and3A_122 : i1 to i32
      %cond3A_124 = arith.constant 0 : i32
      %cond3A_125 = arith.cmpi ne, %convert_element_type3A_123, %cond3A_124 : i32
      scf.if %cond3A_125 {
        %dma_wait3A_331 = arith.constant 1 : i32
        %dma_wait3A_332 = arith.constant 0 : i32
        %dma_wait3A_333 = tpu.memref_slice %arg12[%dma_wait3A_331, %dma_wait3A_332] : memref<2x80xi32, #tpu.memory_space<vmem>> -> memref<1x80xi32, #tpu.memory_space<vmem>>
        %dma_wait3A_334 = tpu.memref_squeeze %dma_wait3A_333 : memref<1x80xi32, #tpu.memory_space<vmem>> -> memref<80xi32, #tpu.memory_space<vmem>>
        %dma_wait3A_335 = arith.constant 0 : i32
        %dma_wait3A_336 = arith.constant 0 : i32
        %dma_wait3A_337 = tpu.memref_slice %arg18[%dma_wait3A_335, %dma_wait3A_336] : memref<10000x128xf32, #tpu.memory_space<vmem_shared>> -> memref<10000x128xf32, #tpu.memory_space<vmem_shared>>
        tpu.wait_indirect_dma semaphore(%arg33 : memref<!tpu.dma_semaphore, #tpu.memory_space<semaphore_mem>>) src(%arg16 : memref<80x128xf32, #tpu.memory_space<vmem>>) dst(%dma_wait3A_337 : memref<10000x128xf32, #tpu.memory_space<vmem_shared>>)
      } else {
      }
      %add3A_126 = arith.constant 5 : i32
      %add3A_127 = arith.addi %add3A_115, %add3A_126 : i32
      %le3A_128 = arith.constant 124 : i32
      %le3A_129 = arith.cmpi sle, %add3A_127, %le3A_128 : i32
      %convert_element_type3A_130 = arith.extui %le3A_129 : i1 to i32
      %cond3A_131 = arith.constant 0 : i32
      %cond3A_132 = arith.cmpi ne, %convert_element_type3A_130, %cond3A_131 : i32
      scf.if %cond3A_132 {
        %add3A_331 = arith.constant 5 : i32
        %add3A_332 = arith.addi %add3A_115, %add3A_331 : i32
        %dma_start3A_333 = arith.constant 0 : i32
        %dma_start3A_334 = arith.constant 0 : i32
        %dma_start3A_335 = tpu.memref_slice %arg3[%add3A, %add3A_332, %dma_start3A_333, %dma_start3A_334] : memref<32x125x2x80xi32, #tpu.memory_space<hbm>> -> memref<1x1x2x80xi32, #tpu.memory_space<hbm>>
        %dma_start3A_336 = tpu.memref_squeeze %dma_start3A_335 : memref<1x1x2x80xi32, #tpu.memory_space<hbm>> -> memref<2x80xi32, #tpu.memory_space<hbm>>
        %dma_start3A_337 = arith.constant 0 : i32
        %dma_start3A_338 = arith.constant 0 : i32
        %dma_start3A_339 = tpu.memref_slice %arg3[%add3A, %add3A_332, %dma_start3A_337, %dma_start3A_338] : memref<32x125x2x80xi32, #tpu.memory_space<hbm>> -> memref<1x1x2x80xi32, #tpu.memory_space<hbm>>
        %dma_start3A_340 = tpu.memref_squeeze %dma_start3A_339 : memref<1x1x2x80xi32, #tpu.memory_space<hbm>> -> memref<2x80xi32, #tpu.memory_space<hbm>>
        tpu.enqueue_dma source(%dma_start3A_340 : memref<2x80xi32, #tpu.memory_space<hbm>>) target(%arg12 : memref<2x80xi32, #tpu.memory_space<vmem>>) target_semaphore(%arg25 : memref<!tpu.dma_semaphore, #tpu.memory_space<semaphore_mem>>)
      } else {
      }
      %add3A_133 = arith.constant 1 : i32
      %add3A_134 = arith.addi %add3A_115, %add3A_133 : i32
      %le3A_135 = arith.constant 124 : i32
      %le3A_136 = arith.cmpi sle, %add3A_134, %le3A_135 : i32
      %convert_element_type3A_137 = arith.extui %le3A_136 : i1 to i32
      %cond3A_138 = arith.constant 0 : i32
      %cond3A_139 = arith.cmpi ne, %convert_element_type3A_137, %cond3A_138 : i32
      scf.if %cond3A_139 {
        %add3A_331 = arith.constant 1 : i32
        %add3A_332 = arith.addi %add3A_115, %add3A_331 : i32
        %dma_wait3A_333 = arith.constant 0 : i32
        %dma_wait3A_334 = arith.constant 0 : i32
        %dma_wait3A_335 = tpu.memref_slice %arg3[%add3A, %add3A_332, %dma_wait3A_333, %dma_wait3A_334] : memref<32x125x2x80xi32, #tpu.memory_space<hbm>> -> memref<1x1x2x80xi32, #tpu.memory_space<hbm>>
        %dma_wait3A_336 = tpu.memref_squeeze %dma_wait3A_335 : memref<1x1x2x80xi32, #tpu.memory_space<hbm>> -> memref<2x80xi32, #tpu.memory_space<hbm>>
        %dma_wait3A_337 = arith.constant 0 : i32
        %dma_wait3A_338 = arith.constant 0 : i32
        %dma_wait3A_339 = tpu.memref_slice %arg3[%add3A, %add3A_332, %dma_wait3A_337, %dma_wait3A_338] : memref<32x125x2x80xi32, #tpu.memory_space<hbm>> -> memref<1x1x2x80xi32, #tpu.memory_space<hbm>>
        %dma_wait3A_340 = tpu.memref_squeeze %dma_wait3A_339 : memref<1x1x2x80xi32, #tpu.memory_space<hbm>> -> memref<2x80xi32, #tpu.memory_space<hbm>>
        tpu.wait_dma2 semaphore(%arg21 : memref<!tpu.dma_semaphore, #tpu.memory_space<semaphore_mem>>) src(%dma_wait3A_340 : memref<2x80xi32, #tpu.memory_space<hbm>>) dst(%arg8 : memref<2x80xi32, #tpu.memory_space<vmem>>)
        %dma_start3A_341 = arith.constant 0 : i32
        %dma_start3A_342 = arith.constant 0 : i32
        %dma_start3A_343 = tpu.memref_slice %arg8[%dma_start3A_341, %dma_start3A_342] : memref<2x80xi32, #tpu.memory_space<vmem>> -> memref<1x80xi32, #tpu.memory_space<vmem>>
        %dma_start3A_344 = tpu.memref_squeeze %dma_start3A_343 : memref<1x80xi32, #tpu.memory_space<vmem>> -> memref<80xi32, #tpu.memory_space<vmem>>
        %dma_start3A_345 = arith.constant 0 : i32
        %dma_start3A_346 = arith.constant 0 : i32
        %dma_start3A_347 = tpu.memref_slice %arg2[%dma_start3A_345, %dma_start3A_346] : memref<10000x128xf32, #tpu.memory_space<hbm>> -> memref<10000x128xf32, #tpu.memory_space<hbm>>
        tpu.enqueue_indirect_dma source(%dma_start3A_347 : memref<10000x128xf32, #tpu.memory_space<hbm>>) target(%arg16 : memref<80x128xf32, #tpu.memory_space<vmem>>) offsets(%dma_start3A_344 : memref<80xi32, #tpu.memory_space<vmem>>) semaphore(%arg29 : memref<!tpu.dma_semaphore, #tpu.memory_space<semaphore_mem>>)
      } else {
      }
      %le3A_140 = arith.constant 124 : i32
      %le3A_141 = arith.cmpi sle, %add3A_115, %le3A_140 : i32
      %convert_element_type3A_142 = arith.extui %le3A_141 : i1 to i32
      %cond3A_143 = arith.constant 0 : i32
      %cond3A_144 = arith.cmpi ne, %convert_element_type3A_142, %cond3A_143 : i32
      scf.if %cond3A_144 {
        %dma_wait3A_331 = arith.constant 0 : i32
        %dma_wait3A_332 = arith.constant 0 : i32
        %dma_wait3A_333 = tpu.memref_slice %arg7[%dma_wait3A_331, %dma_wait3A_332] : memref<2x80xi32, #tpu.memory_space<vmem>> -> memref<1x80xi32, #tpu.memory_space<vmem>>
        %dma_wait3A_334 = tpu.memref_squeeze %dma_wait3A_333 : memref<1x80xi32, #tpu.memory_space<vmem>> -> memref<80xi32, #tpu.memory_space<vmem>>
        %dma_wait3A_335 = arith.constant 0 : i32
        %dma_wait3A_336 = arith.constant 0 : i32
        %dma_wait3A_337 = tpu.memref_slice %arg2[%dma_wait3A_335, %dma_wait3A_336] : memref<10000x128xf32, #tpu.memory_space<hbm>> -> memref<10000x128xf32, #tpu.memory_space<hbm>>
        tpu.wait_indirect_dma semaphore(%arg28 : memref<!tpu.dma_semaphore, #tpu.memory_space<semaphore_mem>>) src(%dma_wait3A_337 : memref<10000x128xf32, #tpu.memory_space<hbm>>) dst(%arg15 : memref<80x128xf32, #tpu.memory_space<vmem>>)
        %dma_start3A_338 = arith.constant 1 : i32
        %dma_start3A_339 = arith.constant 0 : i32
        %dma_start3A_340 = tpu.memref_slice %arg7[%dma_start3A_338, %dma_start3A_339] : memref<2x80xi32, #tpu.memory_space<vmem>> -> memref<1x80xi32, #tpu.memory_space<vmem>>
        %dma_start3A_341 = tpu.memref_squeeze %dma_start3A_340 : memref<1x80xi32, #tpu.memory_space<vmem>> -> memref<80xi32, #tpu.memory_space<vmem>>
        %dma_start3A_342 = arith.constant 0 : i32
        %dma_start3A_343 = arith.constant 0 : i32
        %dma_start3A_344 = tpu.memref_slice %arg18[%dma_start3A_342, %dma_start3A_343] : memref<10000x128xf32, #tpu.memory_space<vmem_shared>> -> memref<10000x128xf32, #tpu.memory_space<vmem_shared>>
        tpu.enqueue_indirect_dma source(%arg15 : memref<80x128xf32, #tpu.memory_space<vmem>>) target(%dma_start3A_344 : memref<10000x128xf32, #tpu.memory_space<vmem_shared>>) offsets(%dma_start3A_341 : memref<80xi32, #tpu.memory_space<vmem>>) semaphore(%arg32 : memref<!tpu.dma_semaphore, #tpu.memory_space<semaphore_mem>>) {add = true}
      } else {
      }
      %add3A_145 = arith.constant 2 : i32
      %add3A_146 = arith.addi %mul3A_86, %add3A_145 : i32
      %ge3A_147 = arith.constant 3 : i32
      %ge3A_148 = arith.cmpi sge, %add3A_146, %ge3A_147 : i32
      %sub3A_149 = arith.constant 3 : i32
      %sub3A_150 = arith.subi %add3A_146, %sub3A_149 : i32
      %le3A_151 = arith.constant 124 : i32
      %le3A_152 = arith.cmpi sle, %sub3A_150, %le3A_151 : i32
      %and3A_153 = arith.andi %ge3A_148, %le3A_152 : i1
      %convert_element_type3A_154 = arith.extui %and3A_153 : i1 to i32
      %cond3A_155 = arith.constant 0 : i32
      %cond3A_156 = arith.cmpi ne, %convert_element_type3A_154, %cond3A_155 : i32
      scf.if %cond3A_156 {
        %dma_wait3A_331 = arith.constant 1 : i32
        %dma_wait3A_332 = arith.constant 0 : i32
        %dma_wait3A_333 = tpu.memref_slice %arg13[%dma_wait3A_331, %dma_wait3A_332] : memref<2x80xi32, #tpu.memory_space<vmem>> -> memref<1x80xi32, #tpu.memory_space<vmem>>
        %dma_wait3A_334 = tpu.memref_squeeze %dma_wait3A_333 : memref<1x80xi32, #tpu.memory_space<vmem>> -> memref<80xi32, #tpu.memory_space<vmem>>
        %dma_wait3A_335 = arith.constant 0 : i32
        %dma_wait3A_336 = arith.constant 0 : i32
        %dma_wait3A_337 = tpu.memref_slice %arg18[%dma_wait3A_335, %dma_wait3A_336] : memref<10000x128xf32, #tpu.memory_space<vmem_shared>> -> memref<10000x128xf32, #tpu.memory_space<vmem_shared>>
        tpu.wait_indirect_dma semaphore(%arg34 : memref<!tpu.dma_semaphore, #tpu.memory_space<semaphore_mem>>) src(%arg17 : memref<80x128xf32, #tpu.memory_space<vmem>>) dst(%dma_wait3A_337 : memref<10000x128xf32, #tpu.memory_space<vmem_shared>>)
      } else {
      }
      %add3A_157 = arith.constant 5 : i32
      %add3A_158 = arith.addi %add3A_146, %add3A_157 : i32
      %le3A_159 = arith.constant 124 : i32
      %le3A_160 = arith.cmpi sle, %add3A_158, %le3A_159 : i32
      %convert_element_type3A_161 = arith.extui %le3A_160 : i1 to i32
      %cond3A_162 = arith.constant 0 : i32
      %cond3A_163 = arith.cmpi ne, %convert_element_type3A_161, %cond3A_162 : i32
      scf.if %cond3A_163 {
        %add3A_331 = arith.constant 5 : i32
        %add3A_332 = arith.addi %add3A_146, %add3A_331 : i32
        %dma_start3A_333 = arith.constant 0 : i32
        %dma_start3A_334 = arith.constant 0 : i32
        %dma_start3A_335 = tpu.memref_slice %arg3[%add3A, %add3A_332, %dma_start3A_333, %dma_start3A_334] : memref<32x125x2x80xi32, #tpu.memory_space<hbm>> -> memref<1x1x2x80xi32, #tpu.memory_space<hbm>>
        %dma_start3A_336 = tpu.memref_squeeze %dma_start3A_335 : memref<1x1x2x80xi32, #tpu.memory_space<hbm>> -> memref<2x80xi32, #tpu.memory_space<hbm>>
        %dma_start3A_337 = arith.constant 0 : i32
        %dma_start3A_338 = arith.constant 0 : i32
        %dma_start3A_339 = tpu.memref_slice %arg3[%add3A, %add3A_332, %dma_start3A_337, %dma_start3A_338] : memref<32x125x2x80xi32, #tpu.memory_space<hbm>> -> memref<1x1x2x80xi32, #tpu.memory_space<hbm>>
        %dma_start3A_340 = tpu.memref_squeeze %dma_start3A_339 : memref<1x1x2x80xi32, #tpu.memory_space<hbm>> -> memref<2x80xi32, #tpu.memory_space<hbm>>
        tpu.enqueue_dma source(%dma_start3A_340 : memref<2x80xi32, #tpu.memory_space<hbm>>) target(%arg13 : memref<2x80xi32, #tpu.memory_space<vmem>>) target_semaphore(%arg26 : memref<!tpu.dma_semaphore, #tpu.memory_space<semaphore_mem>>)
      } else {
      }
      %add3A_164 = arith.constant 1 : i32
      %add3A_165 = arith.addi %add3A_146, %add3A_164 : i32
      %le3A_166 = arith.constant 124 : i32
      %le3A_167 = arith.cmpi sle, %add3A_165, %le3A_166 : i32
      %convert_element_type3A_168 = arith.extui %le3A_167 : i1 to i32
      %cond3A_169 = arith.constant 0 : i32
      %cond3A_170 = arith.cmpi ne, %convert_element_type3A_168, %cond3A_169 : i32
      scf.if %cond3A_170 {
        %add3A_331 = arith.constant 1 : i32
        %add3A_332 = arith.addi %add3A_146, %add3A_331 : i32
        %dma_wait3A_333 = arith.constant 0 : i32
        %dma_wait3A_334 = arith.constant 0 : i32
        %dma_wait3A_335 = tpu.memref_slice %arg3[%add3A, %add3A_332, %dma_wait3A_333, %dma_wait3A_334] : memref<32x125x2x80xi32, #tpu.memory_space<hbm>> -> memref<1x1x2x80xi32, #tpu.memory_space<hbm>>
        %dma_wait3A_336 = tpu.memref_squeeze %dma_wait3A_335 : memref<1x1x2x80xi32, #tpu.memory_space<hbm>> -> memref<2x80xi32, #tpu.memory_space<hbm>>
        %dma_wait3A_337 = arith.constant 0 : i32
        %dma_wait3A_338 = arith.constant 0 : i32
        %dma_wait3A_339 = tpu.memref_slice %arg3[%add3A, %add3A_332, %dma_wait3A_337, %dma_wait3A_338] : memref<32x125x2x80xi32, #tpu.memory_space<hbm>> -> memref<1x1x2x80xi32, #tpu.memory_space<hbm>>
        %dma_wait3A_340 = tpu.memref_squeeze %dma_wait3A_339 : memref<1x1x2x80xi32, #tpu.memory_space<hbm>> -> memref<2x80xi32, #tpu.memory_space<hbm>>
        tpu.wait_dma2 semaphore(%arg22 : memref<!tpu.dma_semaphore, #tpu.memory_space<semaphore_mem>>) src(%dma_wait3A_340 : memref<2x80xi32, #tpu.memory_space<hbm>>) dst(%arg9 : memref<2x80xi32, #tpu.memory_space<vmem>>)
        %dma_start3A_341 = arith.constant 0 : i32
        %dma_start3A_342 = arith.constant 0 : i32
        %dma_start3A_343 = tpu.memref_slice %arg9[%dma_start3A_341, %dma_start3A_342] : memref<2x80xi32, #tpu.memory_space<vmem>> -> memref<1x80xi32, #tpu.memory_space<vmem>>
        %dma_start3A_344 = tpu.memref_squeeze %dma_start3A_343 : memref<1x80xi32, #tpu.memory_space<vmem>> -> memref<80xi32, #tpu.memory_space<vmem>>
        %dma_start3A_345 = arith.constant 0 : i32
        %dma_start3A_346 = arith.constant 0 : i32
        %dma_start3A_347 = tpu.memref_slice %arg2[%dma_start3A_345, %dma_start3A_346] : memref<10000x128xf32, #tpu.memory_space<hbm>> -> memref<10000x128xf32, #tpu.memory_space<hbm>>
        tpu.enqueue_indirect_dma source(%dma_start3A_347 : memref<10000x128xf32, #tpu.memory_space<hbm>>) target(%arg17 : memref<80x128xf32, #tpu.memory_space<vmem>>) offsets(%dma_start3A_344 : memref<80xi32, #tpu.memory_space<vmem>>) semaphore(%arg30 : memref<!tpu.dma_semaphore, #tpu.memory_space<semaphore_mem>>)
      } else {
      }
      %le3A_171 = arith.constant 124 : i32
      %le3A_172 = arith.cmpi sle, %add3A_146, %le3A_171 : i32
      %convert_element_type3A_173 = arith.extui %le3A_172 : i1 to i32
      %cond3A_174 = arith.constant 0 : i32
      %cond3A_175 = arith.cmpi ne, %convert_element_type3A_173, %cond3A_174 : i32
      scf.if %cond3A_175 {
        %dma_wait3A_331 = arith.constant 0 : i32
        %dma_wait3A_332 = arith.constant 0 : i32
        %dma_wait3A_333 = tpu.memref_slice %arg8[%dma_wait3A_331, %dma_wait3A_332] : memref<2x80xi32, #tpu.memory_space<vmem>> -> memref<1x80xi32, #tpu.memory_space<vmem>>
        %dma_wait3A_334 = tpu.memref_squeeze %dma_wait3A_333 : memref<1x80xi32, #tpu.memory_space<vmem>> -> memref<80xi32, #tpu.memory_space<vmem>>
        %dma_wait3A_335 = arith.constant 0 : i32
        %dma_wait3A_336 = arith.constant 0 : i32
        %dma_wait3A_337 = tpu.memref_slice %arg2[%dma_wait3A_335, %dma_wait3A_336] : memref<10000x128xf32, #tpu.memory_space<hbm>> -> memref<10000x128xf32, #tpu.memory_space<hbm>>
        tpu.wait_indirect_dma semaphore(%arg29 : memref<!tpu.dma_semaphore, #tpu.memory_space<semaphore_mem>>) src(%dma_wait3A_337 : memref<10000x128xf32, #tpu.memory_space<hbm>>) dst(%arg16 : memref<80x128xf32, #tpu.memory_space<vmem>>)
        %dma_start3A_338 = arith.constant 1 : i32
        %dma_start3A_339 = arith.constant 0 : i32
        %dma_start3A_340 = tpu.memref_slice %arg8[%dma_start3A_338, %dma_start3A_339] : memref<2x80xi32, #tpu.memory_space<vmem>> -> memref<1x80xi32, #tpu.memory_space<vmem>>
        %dma_start3A_341 = tpu.memref_squeeze %dma_start3A_340 : memref<1x80xi32, #tpu.memory_space<vmem>> -> memref<80xi32, #tpu.memory_space<vmem>>
        %dma_start3A_342 = arith.constant 0 : i32
        %dma_start3A_343 = arith.constant 0 : i32
        %dma_start3A_344 = tpu.memref_slice %arg18[%dma_start3A_342, %dma_start3A_343] : memref<10000x128xf32, #tpu.memory_space<vmem_shared>> -> memref<10000x128xf32, #tpu.memory_space<vmem_shared>>
        tpu.enqueue_indirect_dma source(%arg16 : memref<80x128xf32, #tpu.memory_space<vmem>>) target(%dma_start3A_344 : memref<10000x128xf32, #tpu.memory_space<vmem_shared>>) offsets(%dma_start3A_341 : memref<80xi32, #tpu.memory_space<vmem>>) semaphore(%arg33 : memref<!tpu.dma_semaphore, #tpu.memory_space<semaphore_mem>>) {add = true}
      } else {
      }
      %add3A_176 = arith.constant 3 : i32
      %add3A_177 = arith.addi %mul3A_86, %add3A_176 : i32
      %ge3A_178 = arith.constant 3 : i32
      %ge3A_179 = arith.cmpi sge, %add3A_177, %ge3A_178 : i32
      %sub3A_180 = arith.constant 3 : i32
      %sub3A_181 = arith.subi %add3A_177, %sub3A_180 : i32
      %le3A_182 = arith.constant 124 : i32
      %le3A_183 = arith.cmpi sle, %sub3A_181, %le3A_182 : i32
      %and3A_184 = arith.andi %ge3A_179, %le3A_183 : i1
      %convert_element_type3A_185 = arith.extui %and3A_184 : i1 to i32
      %cond3A_186 = arith.constant 0 : i32
      %cond3A_187 = arith.cmpi ne, %convert_element_type3A_185, %cond3A_186 : i32
      scf.if %cond3A_187 {
        %dma_wait3A_331 = arith.constant 1 : i32
        %dma_wait3A_332 = arith.constant 0 : i32
        %dma_wait3A_333 = tpu.memref_slice %arg6[%dma_wait3A_331, %dma_wait3A_332] : memref<2x80xi32, #tpu.memory_space<vmem>> -> memref<1x80xi32, #tpu.memory_space<vmem>>
        %dma_wait3A_334 = tpu.memref_squeeze %dma_wait3A_333 : memref<1x80xi32, #tpu.memory_space<vmem>> -> memref<80xi32, #tpu.memory_space<vmem>>
        %dma_wait3A_335 = arith.constant 0 : i32
        %dma_wait3A_336 = arith.constant 0 : i32
        %dma_wait3A_337 = tpu.memref_slice %arg18[%dma_wait3A_335, %dma_wait3A_336] : memref<10000x128xf32, #tpu.memory_space<vmem_shared>> -> memref<10000x128xf32, #tpu.memory_space<vmem_shared>>
        tpu.wait_indirect_dma semaphore(%arg31 : memref<!tpu.dma_semaphore, #tpu.memory_space<semaphore_mem>>) src(%arg14 : memref<80x128xf32, #tpu.memory_space<vmem>>) dst(%dma_wait3A_337 : memref<10000x128xf32, #tpu.memory_space<vmem_shared>>)
      } else {
      }
      %add3A_188 = arith.constant 5 : i32
      %add3A_189 = arith.addi %add3A_177, %add3A_188 : i32
      %le3A_190 = arith.constant 124 : i32
      %le3A_191 = arith.cmpi sle, %add3A_189, %le3A_190 : i32
      %convert_element_type3A_192 = arith.extui %le3A_191 : i1 to i32
      %cond3A_193 = arith.constant 0 : i32
      %cond3A_194 = arith.cmpi ne, %convert_element_type3A_192, %cond3A_193 : i32
      scf.if %cond3A_194 {
        %add3A_331 = arith.constant 5 : i32
        %add3A_332 = arith.addi %add3A_177, %add3A_331 : i32
        %dma_start3A_333 = arith.constant 0 : i32
        %dma_start3A_334 = arith.constant 0 : i32
        %dma_start3A_335 = tpu.memref_slice %arg3[%add3A, %add3A_332, %dma_start3A_333, %dma_start3A_334] : memref<32x125x2x80xi32, #tpu.memory_space<hbm>> -> memref<1x1x2x80xi32, #tpu.memory_space<hbm>>
        %dma_start3A_336 = tpu.memref_squeeze %dma_start3A_335 : memref<1x1x2x80xi32, #tpu.memory_space<hbm>> -> memref<2x80xi32, #tpu.memory_space<hbm>>
        %dma_start3A_337 = arith.constant 0 : i32
        %dma_start3A_338 = arith.constant 0 : i32
        %dma_start3A_339 = tpu.memref_slice %arg3[%add3A, %add3A_332, %dma_start3A_337, %dma_start3A_338] : memref<32x125x2x80xi32, #tpu.memory_space<hbm>> -> memref<1x1x2x80xi32, #tpu.memory_space<hbm>>
        %dma_start3A_340 = tpu.memref_squeeze %dma_start3A_339 : memref<1x1x2x80xi32, #tpu.memory_space<hbm>> -> memref<2x80xi32, #tpu.memory_space<hbm>>
        tpu.enqueue_dma source(%dma_start3A_340 : memref<2x80xi32, #tpu.memory_space<hbm>>) target(%arg6 : memref<2x80xi32, #tpu.memory_space<vmem>>) target_semaphore(%arg19 : memref<!tpu.dma_semaphore, #tpu.memory_space<semaphore_mem>>)
      } else {
      }
      %add3A_195 = arith.constant 1 : i32
      %add3A_196 = arith.addi %add3A_177, %add3A_195 : i32
      %le3A_197 = arith.constant 124 : i32
      %le3A_198 = arith.cmpi sle, %add3A_196, %le3A_197 : i32
      %convert_element_type3A_199 = arith.extui %le3A_198 : i1 to i32
      %cond3A_200 = arith.constant 0 : i32
      %cond3A_201 = arith.cmpi ne, %convert_element_type3A_199, %cond3A_200 : i32
      scf.if %cond3A_201 {
        %add3A_331 = arith.constant 1 : i32
        %add3A_332 = arith.addi %add3A_177, %add3A_331 : i32
        %dma_wait3A_333 = arith.constant 0 : i32
        %dma_wait3A_334 = arith.constant 0 : i32
        %dma_wait3A_335 = tpu.memref_slice %arg3[%add3A, %add3A_332, %dma_wait3A_333, %dma_wait3A_334] : memref<32x125x2x80xi32, #tpu.memory_space<hbm>> -> memref<1x1x2x80xi32, #tpu.memory_space<hbm>>
        %dma_wait3A_336 = tpu.memref_squeeze %dma_wait3A_335 : memref<1x1x2x80xi32, #tpu.memory_space<hbm>> -> memref<2x80xi32, #tpu.memory_space<hbm>>
        %dma_wait3A_337 = arith.constant 0 : i32
        %dma_wait3A_338 = arith.constant 0 : i32
        %dma_wait3A_339 = tpu.memref_slice %arg3[%add3A, %add3A_332, %dma_wait3A_337, %dma_wait3A_338] : memref<32x125x2x80xi32, #tpu.memory_space<hbm>> -> memref<1x1x2x80xi32, #tpu.memory_space<hbm>>
        %dma_wait3A_340 = tpu.memref_squeeze %dma_wait3A_339 : memref<1x1x2x80xi32, #tpu.memory_space<hbm>> -> memref<2x80xi32, #tpu.memory_space<hbm>>
        tpu.wait_dma2 semaphore(%arg23 : memref<!tpu.dma_semaphore, #tpu.memory_space<semaphore_mem>>) src(%dma_wait3A_340 : memref<2x80xi32, #tpu.memory_space<hbm>>) dst(%arg10 : memref<2x80xi32, #tpu.memory_space<vmem>>)
        %dma_start3A_341 = arith.constant 0 : i32
        %dma_start3A_342 = arith.constant 0 : i32
        %dma_start3A_343 = tpu.memref_slice %arg10[%dma_start3A_341, %dma_start3A_342] : memref<2x80xi32, #tpu.memory_space<vmem>> -> memref<1x80xi32, #tpu.memory_space<vmem>>
        %dma_start3A_344 = tpu.memref_squeeze %dma_start3A_343 : memref<1x80xi32, #tpu.memory_space<vmem>> -> memref<80xi32, #tpu.memory_space<vmem>>
        %dma_start3A_345 = arith.constant 0 : i32
        %dma_start3A_346 = arith.constant 0 : i32
        %dma_start3A_347 = tpu.memref_slice %arg2[%dma_start3A_345, %dma_start3A_346] : memref<10000x128xf32, #tpu.memory_space<hbm>> -> memref<10000x128xf32, #tpu.memory_space<hbm>>
        tpu.enqueue_indirect_dma source(%dma_start3A_347 : memref<10000x128xf32, #tpu.memory_space<hbm>>) target(%arg14 : memref<80x128xf32, #tpu.memory_space<vmem>>) offsets(%dma_start3A_344 : memref<80xi32, #tpu.memory_space<vmem>>) semaphore(%arg27 : memref<!tpu.dma_semaphore, #tpu.memory_space<semaphore_mem>>)
      } else {
      }
      %le3A_202 = arith.constant 124 : i32
      %le3A_203 = arith.cmpi sle, %add3A_177, %le3A_202 : i32
      %convert_element_type3A_204 = arith.extui %le3A_203 : i1 to i32
      %cond3A_205 = arith.constant 0 : i32
      %cond3A_206 = arith.cmpi ne, %convert_element_type3A_204, %cond3A_205 : i32
      scf.if %cond3A_206 {
        %dma_wait3A_331 = arith.constant 0 : i32
        %dma_wait3A_332 = arith.constant 0 : i32
        %dma_wait3A_333 = tpu.memref_slice %arg9[%dma_wait3A_331, %dma_wait3A_332] : memref<2x80xi32, #tpu.memory_space<vmem>> -> memref<1x80xi32, #tpu.memory_space<vmem>>
        %dma_wait3A_334 = tpu.memref_squeeze %dma_wait3A_333 : memref<1x80xi32, #tpu.memory_space<vmem>> -> memref<80xi32, #tpu.memory_space<vmem>>
        %dma_wait3A_335 = arith.constant 0 : i32
        %dma_wait3A_336 = arith.constant 0 : i32
        %dma_wait3A_337 = tpu.memref_slice %arg2[%dma_wait3A_335, %dma_wait3A_336] : memref<10000x128xf32, #tpu.memory_space<hbm>> -> memref<10000x128xf32, #tpu.memory_space<hbm>>
        tpu.wait_indirect_dma semaphore(%arg30 : memref<!tpu.dma_semaphore, #tpu.memory_space<semaphore_mem>>) src(%dma_wait3A_337 : memref<10000x128xf32, #tpu.memory_space<hbm>>) dst(%arg17 : memref<80x128xf32, #tpu.memory_space<vmem>>)
        %dma_start3A_338 = arith.constant 1 : i32
        %dma_start3A_339 = arith.constant 0 : i32
        %dma_start3A_340 = tpu.memref_slice %arg9[%dma_start3A_338, %dma_start3A_339] : memref<2x80xi32, #tpu.memory_space<vmem>> -> memref<1x80xi32, #tpu.memory_space<vmem>>
        %dma_start3A_341 = tpu.memref_squeeze %dma_start3A_340 : memref<1x80xi32, #tpu.memory_space<vmem>> -> memref<80xi32, #tpu.memory_space<vmem>>
        %dma_start3A_342 = arith.constant 0 : i32
        %dma_start3A_343 = arith.constant 0 : i32
        %dma_start3A_344 = tpu.memref_slice %arg18[%dma_start3A_342, %dma_start3A_343] : memref<10000x128xf32, #tpu.memory_space<vmem_shared>> -> memref<10000x128xf32, #tpu.memory_space<vmem_shared>>
        tpu.enqueue_indirect_dma source(%arg17 : memref<80x128xf32, #tpu.memory_space<vmem>>) target(%dma_start3A_344 : memref<10000x128xf32, #tpu.memory_space<vmem_shared>>) offsets(%dma_start3A_341 : memref<80xi32, #tpu.memory_space<vmem>>) semaphore(%arg34 : memref<!tpu.dma_semaphore, #tpu.memory_space<semaphore_mem>>) {add = true}
      } else {
      }
      %add3A_207 = arith.constant 4 : i32
      %add3A_208 = arith.addi %mul3A_86, %add3A_207 : i32
      %ge3A_209 = arith.constant 3 : i32
      %ge3A_210 = arith.cmpi sge, %add3A_208, %ge3A_209 : i32
      %sub3A_211 = arith.constant 3 : i32
      %sub3A_212 = arith.subi %add3A_208, %sub3A_211 : i32
      %le3A_213 = arith.constant 124 : i32
      %le3A_214 = arith.cmpi sle, %sub3A_212, %le3A_213 : i32
      %and3A_215 = arith.andi %ge3A_210, %le3A_214 : i1
      %convert_element_type3A_216 = arith.extui %and3A_215 : i1 to i32
      %cond3A_217 = arith.constant 0 : i32
      %cond3A_218 = arith.cmpi ne, %convert_element_type3A_216, %cond3A_217 : i32
      scf.if %cond3A_218 {
        %dma_wait3A_331 = arith.constant 1 : i32
        %dma_wait3A_332 = arith.constant 0 : i32
        %dma_wait3A_333 = tpu.memref_slice %arg7[%dma_wait3A_331, %dma_wait3A_332] : memref<2x80xi32, #tpu.memory_space<vmem>> -> memref<1x80xi32, #tpu.memory_space<vmem>>
        %dma_wait3A_334 = tpu.memref_squeeze %dma_wait3A_333 : memref<1x80xi32, #tpu.memory_space<vmem>> -> memref<80xi32, #tpu.memory_space<vmem>>
        %dma_wait3A_335 = arith.constant 0 : i32
        %dma_wait3A_336 = arith.constant 0 : i32
        %dma_wait3A_337 = tpu.memref_slice %arg18[%dma_wait3A_335, %dma_wait3A_336] : memref<10000x128xf32, #tpu.memory_space<vmem_shared>> -> memref<10000x128xf32, #tpu.memory_space<vmem_shared>>
        tpu.wait_indirect_dma semaphore(%arg32 : memref<!tpu.dma_semaphore, #tpu.memory_space<semaphore_mem>>) src(%arg15 : memref<80x128xf32, #tpu.memory_space<vmem>>) dst(%dma_wait3A_337 : memref<10000x128xf32, #tpu.memory_space<vmem_shared>>)
      } else {
      }
      %add3A_219 = arith.constant 5 : i32
      %add3A_220 = arith.addi %add3A_208, %add3A_219 : i32
      %le3A_221 = arith.constant 124 : i32
      %le3A_222 = arith.cmpi sle, %add3A_220, %le3A_221 : i32
      %convert_element_type3A_223 = arith.extui %le3A_222 : i1 to i32
      %cond3A_224 = arith.constant 0 : i32
      %cond3A_225 = arith.cmpi ne, %convert_element_type3A_223, %cond3A_224 : i32
      scf.if %cond3A_225 {
        %add3A_331 = arith.constant 5 : i32
        %add3A_332 = arith.addi %add3A_208, %add3A_331 : i32
        %dma_start3A_333 = arith.constant 0 : i32
        %dma_start3A_334 = arith.constant 0 : i32
        %dma_start3A_335 = tpu.memref_slice %arg3[%add3A, %add3A_332, %dma_start3A_333, %dma_start3A_334] : memref<32x125x2x80xi32, #tpu.memory_space<hbm>> -> memref<1x1x2x80xi32, #tpu.memory_space<hbm>>
        %dma_start3A_336 = tpu.memref_squeeze %dma_start3A_335 : memref<1x1x2x80xi32, #tpu.memory_space<hbm>> -> memref<2x80xi32, #tpu.memory_space<hbm>>
        %dma_start3A_337 = arith.constant 0 : i32
        %dma_start3A_338 = arith.constant 0 : i32
        %dma_start3A_339 = tpu.memref_slice %arg3[%add3A, %add3A_332, %dma_start3A_337, %dma_start3A_338] : memref<32x125x2x80xi32, #tpu.memory_space<hbm>> -> memref<1x1x2x80xi32, #tpu.memory_space<hbm>>
        %dma_start3A_340 = tpu.memref_squeeze %dma_start3A_339 : memref<1x1x2x80xi32, #tpu.memory_space<hbm>> -> memref<2x80xi32, #tpu.memory_space<hbm>>
        tpu.enqueue_dma source(%dma_start3A_340 : memref<2x80xi32, #tpu.memory_space<hbm>>) target(%arg7 : memref<2x80xi32, #tpu.memory_space<vmem>>) target_semaphore(%arg20 : memref<!tpu.dma_semaphore, #tpu.memory_space<semaphore_mem>>)
      } else {
      }
      %add3A_226 = arith.constant 1 : i32
      %add3A_227 = arith.addi %add3A_208, %add3A_226 : i32
      %le3A_228 = arith.constant 124 : i32
      %le3A_229 = arith.cmpi sle, %add3A_227, %le3A_228 : i32
      %convert_element_type3A_230 = arith.extui %le3A_229 : i1 to i32
      %cond3A_231 = arith.constant 0 : i32
      %cond3A_232 = arith.cmpi ne, %convert_element_type3A_230, %cond3A_231 : i32
      scf.if %cond3A_232 {
        %add3A_331 = arith.constant 1 : i32
        %add3A_332 = arith.addi %add3A_208, %add3A_331 : i32
        %dma_wait3A_333 = arith.constant 0 : i32
        %dma_wait3A_334 = arith.constant 0 : i32
        %dma_wait3A_335 = tpu.memref_slice %arg3[%add3A, %add3A_332, %dma_wait3A_333, %dma_wait3A_334] : memref<32x125x2x80xi32, #tpu.memory_space<hbm>> -> memref<1x1x2x80xi32, #tpu.memory_space<hbm>>
        %dma_wait3A_336 = tpu.memref_squeeze %dma_wait3A_335 : memref<1x1x2x80xi32, #tpu.memory_space<hbm>> -> memref<2x80xi32, #tpu.memory_space<hbm>>
        %dma_wait3A_337 = arith.constant 0 : i32
        %dma_wait3A_338 = arith.constant 0 : i32
        %dma_wait3A_339 = tpu.memref_slice %arg3[%add3A, %add3A_332, %dma_wait3A_337, %dma_wait3A_338] : memref<32x125x2x80xi32, #tpu.memory_space<hbm>> -> memref<1x1x2x80xi32, #tpu.memory_space<hbm>>
        %dma_wait3A_340 = tpu.memref_squeeze %dma_wait3A_339 : memref<1x1x2x80xi32, #tpu.memory_space<hbm>> -> memref<2x80xi32, #tpu.memory_space<hbm>>
        tpu.wait_dma2 semaphore(%arg24 : memref<!tpu.dma_semaphore, #tpu.memory_space<semaphore_mem>>) src(%dma_wait3A_340 : memref<2x80xi32, #tpu.memory_space<hbm>>) dst(%arg11 : memref<2x80xi32, #tpu.memory_space<vmem>>)
        %dma_start3A_341 = arith.constant 0 : i32
        %dma_start3A_342 = arith.constant 0 : i32
        %dma_start3A_343 = tpu.memref_slice %arg11[%dma_start3A_341, %dma_start3A_342] : memref<2x80xi32, #tpu.memory_space<vmem>> -> memref<1x80xi32, #tpu.memory_space<vmem>>
        %dma_start3A_344 = tpu.memref_squeeze %dma_start3A_343 : memref<1x80xi32, #tpu.memory_space<vmem>> -> memref<80xi32, #tpu.memory_space<vmem>>
        %dma_start3A_345 = arith.constant 0 : i32
        %dma_start3A_346 = arith.constant 0 : i32
        %dma_start3A_347 = tpu.memref_slice %arg2[%dma_start3A_345, %dma_start3A_346] : memref<10000x128xf32, #tpu.memory_space<hbm>> -> memref<10000x128xf32, #tpu.memory_space<hbm>>
        tpu.enqueue_indirect_dma source(%dma_start3A_347 : memref<10000x128xf32, #tpu.memory_space<hbm>>) target(%arg15 : memref<80x128xf32, #tpu.memory_space<vmem>>) offsets(%dma_start3A_344 : memref<80xi32, #tpu.memory_space<vmem>>) semaphore(%arg28 : memref<!tpu.dma_semaphore, #tpu.memory_space<semaphore_mem>>)
      } else {
      }
      %le3A_233 = arith.constant 124 : i32
      %le3A_234 = arith.cmpi sle, %add3A_208, %le3A_233 : i32
      %convert_element_type3A_235 = arith.extui %le3A_234 : i1 to i32
      %cond3A_236 = arith.constant 0 : i32
      %cond3A_237 = arith.cmpi ne, %convert_element_type3A_235, %cond3A_236 : i32
      scf.if %cond3A_237 {
        %dma_wait3A_331 = arith.constant 0 : i32
        %dma_wait3A_332 = arith.constant 0 : i32
        %dma_wait3A_333 = tpu.memref_slice %arg10[%dma_wait3A_331, %dma_wait3A_332] : memref<2x80xi32, #tpu.memory_space<vmem>> -> memref<1x80xi32, #tpu.memory_space<vmem>>
        %dma_wait3A_334 = tpu.memref_squeeze %dma_wait3A_333 : memref<1x80xi32, #tpu.memory_space<vmem>> -> memref<80xi32, #tpu.memory_space<vmem>>
        %dma_wait3A_335 = arith.constant 0 : i32
        %dma_wait3A_336 = arith.constant 0 : i32
        %dma_wait3A_337 = tpu.memref_slice %arg2[%dma_wait3A_335, %dma_wait3A_336] : memref<10000x128xf32, #tpu.memory_space<hbm>> -> memref<10000x128xf32, #tpu.memory_space<hbm>>
        tpu.wait_indirect_dma semaphore(%arg27 : memref<!tpu.dma_semaphore, #tpu.memory_space<semaphore_mem>>) src(%dma_wait3A_337 : memref<10000x128xf32, #tpu.memory_space<hbm>>) dst(%arg14 : memref<80x128xf32, #tpu.memory_space<vmem>>)
        %dma_start3A_338 = arith.constant 1 : i32
        %dma_start3A_339 = arith.constant 0 : i32
        %dma_start3A_340 = tpu.memref_slice %arg10[%dma_start3A_338, %dma_start3A_339] : memref<2x80xi32, #tpu.memory_space<vmem>> -> memref<1x80xi32, #tpu.memory_space<vmem>>
        %dma_start3A_341 = tpu.memref_squeeze %dma_start3A_340 : memref<1x80xi32, #tpu.memory_space<vmem>> -> memref<80xi32, #tpu.memory_space<vmem>>
        %dma_start3A_342 = arith.constant 0 : i32
        %dma_start3A_343 = arith.constant 0 : i32
        %dma_start3A_344 = tpu.memref_slice %arg18[%dma_start3A_342, %dma_start3A_343] : memref<10000x128xf32, #tpu.memory_space<vmem_shared>> -> memref<10000x128xf32, #tpu.memory_space<vmem_shared>>
        tpu.enqueue_indirect_dma source(%arg14 : memref<80x128xf32, #tpu.memory_space<vmem>>) target(%dma_start3A_344 : memref<10000x128xf32, #tpu.memory_space<vmem_shared>>) offsets(%dma_start3A_341 : memref<80xi32, #tpu.memory_space<vmem>>) semaphore(%arg31 : memref<!tpu.dma_semaphore, #tpu.memory_space<semaphore_mem>>) {add = true}
      } else {
      }
      %add3A_238 = arith.constant 5 : i32
      %add3A_239 = arith.addi %mul3A_86, %add3A_238 : i32
      %ge3A_240 = arith.constant 3 : i32
      %ge3A_241 = arith.cmpi sge, %add3A_239, %ge3A_240 : i32
      %sub3A_242 = arith.constant 3 : i32
      %sub3A_243 = arith.subi %add3A_239, %sub3A_242 : i32
      %le3A_244 = arith.constant 124 : i32
      %le3A_245 = arith.cmpi sle, %sub3A_243, %le3A_244 : i32
      %and3A_246 = arith.andi %ge3A_241, %le3A_245 : i1
      %convert_element_type3A_247 = arith.extui %and3A_246 : i1 to i32
      %cond3A_248 = arith.constant 0 : i32
      %cond3A_249 = arith.cmpi ne, %convert_element_type3A_247, %cond3A_248 : i32
      scf.if %cond3A_249 {
        %dma_wait3A_331 = arith.constant 1 : i32
        %dma_wait3A_332 = arith.constant 0 : i32
        %dma_wait3A_333 = tpu.memref_slice %arg8[%dma_wait3A_331, %dma_wait3A_332] : memref<2x80xi32, #tpu.memory_space<vmem>> -> memref<1x80xi32, #tpu.memory_space<vmem>>
        %dma_wait3A_334 = tpu.memref_squeeze %dma_wait3A_333 : memref<1x80xi32, #tpu.memory_space<vmem>> -> memref<80xi32, #tpu.memory_space<vmem>>
        %dma_wait3A_335 = arith.constant 0 : i32
        %dma_wait3A_336 = arith.constant 0 : i32
        %dma_wait3A_337 = tpu.memref_slice %arg18[%dma_wait3A_335, %dma_wait3A_336] : memref<10000x128xf32, #tpu.memory_space<vmem_shared>> -> memref<10000x128xf32, #tpu.memory_space<vmem_shared>>
        tpu.wait_indirect_dma semaphore(%arg33 : memref<!tpu.dma_semaphore, #tpu.memory_space<semaphore_mem>>) src(%arg16 : memref<80x128xf32, #tpu.memory_space<vmem>>) dst(%dma_wait3A_337 : memref<10000x128xf32, #tpu.memory_space<vmem_shared>>)
      } else {
      }
      %add3A_250 = arith.constant 5 : i32
      %add3A_251 = arith.addi %add3A_239, %add3A_250 : i32
      %le3A_252 = arith.constant 124 : i32
      %le3A_253 = arith.cmpi sle, %add3A_251, %le3A_252 : i32
      %convert_element_type3A_254 = arith.extui %le3A_253 : i1 to i32
      %cond3A_255 = arith.constant 0 : i32
      %cond3A_256 = arith.cmpi ne, %convert_element_type3A_254, %cond3A_255 : i32
      scf.if %cond3A_256 {
        %add3A_331 = arith.constant 5 : i32
        %add3A_332 = arith.addi %add3A_239, %add3A_331 : i32
        %dma_start3A_333 = arith.constant 0 : i32
        %dma_start3A_334 = arith.constant 0 : i32
        %dma_start3A_335 = tpu.memref_slice %arg3[%add3A, %add3A_332, %dma_start3A_333, %dma_start3A_334] : memref<32x125x2x80xi32, #tpu.memory_space<hbm>> -> memref<1x1x2x80xi32, #tpu.memory_space<hbm>>
        %dma_start3A_336 = tpu.memref_squeeze %dma_start3A_335 : memref<1x1x2x80xi32, #tpu.memory_space<hbm>> -> memref<2x80xi32, #tpu.memory_space<hbm>>
        %dma_start3A_337 = arith.constant 0 : i32
        %dma_start3A_338 = arith.constant 0 : i32
        %dma_start3A_339 = tpu.memref_slice %arg3[%add3A, %add3A_332, %dma_start3A_337, %dma_start3A_338] : memref<32x125x2x80xi32, #tpu.memory_space<hbm>> -> memref<1x1x2x80xi32, #tpu.memory_space<hbm>>
        %dma_start3A_340 = tpu.memref_squeeze %dma_start3A_339 : memref<1x1x2x80xi32, #tpu.memory_space<hbm>> -> memref<2x80xi32, #tpu.memory_space<hbm>>
        tpu.enqueue_dma source(%dma_start3A_340 : memref<2x80xi32, #tpu.memory_space<hbm>>) target(%arg8 : memref<2x80xi32, #tpu.memory_space<vmem>>) target_semaphore(%arg21 : memref<!tpu.dma_semaphore, #tpu.memory_space<semaphore_mem>>)
      } else {
      }
      %add3A_257 = arith.constant 1 : i32
      %add3A_258 = arith.addi %add3A_239, %add3A_257 : i32
      %le3A_259 = arith.constant 124 : i32
      %le3A_260 = arith.cmpi sle, %add3A_258, %le3A_259 : i32
      %convert_element_type3A_261 = arith.extui %le3A_260 : i1 to i32
      %cond3A_262 = arith.constant 0 : i32
      %cond3A_263 = arith.cmpi ne, %convert_element_type3A_261, %cond3A_262 : i32
      scf.if %cond3A_263 {
        %add3A_331 = arith.constant 1 : i32
        %add3A_332 = arith.addi %add3A_239, %add3A_331 : i32
        %dma_wait3A_333 = arith.constant 0 : i32
        %dma_wait3A_334 = arith.constant 0 : i32
        %dma_wait3A_335 = tpu.memref_slice %arg3[%add3A, %add3A_332, %dma_wait3A_333, %dma_wait3A_334] : memref<32x125x2x80xi32, #tpu.memory_space<hbm>> -> memref<1x1x2x80xi32, #tpu.memory_space<hbm>>
        %dma_wait3A_336 = tpu.memref_squeeze %dma_wait3A_335 : memref<1x1x2x80xi32, #tpu.memory_space<hbm>> -> memref<2x80xi32, #tpu.memory_space<hbm>>
        %dma_wait3A_337 = arith.constant 0 : i32
        %dma_wait3A_338 = arith.constant 0 : i32
        %dma_wait3A_339 = tpu.memref_slice %arg3[%add3A, %add3A_332, %dma_wait3A_337, %dma_wait3A_338] : memref<32x125x2x80xi32, #tpu.memory_space<hbm>> -> memref<1x1x2x80xi32, #tpu.memory_space<hbm>>
        %dma_wait3A_340 = tpu.memref_squeeze %dma_wait3A_339 : memref<1x1x2x80xi32, #tpu.memory_space<hbm>> -> memref<2x80xi32, #tpu.memory_space<hbm>>
        tpu.wait_dma2 semaphore(%arg25 : memref<!tpu.dma_semaphore, #tpu.memory_space<semaphore_mem>>) src(%dma_wait3A_340 : memref<2x80xi32, #tpu.memory_space<hbm>>) dst(%arg12 : memref<2x80xi32, #tpu.memory_space<vmem>>)
        %dma_start3A_341 = arith.constant 0 : i32
        %dma_start3A_342 = arith.constant 0 : i32
        %dma_start3A_343 = tpu.memref_slice %arg12[%dma_start3A_341, %dma_start3A_342] : memref<2x80xi32, #tpu.memory_space<vmem>> -> memref<1x80xi32, #tpu.memory_space<vmem>>
        %dma_start3A_344 = tpu.memref_squeeze %dma_start3A_343 : memref<1x80xi32, #tpu.memory_space<vmem>> -> memref<80xi32, #tpu.memory_space<vmem>>
        %dma_start3A_345 = arith.constant 0 : i32
        %dma_start3A_346 = arith.constant 0 : i32
        %dma_start3A_347 = tpu.memref_slice %arg2[%dma_start3A_345, %dma_start3A_346] : memref<10000x128xf32, #tpu.memory_space<hbm>> -> memref<10000x128xf32, #tpu.memory_space<hbm>>
        tpu.enqueue_indirect_dma source(%dma_start3A_347 : memref<10000x128xf32, #tpu.memory_space<hbm>>) target(%arg16 : memref<80x128xf32, #tpu.memory_space<vmem>>) offsets(%dma_start3A_344 : memref<80xi32, #tpu.memory_space<vmem>>) semaphore(%arg29 : memref<!tpu.dma_semaphore, #tpu.memory_space<semaphore_mem>>)
      } else {
      }
      %le3A_264 = arith.constant 124 : i32
      %le3A_265 = arith.cmpi sle, %add3A_239, %le3A_264 : i32
      %convert_element_type3A_266 = arith.extui %le3A_265 : i1 to i32
      %cond3A_267 = arith.constant 0 : i32
      %cond3A_268 = arith.cmpi ne, %convert_element_type3A_266, %cond3A_267 : i32
      scf.if %cond3A_268 {
        %dma_wait3A_331 = arith.constant 0 : i32
        %dma_wait3A_332 = arith.constant 0 : i32
        %dma_wait3A_333 = tpu.memref_slice %arg11[%dma_wait3A_331, %dma_wait3A_332] : memref<2x80xi32, #tpu.memory_space<vmem>> -> memref<1x80xi32, #tpu.memory_space<vmem>>
        %dma_wait3A_334 = tpu.memref_squeeze %dma_wait3A_333 : memref<1x80xi32, #tpu.memory_space<vmem>> -> memref<80xi32, #tpu.memory_space<vmem>>
        %dma_wait3A_335 = arith.constant 0 : i32
        %dma_wait3A_336 = arith.constant 0 : i32
        %dma_wait3A_337 = tpu.memref_slice %arg2[%dma_wait3A_335, %dma_wait3A_336] : memref<10000x128xf32, #tpu.memory_space<hbm>> -> memref<10000x128xf32, #tpu.memory_space<hbm>>
        tpu.wait_indirect_dma semaphore(%arg28 : memref<!tpu.dma_semaphore, #tpu.memory_space<semaphore_mem>>) src(%dma_wait3A_337 : memref<10000x128xf32, #tpu.memory_space<hbm>>) dst(%arg15 : memref<80x128xf32, #tpu.memory_space<vmem>>)
        %dma_start3A_338 = arith.constant 1 : i32
        %dma_start3A_339 = arith.constant 0 : i32
        %dma_start3A_340 = tpu.memref_slice %arg11[%dma_start3A_338, %dma_start3A_339] : memref<2x80xi32, #tpu.memory_space<vmem>> -> memref<1x80xi32, #tpu.memory_space<vmem>>
        %dma_start3A_341 = tpu.memref_squeeze %dma_start3A_340 : memref<1x80xi32, #tpu.memory_space<vmem>> -> memref<80xi32, #tpu.memory_space<vmem>>
        %dma_start3A_342 = arith.constant 0 : i32
        %dma_start3A_343 = arith.constant 0 : i32
        %dma_start3A_344 = tpu.memref_slice %arg18[%dma_start3A_342, %dma_start3A_343] : memref<10000x128xf32, #tpu.memory_space<vmem_shared>> -> memref<10000x128xf32, #tpu.memory_space<vmem_shared>>
        tpu.enqueue_indirect_dma source(%arg15 : memref<80x128xf32, #tpu.memory_space<vmem>>) target(%dma_start3A_344 : memref<10000x128xf32, #tpu.memory_space<vmem_shared>>) offsets(%dma_start3A_341 : memref<80xi32, #tpu.memory_space<vmem>>) semaphore(%arg32 : memref<!tpu.dma_semaphore, #tpu.memory_space<semaphore_mem>>) {add = true}
      } else {
      }
      %add3A_269 = arith.constant 6 : i32
      %add3A_270 = arith.addi %mul3A_86, %add3A_269 : i32
      %ge3A_271 = arith.constant 3 : i32
      %ge3A_272 = arith.cmpi sge, %add3A_270, %ge3A_271 : i32
      %sub3A_273 = arith.constant 3 : i32
      %sub3A_274 = arith.subi %add3A_270, %sub3A_273 : i32
      %le3A_275 = arith.constant 124 : i32
      %le3A_276 = arith.cmpi sle, %sub3A_274, %le3A_275 : i32
      %and3A_277 = arith.andi %ge3A_272, %le3A_276 : i1
      %convert_element_type3A_278 = arith.extui %and3A_277 : i1 to i32
      %cond3A_279 = arith.constant 0 : i32
      %cond3A_280 = arith.cmpi ne, %convert_element_type3A_278, %cond3A_279 : i32
      scf.if %cond3A_280 {
        %dma_wait3A_331 = arith.constant 1 : i32
        %dma_wait3A_332 = arith.constant 0 : i32
        %dma_wait3A_333 = tpu.memref_slice %arg9[%dma_wait3A_331, %dma_wait3A_332] : memref<2x80xi32, #tpu.memory_space<vmem>> -> memref<1x80xi32, #tpu.memory_space<vmem>>
        %dma_wait3A_334 = tpu.memref_squeeze %dma_wait3A_333 : memref<1x80xi32, #tpu.memory_space<vmem>> -> memref<80xi32, #tpu.memory_space<vmem>>
        %dma_wait3A_335 = arith.constant 0 : i32
        %dma_wait3A_336 = arith.constant 0 : i32
        %dma_wait3A_337 = tpu.memref_slice %arg18[%dma_wait3A_335, %dma_wait3A_336] : memref<10000x128xf32, #tpu.memory_space<vmem_shared>> -> memref<10000x128xf32, #tpu.memory_space<vmem_shared>>
        tpu.wait_indirect_dma semaphore(%arg34 : memref<!tpu.dma_semaphore, #tpu.memory_space<semaphore_mem>>) src(%arg17 : memref<80x128xf32, #tpu.memory_space<vmem>>) dst(%dma_wait3A_337 : memref<10000x128xf32, #tpu.memory_space<vmem_shared>>)
      } else {
      }
      %add3A_281 = arith.constant 5 : i32
      %add3A_282 = arith.addi %add3A_270, %add3A_281 : i32
      %le3A_283 = arith.constant 124 : i32
      %le3A_284 = arith.cmpi sle, %add3A_282, %le3A_283 : i32
      %convert_element_type3A_285 = arith.extui %le3A_284 : i1 to i32
      %cond3A_286 = arith.constant 0 : i32
      %cond3A_287 = arith.cmpi ne, %convert_element_type3A_285, %cond3A_286 : i32
      scf.if %cond3A_287 {
        %add3A_331 = arith.constant 5 : i32
        %add3A_332 = arith.addi %add3A_270, %add3A_331 : i32
        %dma_start3A_333 = arith.constant 0 : i32
        %dma_start3A_334 = arith.constant 0 : i32
        %dma_start3A_335 = tpu.memref_slice %arg3[%add3A, %add3A_332, %dma_start3A_333, %dma_start3A_334] : memref<32x125x2x80xi32, #tpu.memory_space<hbm>> -> memref<1x1x2x80xi32, #tpu.memory_space<hbm>>
        %dma_start3A_336 = tpu.memref_squeeze %dma_start3A_335 : memref<1x1x2x80xi32, #tpu.memory_space<hbm>> -> memref<2x80xi32, #tpu.memory_space<hbm>>
        %dma_start3A_337 = arith.constant 0 : i32
        %dma_start3A_338 = arith.constant 0 : i32
        %dma_start3A_339 = tpu.memref_slice %arg3[%add3A, %add3A_332, %dma_start3A_337, %dma_start3A_338] : memref<32x125x2x80xi32, #tpu.memory_space<hbm>> -> memref<1x1x2x80xi32, #tpu.memory_space<hbm>>
        %dma_start3A_340 = tpu.memref_squeeze %dma_start3A_339 : memref<1x1x2x80xi32, #tpu.memory_space<hbm>> -> memref<2x80xi32, #tpu.memory_space<hbm>>
        tpu.enqueue_dma source(%dma_start3A_340 : memref<2x80xi32, #tpu.memory_space<hbm>>) target(%arg9 : memref<2x80xi32, #tpu.memory_space<vmem>>) target_semaphore(%arg22 : memref<!tpu.dma_semaphore, #tpu.memory_space<semaphore_mem>>)
      } else {
      }
      %add3A_288 = arith.constant 1 : i32
      %add3A_289 = arith.addi %add3A_270, %add3A_288 : i32
      %le3A_290 = arith.constant 124 : i32
      %le3A_291 = arith.cmpi sle, %add3A_289, %le3A_290 : i32
      %convert_element_type3A_292 = arith.extui %le3A_291 : i1 to i32
      %cond3A_293 = arith.constant 0 : i32
      %cond3A_294 = arith.cmpi ne, %convert_element_type3A_292, %cond3A_293 : i32
      scf.if %cond3A_294 {
        %add3A_331 = arith.constant 1 : i32
        %add3A_332 = arith.addi %add3A_270, %add3A_331 : i32
        %dma_wait3A_333 = arith.constant 0 : i32
        %dma_wait3A_334 = arith.constant 0 : i32
        %dma_wait3A_335 = tpu.memref_slice %arg3[%add3A, %add3A_332, %dma_wait3A_333, %dma_wait3A_334] : memref<32x125x2x80xi32, #tpu.memory_space<hbm>> -> memref<1x1x2x80xi32, #tpu.memory_space<hbm>>
        %dma_wait3A_336 = tpu.memref_squeeze %dma_wait3A_335 : memref<1x1x2x80xi32, #tpu.memory_space<hbm>> -> memref<2x80xi32, #tpu.memory_space<hbm>>
        %dma_wait3A_337 = arith.constant 0 : i32
        %dma_wait3A_338 = arith.constant 0 : i32
        %dma_wait3A_339 = tpu.memref_slice %arg3[%add3A, %add3A_332, %dma_wait3A_337, %dma_wait3A_338] : memref<32x125x2x80xi32, #tpu.memory_space<hbm>> -> memref<1x1x2x80xi32, #tpu.memory_space<hbm>>
        %dma_wait3A_340 = tpu.memref_squeeze %dma_wait3A_339 : memref<1x1x2x80xi32, #tpu.memory_space<hbm>> -> memref<2x80xi32, #tpu.memory_space<hbm>>
        tpu.wait_dma2 semaphore(%arg26 : memref<!tpu.dma_semaphore, #tpu.memory_space<semaphore_mem>>) src(%dma_wait3A_340 : memref<2x80xi32, #tpu.memory_space<hbm>>) dst(%arg13 : memref<2x80xi32, #tpu.memory_space<vmem>>)
        %dma_start3A_341 = arith.constant 0 : i32
        %dma_start3A_342 = arith.constant 0 : i32
        %dma_start3A_343 = tpu.memref_slice %arg13[%dma_start3A_341, %dma_start3A_342] : memref<2x80xi32, #tpu.memory_space<vmem>> -> memref<1x80xi32, #tpu.memory_space<vmem>>
        %dma_start3A_344 = tpu.memref_squeeze %dma_start3A_343 : memref<1x80xi32, #tpu.memory_space<vmem>> -> memref<80xi32, #tpu.memory_space<vmem>>
        %dma_start3A_345 = arith.constant 0 : i32
        %dma_start3A_346 = arith.constant 0 : i32
        %dma_start3A_347 = tpu.memref_slice %arg2[%dma_start3A_345, %dma_start3A_346] : memref<10000x128xf32, #tpu.memory_space<hbm>> -> memref<10000x128xf32, #tpu.memory_space<hbm>>
        tpu.enqueue_indirect_dma source(%dma_start3A_347 : memref<10000x128xf32, #tpu.memory_space<hbm>>) target(%arg17 : memref<80x128xf32, #tpu.memory_space<vmem>>) offsets(%dma_start3A_344 : memref<80xi32, #tpu.memory_space<vmem>>) semaphore(%arg30 : memref<!tpu.dma_semaphore, #tpu.memory_space<semaphore_mem>>)
      } else {
      }
      %le3A_295 = arith.constant 124 : i32
      %le3A_296 = arith.cmpi sle, %add3A_270, %le3A_295 : i32
      %convert_element_type3A_297 = arith.extui %le3A_296 : i1 to i32
      %cond3A_298 = arith.constant 0 : i32
      %cond3A_299 = arith.cmpi ne, %convert_element_type3A_297, %cond3A_298 : i32
      scf.if %cond3A_299 {
        %dma_wait3A_331 = arith.constant 0 : i32
        %dma_wait3A_332 = arith.constant 0 : i32
        %dma_wait3A_333 = tpu.memref_slice %arg12[%dma_wait3A_331, %dma_wait3A_332] : memref<2x80xi32, #tpu.memory_space<vmem>> -> memref<1x80xi32, #tpu.memory_space<vmem>>
        %dma_wait3A_334 = tpu.memref_squeeze %dma_wait3A_333 : memref<1x80xi32, #tpu.memory_space<vmem>> -> memref<80xi32, #tpu.memory_space<vmem>>
        %dma_wait3A_335 = arith.constant 0 : i32
        %dma_wait3A_336 = arith.constant 0 : i32
        %dma_wait3A_337 = tpu.memref_slice %arg2[%dma_wait3A_335, %dma_wait3A_336] : memref<10000x128xf32, #tpu.memory_space<hbm>> -> memref<10000x128xf32, #tpu.memory_space<hbm>>
        tpu.wait_indirect_dma semaphore(%arg29 : memref<!tpu.dma_semaphore, #tpu.memory_space<semaphore_mem>>) src(%dma_wait3A_337 : memref<10000x128xf32, #tpu.memory_space<hbm>>) dst(%arg16 : memref<80x128xf32, #tpu.memory_space<vmem>>)
        %dma_start3A_338 = arith.constant 1 : i32
        %dma_start3A_339 = arith.constant 0 : i32
        %dma_start3A_340 = tpu.memref_slice %arg12[%dma_start3A_338, %dma_start3A_339] : memref<2x80xi32, #tpu.memory_space<vmem>> -> memref<1x80xi32, #tpu.memory_space<vmem>>
        %dma_start3A_341 = tpu.memref_squeeze %dma_start3A_340 : memref<1x80xi32, #tpu.memory_space<vmem>> -> memref<80xi32, #tpu.memory_space<vmem>>
        %dma_start3A_342 = arith.constant 0 : i32
        %dma_start3A_343 = arith.constant 0 : i32
        %dma_start3A_344 = tpu.memref_slice %arg18[%dma_start3A_342, %dma_start3A_343] : memref<10000x128xf32, #tpu.memory_space<vmem_shared>> -> memref<10000x128xf32, #tpu.memory_space<vmem_shared>>
        tpu.enqueue_indirect_dma source(%arg16 : memref<80x128xf32, #tpu.memory_space<vmem>>) target(%dma_start3A_344 : memref<10000x128xf32, #tpu.memory_space<vmem_shared>>) offsets(%dma_start3A_341 : memref<80xi32, #tpu.memory_space<vmem>>) semaphore(%arg33 : memref<!tpu.dma_semaphore, #tpu.memory_space<semaphore_mem>>) {add = true}
      } else {
      }
      %add3A_300 = arith.constant 7 : i32
      %add3A_301 = arith.addi %mul3A_86, %add3A_300 : i32
      %ge3A_302 = arith.constant 3 : i32
      %ge3A_303 = arith.cmpi sge, %add3A_301, %ge3A_302 : i32
      %sub3A_304 = arith.constant 3 : i32
      %sub3A_305 = arith.subi %add3A_301, %sub3A_304 : i32
      %le3A_306 = arith.constant 124 : i32
      %le3A_307 = arith.cmpi sle, %sub3A_305, %le3A_306 : i32
      %and3A_308 = arith.andi %ge3A_303, %le3A_307 : i1
      %convert_element_type3A_309 = arith.extui %and3A_308 : i1 to i32
      %cond3A_310 = arith.constant 0 : i32
      %cond3A_311 = arith.cmpi ne, %convert_element_type3A_309, %cond3A_310 : i32
      scf.if %cond3A_311 {
        %dma_wait3A_331 = arith.constant 1 : i32
        %dma_wait3A_332 = arith.constant 0 : i32
        %dma_wait3A_333 = tpu.memref_slice %arg10[%dma_wait3A_331, %dma_wait3A_332] : memref<2x80xi32, #tpu.memory_space<vmem>> -> memref<1x80xi32, #tpu.memory_space<vmem>>
        %dma_wait3A_334 = tpu.memref_squeeze %dma_wait3A_333 : memref<1x80xi32, #tpu.memory_space<vmem>> -> memref<80xi32, #tpu.memory_space<vmem>>
        %dma_wait3A_335 = arith.constant 0 : i32
        %dma_wait3A_336 = arith.constant 0 : i32
        %dma_wait3A_337 = tpu.memref_slice %arg18[%dma_wait3A_335, %dma_wait3A_336] : memref<10000x128xf32, #tpu.memory_space<vmem_shared>> -> memref<10000x128xf32, #tpu.memory_space<vmem_shared>>
        tpu.wait_indirect_dma semaphore(%arg31 : memref<!tpu.dma_semaphore, #tpu.memory_space<semaphore_mem>>) src(%arg14 : memref<80x128xf32, #tpu.memory_space<vmem>>) dst(%dma_wait3A_337 : memref<10000x128xf32, #tpu.memory_space<vmem_shared>>)
      } else {
      }
      %add3A_312 = arith.constant 5 : i32
      %add3A_313 = arith.addi %add3A_301, %add3A_312 : i32
      %le3A_314 = arith.constant 124 : i32
      %le3A_315 = arith.cmpi sle, %add3A_313, %le3A_314 : i32
      %convert_element_type3A_316 = arith.extui %le3A_315 : i1 to i32
      %cond3A_317 = arith.constant 0 : i32
      %cond3A_318 = arith.cmpi ne, %convert_element_type3A_316, %cond3A_317 : i32
      scf.if %cond3A_318 {
        %add3A_331 = arith.constant 5 : i32
        %add3A_332 = arith.addi %add3A_301, %add3A_331 : i32
        %dma_start3A_333 = arith.constant 0 : i32
        %dma_start3A_334 = arith.constant 0 : i32
        %dma_start3A_335 = tpu.memref_slice %arg3[%add3A, %add3A_332, %dma_start3A_333, %dma_start3A_334] : memref<32x125x2x80xi32, #tpu.memory_space<hbm>> -> memref<1x1x2x80xi32, #tpu.memory_space<hbm>>
        %dma_start3A_336 = tpu.memref_squeeze %dma_start3A_335 : memref<1x1x2x80xi32, #tpu.memory_space<hbm>> -> memref<2x80xi32, #tpu.memory_space<hbm>>
        %dma_start3A_337 = arith.constant 0 : i32
        %dma_start3A_338 = arith.constant 0 : i32
        %dma_start3A_339 = tpu.memref_slice %arg3[%add3A, %add3A_332, %dma_start3A_337, %dma_start3A_338] : memref<32x125x2x80xi32, #tpu.memory_space<hbm>> -> memref<1x1x2x80xi32, #tpu.memory_space<hbm>>
        %dma_start3A_340 = tpu.memref_squeeze %dma_start3A_339 : memref<1x1x2x80xi32, #tpu.memory_space<hbm>> -> memref<2x80xi32, #tpu.memory_space<hbm>>
        tpu.enqueue_dma source(%dma_start3A_340 : memref<2x80xi32, #tpu.memory_space<hbm>>) target(%arg10 : memref<2x80xi32, #tpu.memory_space<vmem>>) target_semaphore(%arg23 : memref<!tpu.dma_semaphore, #tpu.memory_space<semaphore_mem>>)
      } else {
      }
      %add3A_319 = arith.constant 1 : i32
      %add3A_320 = arith.addi %add3A_301, %add3A_319 : i32
      %le3A_321 = arith.constant 124 : i32
      %le3A_322 = arith.cmpi sle, %add3A_320, %le3A_321 : i32
      %convert_element_type3A_323 = arith.extui %le3A_322 : i1 to i32
      %cond3A_324 = arith.constant 0 : i32
      %cond3A_325 = arith.cmpi ne, %convert_element_type3A_323, %cond3A_324 : i32
      scf.if %cond3A_325 {
        %add3A_331 = arith.constant 1 : i32
        %add3A_332 = arith.addi %add3A_301, %add3A_331 : i32
        %dma_wait3A_333 = arith.constant 0 : i32
        %dma_wait3A_334 = arith.constant 0 : i32
        %dma_wait3A_335 = tpu.memref_slice %arg3[%add3A, %add3A_332, %dma_wait3A_333, %dma_wait3A_334] : memref<32x125x2x80xi32, #tpu.memory_space<hbm>> -> memref<1x1x2x80xi32, #tpu.memory_space<hbm>>
        %dma_wait3A_336 = tpu.memref_squeeze %dma_wait3A_335 : memref<1x1x2x80xi32, #tpu.memory_space<hbm>> -> memref<2x80xi32, #tpu.memory_space<hbm>>
        %dma_wait3A_337 = arith.constant 0 : i32
        %dma_wait3A_338 = arith.constant 0 : i32
        %dma_wait3A_339 = tpu.memref_slice %arg3[%add3A, %add3A_332, %dma_wait3A_337, %dma_wait3A_338] : memref<32x125x2x80xi32, #tpu.memory_space<hbm>> -> memref<1x1x2x80xi32, #tpu.memory_space<hbm>>
        %dma_wait3A_340 = tpu.memref_squeeze %dma_wait3A_339 : memref<1x1x2x80xi32, #tpu.memory_space<hbm>> -> memref<2x80xi32, #tpu.memory_space<hbm>>
        tpu.wait_dma2 semaphore(%arg19 : memref<!tpu.dma_semaphore, #tpu.memory_space<semaphore_mem>>) src(%dma_wait3A_340 : memref<2x80xi32, #tpu.memory_space<hbm>>) dst(%arg6 : memref<2x80xi32, #tpu.memory_space<vmem>>)
        %dma_start3A_341 = arith.constant 0 : i32
        %dma_start3A_342 = arith.constant 0 : i32
        %dma_start3A_343 = tpu.memref_slice %arg6[%dma_start3A_341, %dma_start3A_342] : memref<2x80xi32, #tpu.memory_space<vmem>> -> memref<1x80xi32, #tpu.memory_space<vmem>>
        %dma_start3A_344 = tpu.memref_squeeze %dma_start3A_343 : memref<1x80xi32, #tpu.memory_space<vmem>> -> memref<80xi32, #tpu.memory_space<vmem>>
        %dma_start3A_345 = arith.constant 0 : i32
        %dma_start3A_346 = arith.constant 0 : i32
        %dma_start3A_347 = tpu.memref_slice %arg2[%dma_start3A_345, %dma_start3A_346] : memref<10000x128xf32, #tpu.memory_space<hbm>> -> memref<10000x128xf32, #tpu.memory_space<hbm>>
        tpu.enqueue_indirect_dma source(%dma_start3A_347 : memref<10000x128xf32, #tpu.memory_space<hbm>>) target(%arg14 : memref<80x128xf32, #tpu.memory_space<vmem>>) offsets(%dma_start3A_344 : memref<80xi32, #tpu.memory_space<vmem>>) semaphore(%arg27 : memref<!tpu.dma_semaphore, #tpu.memory_space<semaphore_mem>>)
      } else {
      }
      %le3A_326 = arith.constant 124 : i32
      %le3A_327 = arith.cmpi sle, %add3A_301, %le3A_326 : i32
      %convert_element_type3A_328 = arith.extui %le3A_327 : i1 to i32
      %cond3A_329 = arith.constant 0 : i32
      %cond3A_330 = arith.cmpi ne, %convert_element_type3A_328, %cond3A_329 : i32
      scf.if %cond3A_330 {
        %dma_wait3A_331 = arith.constant 0 : i32
        %dma_wait3A_332 = arith.constant 0 : i32
        %dma_wait3A_333 = tpu.memref_slice %arg13[%dma_wait3A_331, %dma_wait3A_332] : memref<2x80xi32, #tpu.memory_space<vmem>> -> memref<1x80xi32, #tpu.memory_space<vmem>>
        %dma_wait3A_334 = tpu.memref_squeeze %dma_wait3A_333 : memref<1x80xi32, #tpu.memory_space<vmem>> -> memref<80xi32, #tpu.memory_space<vmem>>
        %dma_wait3A_335 = arith.constant 0 : i32
        %dma_wait3A_336 = arith.constant 0 : i32
        %dma_wait3A_337 = tpu.memref_slice %arg2[%dma_wait3A_335, %dma_wait3A_336] : memref<10000x128xf32, #tpu.memory_space<hbm>> -> memref<10000x128xf32, #tpu.memory_space<hbm>>
        tpu.wait_indirect_dma semaphore(%arg30 : memref<!tpu.dma_semaphore, #tpu.memory_space<semaphore_mem>>) src(%dma_wait3A_337 : memref<10000x128xf32, #tpu.memory_space<hbm>>) dst(%arg17 : memref<80x128xf32, #tpu.memory_space<vmem>>)
        %dma_start3A_338 = arith.constant 1 : i32
        %dma_start3A_339 = arith.constant 0 : i32
        %dma_start3A_340 = tpu.memref_slice %arg13[%dma_start3A_338, %dma_start3A_339] : memref<2x80xi32, #tpu.memory_space<vmem>> -> memref<1x80xi32, #tpu.memory_space<vmem>>
        %dma_start3A_341 = tpu.memref_squeeze %dma_start3A_340 : memref<1x80xi32, #tpu.memory_space<vmem>> -> memref<80xi32, #tpu.memory_space<vmem>>
        %dma_start3A_342 = arith.constant 0 : i32
        %dma_start3A_343 = arith.constant 0 : i32
        %dma_start3A_344 = tpu.memref_slice %arg18[%dma_start3A_342, %dma_start3A_343] : memref<10000x128xf32, #tpu.memory_space<vmem_shared>> -> memref<10000x128xf32, #tpu.memory_space<vmem_shared>>
        tpu.enqueue_indirect_dma source(%arg17 : memref<80x128xf32, #tpu.memory_space<vmem>>) target(%dma_start3A_344 : memref<10000x128xf32, #tpu.memory_space<vmem_shared>>) offsets(%dma_start3A_341 : memref<80xi32, #tpu.memory_space<vmem>>) semaphore(%arg34 : memref<!tpu.dma_semaphore, #tpu.memory_space<semaphore_mem>>) {add = true}
      } else {
      }
    }
    %scan3A_72 = arith.constant 16 : i32
    %barrier3A_73 = arith.constant 0 : index
    tpu.barrier barrier_id(%barrier3A_73)
    %lt3A_74 = arith.constant 15 : i32
    %lt3A_75 = arith.cmpi slt, %arg1, %lt3A_74 : i32
    %convert_element_type3A_76 = arith.extui %lt3A_75 : i1 to i32
    %cond3A_77 = arith.constant 0 : i32
    %cond3A_78 = arith.cmpi ne, %convert_element_type3A_76, %cond3A_77 : i32
    scf.if %cond3A_78 {
      "tpu.region"() ({
        %run_scoped3A = tpu.sem_alloc : memref<!tpu.dma_semaphore, #tpu.memory_space<semaphore_mem>>
        %dma_start3A_84 = arith.constant 0 : i32
        %dma_start3A_85 = tpu.memref_slice %arg5[%arg0, %mul3A_2, %dma_start3A_84] : memref<2x10000x128xf32, #tpu.memory_space<hbm>> -> memref<1x624x128xf32, #tpu.memory_space<hbm>>
        %dma_start3A_86 = tpu.memref_squeeze %dma_start3A_85 : memref<1x624x128xf32, #tpu.memory_space<hbm>> -> memref<624x128xf32, #tpu.memory_space<hbm>>
        %dma_start3A_87 = arith.constant 0 : i32
        %dma_start3A_88 = tpu.memref_slice %arg18[%mul3A_2, %dma_start3A_87] : memref<10000x128xf32, #tpu.memory_space<vmem_shared>> -> memref<624x128xf32, #tpu.memory_space<vmem_shared>>
        tpu.enqueue_dma source(%dma_start3A_88 : memref<624x128xf32, #tpu.memory_space<vmem_shared>>) target(%dma_start3A_86 : memref<624x128xf32, #tpu.memory_space<hbm>>) target_semaphore(%run_scoped3A : memref<!tpu.dma_semaphore, #tpu.memory_space<semaphore_mem>>)
        %dma_wait3A_89 = arith.constant 0 : i32
        %dma_wait3A_90 = tpu.memref_slice %arg5[%arg0, %mul3A_2, %dma_wait3A_89] : memref<2x10000x128xf32, #tpu.memory_space<hbm>> -> memref<1x624x128xf32, #tpu.memory_space<hbm>>
        %dma_wait3A_91 = tpu.memref_squeeze %dma_wait3A_90 : memref<1x624x128xf32, #tpu.memory_space<hbm>> -> memref<624x128xf32, #tpu.memory_space<hbm>>
        %dma_wait3A_92 = arith.constant 0 : i32
        %dma_wait3A_93 = tpu.memref_slice %arg18[%mul3A_2, %dma_wait3A_92] : memref<10000x128xf32, #tpu.memory_space<vmem_shared>> -> memref<624x128xf32, #tpu.memory_space<vmem_shared>>
        tpu.wait_dma2 semaphore(%run_scoped3A : memref<!tpu.dma_semaphore, #tpu.memory_space<semaphore_mem>>) src(%dma_wait3A_93 : memref<624x128xf32, #tpu.memory_space<vmem_shared>>) dst(%dma_wait3A_91 : memref<624x128xf32, #tpu.memory_space<hbm>>)
        tpu.yield
      }) : () -> ()
    } else {
    }
    %eq3A_79 = arith.constant 15 : i32
    %eq3A_80 = arith.cmpi eq, %arg1, %eq3A_79 : i32
    %convert_element_type3A_81 = arith.extui %eq3A_80 : i1 to i32
    %cond3A_82 = arith.constant 0 : i32
    %cond3A_83 = arith.cmpi ne, %convert_element_type3A_81, %cond3A_82 : i32
    scf.if %cond3A_83 {
      "tpu.region"() ({
        %run_scoped3A = tpu.sem_alloc : memref<!tpu.dma_semaphore, #tpu.memory_space<semaphore_mem>>
        %dma_start3A_84 = arith.constant 0 : i32
        %dma_start3A_85 = tpu.memref_slice %arg5[%arg0, %mul3A_2, %dma_start3A_84] : memref<2x10000x128xf32, #tpu.memory_space<hbm>> -> memref<1x640x128xf32, #tpu.memory_space<hbm>>
        %dma_start3A_86 = tpu.memref_squeeze %dma_start3A_85 : memref<1x640x128xf32, #tpu.memory_space<hbm>> -> memref<640x128xf32, #tpu.memory_space<hbm>>
        %dma_start3A_87 = arith.constant 0 : i32
        %dma_start3A_88 = tpu.memref_slice %arg18[%mul3A_2, %dma_start3A_87] : memref<10000x128xf32, #tpu.memory_space<vmem_shared>> -> memref<640x128xf32, #tpu.memory_space<vmem_shared>>
        tpu.enqueue_dma source(%dma_start3A_88 : memref<640x128xf32, #tpu.memory_space<vmem_shared>>) target(%dma_start3A_86 : memref<640x128xf32, #tpu.memory_space<hbm>>) target_semaphore(%run_scoped3A : memref<!tpu.dma_semaphore, #tpu.memory_space<semaphore_mem>>)
        %dma_wait3A_89 = arith.constant 0 : i32
        %dma_wait3A_90 = tpu.memref_slice %arg5[%arg0, %mul3A_2, %dma_wait3A_89] : memref<2x10000x128xf32, #tpu.memory_space<hbm>> -> memref<1x640x128xf32, #tpu.memory_space<hbm>>
        %dma_wait3A_91 = tpu.memref_squeeze %dma_wait3A_90 : memref<1x640x128xf32, #tpu.memory_space<hbm>> -> memref<640x128xf32, #tpu.memory_space<hbm>>
        %dma_wait3A_92 = arith.constant 0 : i32
        %dma_wait3A_93 = tpu.memref_slice %arg18[%mul3A_2, %dma_wait3A_92] : memref<10000x128xf32, #tpu.memory_space<vmem_shared>> -> memref<640x128xf32, #tpu.memory_space<vmem_shared>>
        tpu.wait_dma2 semaphore(%run_scoped3A : memref<!tpu.dma_semaphore, #tpu.memory_space<semaphore_mem>>) src(%dma_wait3A_93 : memref<640x128xf32, #tpu.memory_space<vmem_shared>>) dst(%dma_wait3A_91 : memref<640x128xf32, #tpu.memory_space<hbm>>)
        tpu.yield
      }) : () -> ()
    } else {
    }
    return
  }
}

#map = affine_map<(d0, d1) -> (0, 0)>
#map1 = affine_map<(d0, d1) -> (0, 0, 0, 0)>
#map2 = affine_map<(d0, d1) -> (0, 0, 0)>
module attributes {stable_mosaic.version = 14 : i64} {
  func.func @_scatter_kernel(%arg0: i32, %arg1: i32, %arg2: memref<10000x128xf32, #tpu.memory_space<hbm>>, %arg3: memref<32x125x2x80xi32, #tpu.memory_space<hbm>>, %arg4: memref<640x128xf32, #tpu.memory_space<hbm>>, %arg5: memref<2x10000x128xf32, #tpu.memory_space<hbm>>, %arg6: memref<2x80xi32, #tpu.memory_space<vmem>>, %arg7: memref<2x80xi32, #tpu.memory_space<vmem>>, %arg8: memref<2x80xi32, #tpu.memory_space<vmem>>, %arg9: memref<2x80xi32, #tpu.memory_space<vmem>>, %arg10: memref<2x80xi32, #tpu.memory_space<vmem>>, %arg11: memref<2x80xi32, #tpu.memory_space<vmem>>, %arg12: memref<2x80xi32, #tpu.memory_space<vmem>>, %arg13: memref<2x80xi32, #tpu.memory_space<vmem>>, %arg14: memref<80x128xf32, #tpu.memory_space<vmem>>, %arg15: memref<80x128xf32, #tpu.memory_space<vmem>>, %arg16: memref<80x128xf32, #tpu.memory_space<vmem>>, %arg17: memref<80x128xf32, #tpu.memory_space<vmem>>, %arg18: memref<10000x128xf32, #tpu.memory_space<vmem_shared>>, %arg19: memref<!tpu.dma_semaphore, #tpu.memory_space<semaphore_mem>>, %arg20: memref<!tpu.dma_semaphore, #tpu.memory_space<semaphore_mem>>, %arg21: memref<!tpu.dma_semaphore, #tpu.memory_space<semaphore_mem>>, %arg22: memref<!tpu.dma_semaphore, #tpu.memory_space<semaphore_mem>>, %arg23: memref<!tpu.dma_semaphore, #tpu.memory_space<semaphore_mem>>, %arg24: memref<!tpu.dma_semaphore, #tpu.memory_space<semaphore_mem>>, %arg25: memref<!tpu.dma_semaphore, #tpu.memory_space<semaphore_mem>>, %arg26: memref<!tpu.dma_semaphore, #tpu.memory_space<semaphore_mem>>, %arg27: memref<!tpu.dma_semaphore, #tpu.memory_space<semaphore_mem>>, %arg28: memref<!tpu.dma_semaphore, #tpu.memory_space<semaphore_mem>>, %arg29: memref<!tpu.dma_semaphore, #tpu.memory_space<semaphore_mem>>, %arg30: memref<!tpu.dma_semaphore, #tpu.memory_space<semaphore_mem>>, %arg31: memref<!tpu.dma_semaphore, #tpu.memory_space<semaphore_mem>>, %arg32: memref<!tpu.dma_semaphore, #tpu.memory_space<semaphore_mem>>, %arg33: memref<!tpu.dma_semaphore, #tpu.memory_space<semaphore_mem>>, %arg34: memref<!tpu.dma_semaphore, #tpu.memory_space<semaphore_mem>>) attributes {dimension_semantics = [#tpu.dimension_semantics<core_parallel>, #tpu.dimension_semantics<subcore_parallel>], iteration_bounds = array<i64: 2, 16>, scalar_prefetch = 0 : i64, scratch_operands = 29 : i64, tpu.core_type = #tpu.core_type<sc_vector_subcore>, window_params = [{transform_indices = #map}, {transform_indices = #map1}, {transform_indices = #map}, {transform_indices = #map2}]} {
    %mul3A = arith.constant 2 : i32
    %mul3A_0 = arith.muli %arg1, %mul3A : i32
    %add3A = arith.addi %mul3A_0, %arg0 : i32
    %mul3A_1 = arith.constant 624 : i32
    %mul3A_2 = arith.muli %arg1, %mul3A_1 : i32
    %lt3A = arith.constant 15 : i32
    %lt3A_3 = arith.cmpi slt, %arg1, %lt3A : i32
    %convert_element_type3A = arith.extui %lt3A_3 : i1 to i32
    %cond3A = arith.constant 0 : i32
    %cond3A_4 = arith.cmpi ne, %convert_element_type3A, %cond3A : i32
    scf.if %cond3A_4 {
      "tpu.region"() ({
        %run_scoped3A = tpu.sem_alloc : memref<!tpu.dma_semaphore, #tpu.memory_space<semaphore_mem>>
        %dma_start3A_84 = arith.constant 0 : i32
        %dma_start3A_85 = tpu.memref_slice %arg18[%mul3A_2, %dma_start3A_84] : memref<10000x128xf32, #tpu.memory_space<vmem_shared>> -> memref<624x128xf32, #tpu.memory_space<vmem_shared>>
        %dma_start3A_86 = arith.constant 0 : i32
        %dma_start3A_87 = arith.constant 0 : i32
        %dma_start3A_88 = tpu.memref_slice %arg4[%dma_start3A_86, %dma_start3A_87] : memref<640x128xf32, #tpu.memory_space<hbm>> -> memref<624x128xf32, #tpu.memory_space<hbm>>
        tpu.enqueue_dma source(%dma_start3A_88 : memref<624x128xf32, #tpu.memory_space<hbm>>) target(%dma_start3A_85 : memref<624x128xf32, #tpu.memory_space<vmem_shared>>) target_semaphore(%run_scoped3A : memref<!tpu.dma_semaphore, #tpu.memory_space<semaphore_mem>>)
        %dma_wait3A_89 = arith.constant 0 : i32
        %dma_wait3A_90 = tpu.memref_slice %arg18[%mul3A_2, %dma_wait3A_89] : memref<10000x128xf32, #tpu.memory_space<vmem_shared>> -> memref<624x128xf32, #tpu.memory_space<vmem_shared>>
        %dma_wait3A_91 = arith.constant 0 : i32
        %dma_wait3A_92 = arith.constant 0 : i32
        %dma_wait3A_93 = tpu.memref_slice %arg4[%dma_wait3A_91, %dma_wait3A_92] : memref<640x128xf32, #tpu.memory_space<hbm>> -> memref<624x128xf32, #tpu.memory_space<hbm>>
        tpu.wait_dma2 semaphore(%run_scoped3A : memref<!tpu.dma_semaphore, #tpu.memory_space<semaphore_mem>>) src(%dma_wait3A_93 : memref<624x128xf32, #tpu.memory_space<hbm>>) dst(%dma_wait3A_90 : memref<624x128xf32, #tpu.memory_space<vmem_shared>>)
        tpu.yield
      }) : () -> ()
    } else {
    }
    %eq3A = arith.constant 15 : i32
    %eq3A_5 = arith.cmpi eq, %arg1, %eq3A : i32
    %convert_element_type3A_6 = arith.extui %eq3A_5 : i1 to i32
    %cond3A_7 = arith.constant 0 : i32
    %cond3A_8 = arith.cmpi ne, %convert_element_type3A_6, %cond3A_7 : i32
    scf.if %cond3A_8 {
      "tpu.region"() ({
        %run_scoped3A = tpu.sem_alloc : memref<!tpu.dma_semaphore, #tpu.memory_space<semaphore_mem>>
        %dma_start3A_84 = arith.constant 0 : i32
        %dma_start3A_85 = tpu.memref_slice %arg18[%mul3A_2, %dma_start3A_84] : memref<10000x128xf32, #tpu.memory_space<vmem_shared>> -> memref<640x128xf32, #tpu.memory_space<vmem_shared>>
        tpu.enqueue_dma source(%arg4 : memref<640x128xf32, #tpu.memory_space<hbm>>) target(%dma_start3A_85 : memref<640x128xf32, #tpu.memory_space<vmem_shared>>) target_semaphore(%run_scoped3A : memref<!tpu.dma_semaphore, #tpu.memory_space<semaphore_mem>>)
        %dma_wait3A_86 = arith.constant 0 : i32
        %dma_wait3A_87 = tpu.memref_slice %arg18[%mul3A_2, %dma_wait3A_86] : memref<10000x128xf32, #tpu.memory_space<vmem_shared>> -> memref<640x128xf32, #tpu.memory_space<vmem_shared>>
        tpu.wait_dma2 semaphore(%run_scoped3A : memref<!tpu.dma_semaphore, #tpu.memory_space<semaphore_mem>>) src(%arg4 : memref<640x128xf32, #tpu.memory_space<hbm>>) dst(%dma_wait3A_87 : memref<640x128xf32, #tpu.memory_space<vmem_shared>>)
        tpu.yield
      }) : () -> ()
    } else {
    }
    %barrier3A = arith.constant 0 : index
    tpu.barrier barrier_id(%barrier3A)
    %dma_start3A = arith.constant 0 : i32
    %dma_start3A_9 = arith.constant 0 : i32
    %dma_start3A_10 = arith.constant 0 : i32
    %dma_start3A_11 = tpu.memref_slice %arg3[%add3A, %dma_start3A, %dma_start3A_9, %dma_start3A_10] : memref<32x125x2x80xi32, #tpu.memory_space<hbm>> -> memref<1x1x2x80xi32, #tpu.memory_space<hbm>>
    %dma_start3A_12 = tpu.memref_squeeze %dma_start3A_11 : memref<1x1x2x80xi32, #tpu.memory_space<hbm>> -> memref<2x80xi32, #tpu.memory_space<hbm>>
    %dma_start3A_13 = arith.constant 0 : i32
    %dma_start3A_14 = arith.constant 0 : i32
    %dma_start3A_15 = tpu.memref_slice %arg3[%add3A, %dma_start3A, %dma_start3A_13, %dma_start3A_14] : memref<32x125x2x80xi32, #tpu.memory_space<hbm>> -> memref<1x1x2x80xi32, #tpu.memory_space<hbm>>
    %dma_start3A_16 = tpu.memref_squeeze %dma_start3A_15 : memref<1x1x2x80xi32, #tpu.memory_space<hbm>> -> memref<2x80xi32, #tpu.memory_space<hbm>>
    tpu.enqueue_dma source(%dma_start3A_16 : memref<2x80xi32, #tpu.memory_space<hbm>>) target(%arg6 : memref<2x80xi32, #tpu.memory_space<vmem>>) target_semaphore(%arg19 : memref<!tpu.dma_semaphore, #tpu.memory_space<semaphore_mem>>)
    %dma_start3A_17 = arith.constant 1 : i32
    %dma_start3A_18 = arith.constant 0 : i32
    %dma_start3A_19 = arith.constant 0 : i32
    %dma_start3A_20 = tpu.memref_slice %arg3[%add3A, %dma_start3A_17, %dma_start3A_18, %dma_start3A_19] : memref<32x125x2x80xi32, #tpu.memory_space<hbm>> -> memref<1x1x2x80xi32, #tpu.memory_space<hbm>>
    %dma_start3A_21 = tpu.memref_squeeze %dma_start3A_20 : memref<1x1x2x80xi32, #tpu.memory_space<hbm>> -> memref<2x80xi32, #tpu.memory_space<hbm>>
    %dma_start3A_22 = arith.constant 0 : i32
    %dma_start3A_23 = arith.constant 0 : i32
    %dma_start3A_24 = tpu.memref_slice %arg3[%add3A, %dma_start3A_17, %dma_start3A_22, %dma_start3A_23] : memref<32x125x2x80xi32, #tpu.memory_space<hbm>> -> memref<1x1x2x80xi32, #tpu.memory_space<hbm>>
    %dma_start3A_25 = tpu.memref_squeeze %dma_start3A_24 : memref<1x1x2x80xi32, #tpu.memory_space<hbm>> -> memref<2x80xi32, #tpu.memory_space<hbm>>
    tpu.enqueue_dma source(%dma_start3A_25 : memref<2x80xi32, #tpu.memory_space<hbm>>) target(%arg7 : memref<2x80xi32, #tpu.memory_space<vmem>>) target_semaphore(%arg20 : memref<!tpu.dma_semaphore, #tpu.memory_space<semaphore_mem>>)
    %dma_start3A_26 = arith.constant 2 : i32
    %dma_start3A_27 = arith.constant 0 : i32
    %dma_start3A_28 = arith.constant 0 : i32
    %dma_start3A_29 = tpu.memref_slice %arg3[%add3A, %dma_start3A_26, %dma_start3A_27, %dma_start3A_28] : memref<32x125x2x80xi32, #tpu.memory_space<hbm>> -> memref<1x1x2x80xi32, #tpu.memory_space<hbm>>
    %dma_start3A_30 = tpu.memref_squeeze %dma_start3A_29 : memref<1x1x2x80xi32, #tpu.memory_space<hbm>> -> memref<2x80xi32, #tpu.memory_space<hbm>>
    %dma_start3A_31 = arith.constant 0 : i32
    %dma_start3A_32 = arith.constant 0 : i32
    %dma_start3A_33 = tpu.memref_slice %arg3[%add3A, %dma_start3A_26, %dma_start3A_31, %dma_start3A_32] : memref<32x125x2x80xi32, #tpu.memory_space<hbm>> -> memref<1x1x2x80xi32, #tpu.memory_space<hbm>>
    %dma_start3A_34 = tpu.memref_squeeze %dma_start3A_33 : memref<1x1x2x80xi32, #tpu.memory_space<hbm>> -> memref<2x80xi32, #tpu.memory_space<hbm>>
    tpu.enqueue_dma source(%dma_start3A_34 : memref<2x80xi32, #tpu.memory_space<hbm>>) target(%arg8 : memref<2x80xi32, #tpu.memory_space<vmem>>) target_semaphore(%arg21 : memref<!tpu.dma_semaphore, #tpu.memory_space<semaphore_mem>>)
    %dma_start3A_35 = arith.constant 3 : i32
    %dma_start3A_36 = arith.constant 0 : i32
    %dma_start3A_37 = arith.constant 0 : i32
    %dma_start3A_38 = tpu.memref_slice %arg3[%add3A, %dma_start3A_35, %dma_start3A_36, %dma_start3A_37] : memref<32x125x2x80xi32, #tpu.memory_space<hbm>> -> memref<1x1x2x80xi32, #tpu.memory_space<hbm>>
    %dma_start3A_39 = tpu.memref_squeeze %dma_start3A_38 : memref<1x1x2x80xi32, #tpu.memory_space<hbm>> -> memref<2x80xi32, #tpu.memory_space<hbm>>
    %dma_start3A_40 = arith.constant 0 : i32
    %dma_start3A_41 = arith.constant 0 : i32
    %dma_start3A_42 = tpu.memref_slice %arg3[%add3A, %dma_start3A_35, %dma_start3A_40, %dma_start3A_41] : memref<32x125x2x80xi32, #tpu.memory_space<hbm>> -> memref<1x1x2x80xi32, #tpu.memory_space<hbm>>
    %dma_start3A_43 = tpu.memref_squeeze %dma_start3A_42 : memref<1x1x2x80xi32, #tpu.memory_space<hbm>> -> memref<2x80xi32, #tpu.memory_space<hbm>>
    tpu.enqueue_dma source(%dma_start3A_43 : memref<2x80xi32, #tpu.memory_space<hbm>>) target(%arg9 : memref<2x80xi32, #tpu.memory_space<vmem>>) target_semaphore(%arg22 : memref<!tpu.dma_semaphore, #tpu.memory_space<semaphore_mem>>)
    %dma_start3A_44 = arith.constant 4 : i32
    %dma_start3A_45 = arith.constant 0 : i32
    %dma_start3A_46 = arith.constant 0 : i32
    %dma_start3A_47 = tpu.memref_slice %arg3[%add3A, %dma_start3A_44, %dma_start3A_45, %dma_start3A_46] : memref<32x125x2x80xi32, #tpu.memory_space<hbm>> -> memref<1x1x2x80xi32, #tpu.memory_space<hbm>>
    %dma_start3A_48 = tpu.memref_squeeze %dma_start3A_47 : memref<1x1x2x80xi32, #tpu.memory_space<hbm>> -> memref<2x80xi32, #tpu.memory_space<hbm>>
    %dma_start3A_49 = arith.constant 0 : i32
    %dma_start3A_50 = arith.constant 0 : i32
    %dma_start3A_51 = tpu.memref_slice %arg3[%add3A, %dma_start3A_44, %dma_start3A_49, %dma_start3A_50] : memref<32x125x2x80xi32, #tpu.memory_space<hbm>> -> memref<1x1x2x80xi32, #tpu.memory_space<hbm>>
    %dma_start3A_52 = tpu.memref_squeeze %dma_start3A_51 : memref<1x1x2x80xi32, #tpu.memory_space<hbm>> -> memref<2x80xi32, #tpu.memory_space<hbm>>
    tpu.enqueue_dma source(%dma_start3A_52 : memref<2x80xi32, #tpu.memory_space<hbm>>) target(%arg10 : memref<2x80xi32, #tpu.memory_space<vmem>>) target_semaphore(%arg23 : memref<!tpu.dma_semaphore, #tpu.memory_space<semaphore_mem>>)
    %dma_wait3A = arith.constant 0 : i32
    %dma_wait3A_53 = arith.constant 0 : i32
    %dma_wait3A_54 = arith.constant 0 : i32
    %dma_wait3A_55 = tpu.memref_slice %arg3[%add3A, %dma_wait3A, %dma_wait3A_53, %dma_wait3A_54] : memref<32x125x2x80xi32, #tpu.memory_space<hbm>> -> memref<1x1x2x80xi32, #tpu.memory_space<hbm>>
    %dma_wait3A_56 = tpu.memref_squeeze %dma_wait3A_55 : memref<1x1x2x80xi32, #tpu.memory_space<hbm>> -> memref<2x80xi32, #tpu.memory_space<hbm>>
    %dma_wait3A_57 = arith.constant 0 : i32
    %dma_wait3A_58 = arith.constant 0 : i32
    %dma_wait3A_59 = tpu.memref_slice %arg3[%add3A, %dma_wait3A, %dma_wait3A_57, %dma_wait3A_58] : memref<32x125x2x80xi32, #tpu.memory_space<hbm>> -> memref<1x1x2x80xi32, #tpu.memory_space<hbm>>
    %dma_wait3A_60 = tpu.memref_squeeze %dma_wait3A_59 : memref<1x1x2x80xi32, #tpu.memory_space<hbm>> -> memref<2x80xi32, #tpu.memory_space<hbm>>
    tpu.wait_dma2 semaphore(%arg19 : memref<!tpu.dma_semaphore, #tpu.memory_space<semaphore_mem>>) src(%dma_wait3A_60 : memref<2x80xi32, #tpu.memory_space<hbm>>) dst(%arg6 : memref<2x80xi32, #tpu.memory_space<vmem>>)
    %dma_start3A_61 = arith.constant 0 : i32
    %dma_start3A_62 = arith.constant 0 : i32
    %dma_start3A_63 = tpu.memref_slice %arg6[%dma_start3A_61, %dma_start3A_62] : memref<2x80xi32, #tpu.memory_space<vmem>> -> memref<1x80xi32, #tpu.memory_space<vmem>>
    %dma_start3A_64 = tpu.memref_squeeze %dma_start3A_63 : memref<1x80xi32, #tpu.memory_space<vmem>> -> memref<80xi32, #tpu.memory_space<vmem>>
    %dma_start3A_65 = arith.constant 0 : i32
    %dma_start3A_66 = arith.constant 0 : i32
    %dma_start3A_67 = tpu.memref_slice %arg2[%dma_start3A_65, %dma_start3A_66] : memref<10000x128xf32, #tpu.memory_space<hbm>> -> memref<10000x128xf32, #tpu.memory_space<hbm>>
    tpu.enqueue_indirect_dma source(%dma_start3A_67 : memref<10000x128xf32, #tpu.memory_space<hbm>>) target(%arg14 : memref<80x128xf32, #tpu.memory_space<vmem>>) offsets(%dma_start3A_64 : memref<80xi32, #tpu.memory_space<vmem>>) semaphore(%arg27 : memref<!tpu.dma_semaphore, #tpu.memory_space<semaphore_mem>>)
    %scan3A = arith.constant 0 : i32
    %scan3A_68 = arith.constant 0 : i32
    %scan3A_69 = arith.constant 16 : i32
    %scan3A_70 = arith.addi %scan3A_68, %scan3A_69 : i32
    %scan3A_71 = arith.constant 1 : i32
    scf.for %scan3A_84 = %scan3A_68 to %scan3A_70 step %scan3A_71  : i32 {
      %mul3A_85 = arith.constant 8 : i32
      %mul3A_86 = arith.muli %mul3A_85, %scan3A_84 : i32
      %add3A_87 = arith.constant 0 : i32
      %add3A_88 = arith.addi %mul3A_86, %add3A_87 : i32
      %ge3A = arith.constant 3 : i32
      %ge3A_89 = arith.cmpi sge, %add3A_88, %ge3A : i32
      %sub3A = arith.constant 3 : i32
      %sub3A_90 = arith.subi %add3A_88, %sub3A : i32
      %le3A = arith.constant 124 : i32
      %le3A_91 = arith.cmpi sle, %sub3A_90, %le3A : i32
      %and3A = arith.andi %ge3A_89, %le3A_91 : i1
      %convert_element_type3A_92 = arith.extui %and3A : i1 to i32
      %cond3A_93 = arith.constant 0 : i32
      %cond3A_94 = arith.cmpi ne, %convert_element_type3A_92, %cond3A_93 : i32
      scf.if %cond3A_94 {
        %dma_wait3A_331 = arith.constant 1 : i32
        %dma_wait3A_332 = arith.constant 0 : i32
        %dma_wait3A_333 = tpu.memref_slice %arg11[%dma_wait3A_331, %dma_wait3A_332] : memref<2x80xi32, #tpu.memory_space<vmem>> -> memref<1x80xi32, #tpu.memory_space<vmem>>
        %dma_wait3A_334 = tpu.memref_squeeze %dma_wait3A_333 : memref<1x80xi32, #tpu.memory_space<vmem>> -> memref<80xi32, #tpu.memory_space<vmem>>
        %dma_wait3A_335 = arith.constant 0 : i32
        %dma_wait3A_336 = arith.constant 0 : i32
        %dma_wait3A_337 = tpu.memref_slice %arg18[%dma_wait3A_335, %dma_wait3A_336] : memref<10000x128xf32, #tpu.memory_space<vmem_shared>> -> memref<10000x128xf32, #tpu.memory_space<vmem_shared>>
        tpu.wait_indirect_dma semaphore(%arg32 : memref<!tpu.dma_semaphore, #tpu.memory_space<semaphore_mem>>) src(%arg15 : memref<80x128xf32, #tpu.memory_space<vmem>>) dst(%dma_wait3A_337 : memref<10000x128xf32, #tpu.memory_space<vmem_shared>>)
      } else {
      }
      %add3A_95 = arith.constant 5 : i32
      %add3A_96 = arith.addi %add3A_88, %add3A_95 : i32
      %le3A_97 = arith.constant 124 : i32
      %le3A_98 = arith.cmpi sle, %add3A_96, %le3A_97 : i32
      %convert_element_type3A_99 = arith.extui %le3A_98 : i1 to i32
      %cond3A_100 = arith.constant 0 : i32
      %cond3A_101 = arith.cmpi ne, %convert_element_type3A_99, %cond3A_100 : i32
      scf.if %cond3A_101 {
        %add3A_331 = arith.constant 5 : i32
        %add3A_332 = arith.addi %add3A_88, %add3A_331 : i32
        %dma_start3A_333 = arith.constant 0 : i32
        %dma_start3A_334 = arith.constant 0 : i32
        %dma_start3A_335 = tpu.memref_slice %arg3[%add3A, %add3A_332, %dma_start3A_333, %dma_start3A_334] : memref<32x125x2x80xi32, #tpu.memory_space<hbm>> -> memref<1x1x2x80xi32, #tpu.memory_space<hbm>>
        %dma_start3A_336 = tpu.memref_squeeze %dma_start3A_335 : memref<1x1x2x80xi32, #tpu.memory_space<hbm>> -> memref<2x80xi32, #tpu.memory_space<hbm>>
        %dma_start3A_337 = arith.constant 0 : i32
        %dma_start3A_338 = arith.constant 0 : i32
        %dma_start3A_339 = tpu.memref_slice %arg3[%add3A, %add3A_332, %dma_start3A_337, %dma_start3A_338] : memref<32x125x2x80xi32, #tpu.memory_space<hbm>> -> memref<1x1x2x80xi32, #tpu.memory_space<hbm>>
        %dma_start3A_340 = tpu.memref_squeeze %dma_start3A_339 : memref<1x1x2x80xi32, #tpu.memory_space<hbm>> -> memref<2x80xi32, #tpu.memory_space<hbm>>
        tpu.enqueue_dma source(%dma_start3A_340 : memref<2x80xi32, #tpu.memory_space<hbm>>) target(%arg11 : memref<2x80xi32, #tpu.memory_space<vmem>>) target_semaphore(%arg24 : memref<!tpu.dma_semaphore, #tpu.memory_space<semaphore_mem>>)
      } else {
      }
      %add3A_102 = arith.constant 1 : i32
      %add3A_103 = arith.addi %add3A_88, %add3A_102 : i32
      %le3A_104 = arith.constant 124 : i32
      %le3A_105 = arith.cmpi sle, %add3A_103, %le3A_104 : i32
      %convert_element_type3A_106 = arith.extui %le3A_105 : i1 to i32
      %cond3A_107 = arith.constant 0 : i32
      %cond3A_108 = arith.cmpi ne, %convert_element_type3A_106, %cond3A_107 : i32
      scf.if %cond3A_108 {
        %add3A_331 = arith.constant 1 : i32
        %add3A_332 = arith.addi %add3A_88, %add3A_331 : i32
        %dma_wait3A_333 = arith.constant 0 : i32
        %dma_wait3A_334 = arith.constant 0 : i32
        %dma_wait3A_335 = tpu.memref_slice %arg3[%add3A, %add3A_332, %dma_wait3A_333, %dma_wait3A_334] : memref<32x125x2x80xi32, #tpu.memory_space<hbm>> -> memref<1x1x2x80xi32, #tpu.memory_space<hbm>>
        %dma_wait3A_336 = tpu.memref_squeeze %dma_wait3A_335 : memref<1x1x2x80xi32, #tpu.memory_space<hbm>> -> memref<2x80xi32, #tpu.memory_space<hbm>>
        %dma_wait3A_337 = arith.constant 0 : i32
        %dma_wait3A_338 = arith.constant 0 : i32
        %dma_wait3A_339 = tpu.memref_slice %arg3[%add3A, %add3A_332, %dma_wait3A_337, %dma_wait3A_338] : memref<32x125x2x80xi32, #tpu.memory_space<hbm>> -> memref<1x1x2x80xi32, #tpu.memory_space<hbm>>
        %dma_wait3A_340 = tpu.memref_squeeze %dma_wait3A_339 : memref<1x1x2x80xi32, #tpu.memory_space<hbm>> -> memref<2x80xi32, #tpu.memory_space<hbm>>
        tpu.wait_dma2 semaphore(%arg20 : memref<!tpu.dma_semaphore, #tpu.memory_space<semaphore_mem>>) src(%dma_wait3A_340 : memref<2x80xi32, #tpu.memory_space<hbm>>) dst(%arg7 : memref<2x80xi32, #tpu.memory_space<vmem>>)
        %dma_start3A_341 = arith.constant 0 : i32
        %dma_start3A_342 = arith.constant 0 : i32
        %dma_start3A_343 = tpu.memref_slice %arg7[%dma_start3A_341, %dma_start3A_342] : memref<2x80xi32, #tpu.memory_space<vmem>> -> memref<1x80xi32, #tpu.memory_space<vmem>>
        %dma_start3A_344 = tpu.memref_squeeze %dma_start3A_343 : memref<1x80xi32, #tpu.memory_space<vmem>> -> memref<80xi32, #tpu.memory_space<vmem>>
        %dma_start3A_345 = arith.constant 0 : i32
        %dma_start3A_346 = arith.constant 0 : i32
        %dma_start3A_347 = tpu.memref_slice %arg2[%dma_start3A_345, %dma_start3A_346] : memref<10000x128xf32, #tpu.memory_space<hbm>> -> memref<10000x128xf32, #tpu.memory_space<hbm>>
        tpu.enqueue_indirect_dma source(%dma_start3A_347 : memref<10000x128xf32, #tpu.memory_space<hbm>>) target(%arg15 : memref<80x128xf32, #tpu.memory_space<vmem>>) offsets(%dma_start3A_344 : memref<80xi32, #tpu.memory_space<vmem>>) semaphore(%arg28 : memref<!tpu.dma_semaphore, #tpu.memory_space<semaphore_mem>>)
      } else {
      }
      %le3A_109 = arith.constant 124 : i32
      %le3A_110 = arith.cmpi sle, %add3A_88, %le3A_109 : i32
      %convert_element_type3A_111 = arith.extui %le3A_110 : i1 to i32
      %cond3A_112 = arith.constant 0 : i32
      %cond3A_113 = arith.cmpi ne, %convert_element_type3A_111, %cond3A_112 : i32
      scf.if %cond3A_113 {
        %dma_wait3A_331 = arith.constant 0 : i32
        %dma_wait3A_332 = arith.constant 0 : i32
        %dma_wait3A_333 = tpu.memref_slice %arg6[%dma_wait3A_331, %dma_wait3A_332] : memref<2x80xi32, #tpu.memory_space<vmem>> -> memref<1x80xi32, #tpu.memory_space<vmem>>
        %dma_wait3A_334 = tpu.memref_squeeze %dma_wait3A_333 : memref<1x80xi32, #tpu.memory_space<vmem>> -> memref<80xi32, #tpu.memory_space<vmem>>
        %dma_wait3A_335 = arith.constant 0 : i32
        %dma_wait3A_336 = arith.constant 0 : i32
        %dma_wait3A_337 = tpu.memref_slice %arg2[%dma_wait3A_335, %dma_wait3A_336] : memref<10000x128xf32, #tpu.memory_space<hbm>> -> memref<10000x128xf32, #tpu.memory_space<hbm>>
        tpu.wait_indirect_dma semaphore(%arg27 : memref<!tpu.dma_semaphore, #tpu.memory_space<semaphore_mem>>) src(%dma_wait3A_337 : memref<10000x128xf32, #tpu.memory_space<hbm>>) dst(%arg14 : memref<80x128xf32, #tpu.memory_space<vmem>>)
        %dma_start3A_338 = arith.constant 1 : i32
        %dma_start3A_339 = arith.constant 0 : i32
        %dma_start3A_340 = tpu.memref_slice %arg6[%dma_start3A_338, %dma_start3A_339] : memref<2x80xi32, #tpu.memory_space<vmem>> -> memref<1x80xi32, #tpu.memory_space<vmem>>
        %dma_start3A_341 = tpu.memref_squeeze %dma_start3A_340 : memref<1x80xi32, #tpu.memory_space<vmem>> -> memref<80xi32, #tpu.memory_space<vmem>>
        %dma_start3A_342 = arith.constant 0 : i32
        %dma_start3A_343 = arith.constant 0 : i32
        %dma_start3A_344 = tpu.memref_slice %arg18[%dma_start3A_342, %dma_start3A_343] : memref<10000x128xf32, #tpu.memory_space<vmem_shared>> -> memref<10000x128xf32, #tpu.memory_space<vmem_shared>>
        tpu.enqueue_indirect_dma source(%arg14 : memref<80x128xf32, #tpu.memory_space<vmem>>) target(%dma_start3A_344 : memref<10000x128xf32, #tpu.memory_space<vmem_shared>>) offsets(%dma_start3A_341 : memref<80xi32, #tpu.memory_space<vmem>>) semaphore(%arg31 : memref<!tpu.dma_semaphore, #tpu.memory_space<semaphore_mem>>) {add = true}
      } else {
      }
      %add3A_114 = arith.constant 1 : i32
      %add3A_115 = arith.addi %mul3A_86, %add3A_114 : i32
      %ge3A_116 = arith.constant 3 : i32
      %ge3A_117 = arith.cmpi sge, %add3A_115, %ge3A_116 : i32
      %sub3A_118 = arith.constant 3 : i32
      %sub3A_119 = arith.subi %add3A_115, %sub3A_118 : i32
      %le3A_120 = arith.constant 124 : i32
      %le3A_121 = arith.cmpi sle, %sub3A_119, %le3A_120 : i32
      %and3A_122 = arith.andi %ge3A_117, %le3A_121 : i1
      %convert_element_type3A_123 = arith.extui %and3A_122 : i1 to i32
      %cond3A_124 = arith.constant 0 : i32
      %cond3A_125 = arith.cmpi ne, %convert_element_type3A_123, %cond3A_124 : i32
      scf.if %cond3A_125 {
        %dma_wait3A_331 = arith.constant 1 : i32
        %dma_wait3A_332 = arith.constant 0 : i32
        %dma_wait3A_333 = tpu.memref_slice %arg12[%dma_wait3A_331, %dma_wait3A_332] : memref<2x80xi32, #tpu.memory_space<vmem>> -> memref<1x80xi32, #tpu.memory_space<vmem>>
        %dma_wait3A_334 = tpu.memref_squeeze %dma_wait3A_333 : memref<1x80xi32, #tpu.memory_space<vmem>> -> memref<80xi32, #tpu.memory_space<vmem>>
        %dma_wait3A_335 = arith.constant 0 : i32
        %dma_wait3A_336 = arith.constant 0 : i32
        %dma_wait3A_337 = tpu.memref_slice %arg18[%dma_wait3A_335, %dma_wait3A_336] : memref<10000x128xf32, #tpu.memory_space<vmem_shared>> -> memref<10000x128xf32, #tpu.memory_space<vmem_shared>>
        tpu.wait_indirect_dma semaphore(%arg33 : memref<!tpu.dma_semaphore, #tpu.memory_space<semaphore_mem>>) src(%arg16 : memref<80x128xf32, #tpu.memory_space<vmem>>) dst(%dma_wait3A_337 : memref<10000x128xf32, #tpu.memory_space<vmem_shared>>)
      } else {
      }
      %add3A_126 = arith.constant 5 : i32
      %add3A_127 = arith.addi %add3A_115, %add3A_126 : i32
      %le3A_128 = arith.constant 124 : i32
      %le3A_129 = arith.cmpi sle, %add3A_127, %le3A_128 : i32
      %convert_element_type3A_130 = arith.extui %le3A_129 : i1 to i32
      %cond3A_131 = arith.constant 0 : i32
      %cond3A_132 = arith.cmpi ne, %convert_element_type3A_130, %cond3A_131 : i32
      scf.if %cond3A_132 {
        %add3A_331 = arith.constant 5 : i32
        %add3A_332 = arith.addi %add3A_115, %add3A_331 : i32
        %dma_start3A_333 = arith.constant 0 : i32
        %dma_start3A_334 = arith.constant 0 : i32
        %dma_start3A_335 = tpu.memref_slice %arg3[%add3A, %add3A_332, %dma_start3A_333, %dma_start3A_334] : memref<32x125x2x80xi32, #tpu.memory_space<hbm>> -> memref<1x1x2x80xi32, #tpu.memory_space<hbm>>
        %dma_start3A_336 = tpu.memref_squeeze %dma_start3A_335 : memref<1x1x2x80xi32, #tpu.memory_space<hbm>> -> memref<2x80xi32, #tpu.memory_space<hbm>>
        %dma_start3A_337 = arith.constant 0 : i32
        %dma_start3A_338 = arith.constant 0 : i32
        %dma_start3A_339 = tpu.memref_slice %arg3[%add3A, %add3A_332, %dma_start3A_337, %dma_start3A_338] : memref<32x125x2x80xi32, #tpu.memory_space<hbm>> -> memref<1x1x2x80xi32, #tpu.memory_space<hbm>>
        %dma_start3A_340 = tpu.memref_squeeze %dma_start3A_339 : memref<1x1x2x80xi32, #tpu.memory_space<hbm>> -> memref<2x80xi32, #tpu.memory_space<hbm>>
        tpu.enqueue_dma source(%dma_start3A_340 : memref<2x80xi32, #tpu.memory_space<hbm>>) target(%arg12 : memref<2x80xi32, #tpu.memory_space<vmem>>) target_semaphore(%arg25 : memref<!tpu.dma_semaphore, #tpu.memory_space<semaphore_mem>>)
      } else {
      }
      %add3A_133 = arith.constant 1 : i32
      %add3A_134 = arith.addi %add3A_115, %add3A_133 : i32
      %le3A_135 = arith.constant 124 : i32
      %le3A_136 = arith.cmpi sle, %add3A_134, %le3A_135 : i32
      %convert_element_type3A_137 = arith.extui %le3A_136 : i1 to i32
      %cond3A_138 = arith.constant 0 : i32
      %cond3A_139 = arith.cmpi ne, %convert_element_type3A_137, %cond3A_138 : i32
      scf.if %cond3A_139 {
        %add3A_331 = arith.constant 1 : i32
        %add3A_332 = arith.addi %add3A_115, %add3A_331 : i32
        %dma_wait3A_333 = arith.constant 0 : i32
        %dma_wait3A_334 = arith.constant 0 : i32
        %dma_wait3A_335 = tpu.memref_slice %arg3[%add3A, %add3A_332, %dma_wait3A_333, %dma_wait3A_334] : memref<32x125x2x80xi32, #tpu.memory_space<hbm>> -> memref<1x1x2x80xi32, #tpu.memory_space<hbm>>
        %dma_wait3A_336 = tpu.memref_squeeze %dma_wait3A_335 : memref<1x1x2x80xi32, #tpu.memory_space<hbm>> -> memref<2x80xi32, #tpu.memory_space<hbm>>
        %dma_wait3A_337 = arith.constant 0 : i32
        %dma_wait3A_338 = arith.constant 0 : i32
        %dma_wait3A_339 = tpu.memref_slice %arg3[%add3A, %add3A_332, %dma_wait3A_337, %dma_wait3A_338] : memref<32x125x2x80xi32, #tpu.memory_space<hbm>> -> memref<1x1x2x80xi32, #tpu.memory_space<hbm>>
        %dma_wait3A_340 = tpu.memref_squeeze %dma_wait3A_339 : memref<1x1x2x80xi32, #tpu.memory_space<hbm>> -> memref<2x80xi32, #tpu.memory_space<hbm>>
        tpu.wait_dma2 semaphore(%arg21 : memref<!tpu.dma_semaphore, #tpu.memory_space<semaphore_mem>>) src(%dma_wait3A_340 : memref<2x80xi32, #tpu.memory_space<hbm>>) dst(%arg8 : memref<2x80xi32, #tpu.memory_space<vmem>>)
        %dma_start3A_341 = arith.constant 0 : i32
        %dma_start3A_342 = arith.constant 0 : i32
        %dma_start3A_343 = tpu.memref_slice %arg8[%dma_start3A_341, %dma_start3A_342] : memref<2x80xi32, #tpu.memory_space<vmem>> -> memref<1x80xi32, #tpu.memory_space<vmem>>
        %dma_start3A_344 = tpu.memref_squeeze %dma_start3A_343 : memref<1x80xi32, #tpu.memory_space<vmem>> -> memref<80xi32, #tpu.memory_space<vmem>>
        %dma_start3A_345 = arith.constant 0 : i32
        %dma_start3A_346 = arith.constant 0 : i32
        %dma_start3A_347 = tpu.memref_slice %arg2[%dma_start3A_345, %dma_start3A_346] : memref<10000x128xf32, #tpu.memory_space<hbm>> -> memref<10000x128xf32, #tpu.memory_space<hbm>>
        tpu.enqueue_indirect_dma source(%dma_start3A_347 : memref<10000x128xf32, #tpu.memory_space<hbm>>) target(%arg16 : memref<80x128xf32, #tpu.memory_space<vmem>>) offsets(%dma_start3A_344 : memref<80xi32, #tpu.memory_space<vmem>>) semaphore(%arg29 : memref<!tpu.dma_semaphore, #tpu.memory_space<semaphore_mem>>)
      } else {
      }
      %le3A_140 = arith.constant 124 : i32
      %le3A_141 = arith.cmpi sle, %add3A_115, %le3A_140 : i32
      %convert_element_type3A_142 = arith.extui %le3A_141 : i1 to i32
      %cond3A_143 = arith.constant 0 : i32
      %cond3A_144 = arith.cmpi ne, %convert_element_type3A_142, %cond3A_143 : i32
      scf.if %cond3A_144 {
        %dma_wait3A_331 = arith.constant 0 : i32
        %dma_wait3A_332 = arith.constant 0 : i32
        %dma_wait3A_333 = tpu.memref_slice %arg7[%dma_wait3A_331, %dma_wait3A_332] : memref<2x80xi32, #tpu.memory_space<vmem>> -> memref<1x80xi32, #tpu.memory_space<vmem>>
        %dma_wait3A_334 = tpu.memref_squeeze %dma_wait3A_333 : memref<1x80xi32, #tpu.memory_space<vmem>> -> memref<80xi32, #tpu.memory_space<vmem>>
        %dma_wait3A_335 = arith.constant 0 : i32
        %dma_wait3A_336 = arith.constant 0 : i32
        %dma_wait3A_337 = tpu.memref_slice %arg2[%dma_wait3A_335, %dma_wait3A_336] : memref<10000x128xf32, #tpu.memory_space<hbm>> -> memref<10000x128xf32, #tpu.memory_space<hbm>>
        tpu.wait_indirect_dma semaphore(%arg28 : memref<!tpu.dma_semaphore, #tpu.memory_space<semaphore_mem>>) src(%dma_wait3A_337 : memref<10000x128xf32, #tpu.memory_space<hbm>>) dst(%arg15 : memref<80x128xf32, #tpu.memory_space<vmem>>)
        %dma_start3A_338 = arith.constant 1 : i32
        %dma_start3A_339 = arith.constant 0 : i32
        %dma_start3A_340 = tpu.memref_slice %arg7[%dma_start3A_338, %dma_start3A_339] : memref<2x80xi32, #tpu.memory_space<vmem>> -> memref<1x80xi32, #tpu.memory_space<vmem>>
        %dma_start3A_341 = tpu.memref_squeeze %dma_start3A_340 : memref<1x80xi32, #tpu.memory_space<vmem>> -> memref<80xi32, #tpu.memory_space<vmem>>
        %dma_start3A_342 = arith.constant 0 : i32
        %dma_start3A_343 = arith.constant 0 : i32
        %dma_start3A_344 = tpu.memref_slice %arg18[%dma_start3A_342, %dma_start3A_343] : memref<10000x128xf32, #tpu.memory_space<vmem_shared>> -> memref<10000x128xf32, #tpu.memory_space<vmem_shared>>
        tpu.enqueue_indirect_dma source(%arg15 : memref<80x128xf32, #tpu.memory_space<vmem>>) target(%dma_start3A_344 : memref<10000x128xf32, #tpu.memory_space<vmem_shared>>) offsets(%dma_start3A_341 : memref<80xi32, #tpu.memory_space<vmem>>) semaphore(%arg32 : memref<!tpu.dma_semaphore, #tpu.memory_space<semaphore_mem>>) {add = true}
      } else {
      }
      %add3A_145 = arith.constant 2 : i32
      %add3A_146 = arith.addi %mul3A_86, %add3A_145 : i32
      %ge3A_147 = arith.constant 3 : i32
      %ge3A_148 = arith.cmpi sge, %add3A_146, %ge3A_147 : i32
      %sub3A_149 = arith.constant 3 : i32
      %sub3A_150 = arith.subi %add3A_146, %sub3A_149 : i32
      %le3A_151 = arith.constant 124 : i32
      %le3A_152 = arith.cmpi sle, %sub3A_150, %le3A_151 : i32
      %and3A_153 = arith.andi %ge3A_148, %le3A_152 : i1
      %convert_element_type3A_154 = arith.extui %and3A_153 : i1 to i32
      %cond3A_155 = arith.constant 0 : i32
      %cond3A_156 = arith.cmpi ne, %convert_element_type3A_154, %cond3A_155 : i32
      scf.if %cond3A_156 {
        %dma_wait3A_331 = arith.constant 1 : i32
        %dma_wait3A_332 = arith.constant 0 : i32
        %dma_wait3A_333 = tpu.memref_slice %arg13[%dma_wait3A_331, %dma_wait3A_332] : memref<2x80xi32, #tpu.memory_space<vmem>> -> memref<1x80xi32, #tpu.memory_space<vmem>>
        %dma_wait3A_334 = tpu.memref_squeeze %dma_wait3A_333 : memref<1x80xi32, #tpu.memory_space<vmem>> -> memref<80xi32, #tpu.memory_space<vmem>>
        %dma_wait3A_335 = arith.constant 0 : i32
        %dma_wait3A_336 = arith.constant 0 : i32
        %dma_wait3A_337 = tpu.memref_slice %arg18[%dma_wait3A_335, %dma_wait3A_336] : memref<10000x128xf32, #tpu.memory_space<vmem_shared>> -> memref<10000x128xf32, #tpu.memory_space<vmem_shared>>
        tpu.wait_indirect_dma semaphore(%arg34 : memref<!tpu.dma_semaphore, #tpu.memory_space<semaphore_mem>>) src(%arg17 : memref<80x128xf32, #tpu.memory_space<vmem>>) dst(%dma_wait3A_337 : memref<10000x128xf32, #tpu.memory_space<vmem_shared>>)
      } else {
      }
      %add3A_157 = arith.constant 5 : i32
      %add3A_158 = arith.addi %add3A_146, %add3A_157 : i32
      %le3A_159 = arith.constant 124 : i32
      %le3A_160 = arith.cmpi sle, %add3A_158, %le3A_159 : i32
      %convert_element_type3A_161 = arith.extui %le3A_160 : i1 to i32
      %cond3A_162 = arith.constant 0 : i32
      %cond3A_163 = arith.cmpi ne, %convert_element_type3A_161, %cond3A_162 : i32
      scf.if %cond3A_163 {
        %add3A_331 = arith.constant 5 : i32
        %add3A_332 = arith.addi %add3A_146, %add3A_331 : i32
        %dma_start3A_333 = arith.constant 0 : i32
        %dma_start3A_334 = arith.constant 0 : i32
        %dma_start3A_335 = tpu.memref_slice %arg3[%add3A, %add3A_332, %dma_start3A_333, %dma_start3A_334] : memref<32x125x2x80xi32, #tpu.memory_space<hbm>> -> memref<1x1x2x80xi32, #tpu.memory_space<hbm>>
        %dma_start3A_336 = tpu.memref_squeeze %dma_start3A_335 : memref<1x1x2x80xi32, #tpu.memory_space<hbm>> -> memref<2x80xi32, #tpu.memory_space<hbm>>
        %dma_start3A_337 = arith.constant 0 : i32
        %dma_start3A_338 = arith.constant 0 : i32
        %dma_start3A_339 = tpu.memref_slice %arg3[%add3A, %add3A_332, %dma_start3A_337, %dma_start3A_338] : memref<32x125x2x80xi32, #tpu.memory_space<hbm>> -> memref<1x1x2x80xi32, #tpu.memory_space<hbm>>
        %dma_start3A_340 = tpu.memref_squeeze %dma_start3A_339 : memref<1x1x2x80xi32, #tpu.memory_space<hbm>> -> memref<2x80xi32, #tpu.memory_space<hbm>>
        tpu.enqueue_dma source(%dma_start3A_340 : memref<2x80xi32, #tpu.memory_space<hbm>>) target(%arg13 : memref<2x80xi32, #tpu.memory_space<vmem>>) target_semaphore(%arg26 : memref<!tpu.dma_semaphore, #tpu.memory_space<semaphore_mem>>)
      } else {
      }
      %add3A_164 = arith.constant 1 : i32
      %add3A_165 = arith.addi %add3A_146, %add3A_164 : i32
      %le3A_166 = arith.constant 124 : i32
      %le3A_167 = arith.cmpi sle, %add3A_165, %le3A_166 : i32
      %convert_element_type3A_168 = arith.extui %le3A_167 : i1 to i32
      %cond3A_169 = arith.constant 0 : i32
      %cond3A_170 = arith.cmpi ne, %convert_element_type3A_168, %cond3A_169 : i32
      scf.if %cond3A_170 {
        %add3A_331 = arith.constant 1 : i32
        %add3A_332 = arith.addi %add3A_146, %add3A_331 : i32
        %dma_wait3A_333 = arith.constant 0 : i32
        %dma_wait3A_334 = arith.constant 0 : i32
        %dma_wait3A_335 = tpu.memref_slice %arg3[%add3A, %add3A_332, %dma_wait3A_333, %dma_wait3A_334] : memref<32x125x2x80xi32, #tpu.memory_space<hbm>> -> memref<1x1x2x80xi32, #tpu.memory_space<hbm>>
        %dma_wait3A_336 = tpu.memref_squeeze %dma_wait3A_335 : memref<1x1x2x80xi32, #tpu.memory_space<hbm>> -> memref<2x80xi32, #tpu.memory_space<hbm>>
        %dma_wait3A_337 = arith.constant 0 : i32
        %dma_wait3A_338 = arith.constant 0 : i32
        %dma_wait3A_339 = tpu.memref_slice %arg3[%add3A, %add3A_332, %dma_wait3A_337, %dma_wait3A_338] : memref<32x125x2x80xi32, #tpu.memory_space<hbm>> -> memref<1x1x2x80xi32, #tpu.memory_space<hbm>>
        %dma_wait3A_340 = tpu.memref_squeeze %dma_wait3A_339 : memref<1x1x2x80xi32, #tpu.memory_space<hbm>> -> memref<2x80xi32, #tpu.memory_space<hbm>>
        tpu.wait_dma2 semaphore(%arg22 : memref<!tpu.dma_semaphore, #tpu.memory_space<semaphore_mem>>) src(%dma_wait3A_340 : memref<2x80xi32, #tpu.memory_space<hbm>>) dst(%arg9 : memref<2x80xi32, #tpu.memory_space<vmem>>)
        %dma_start3A_341 = arith.constant 0 : i32
        %dma_start3A_342 = arith.constant 0 : i32
        %dma_start3A_343 = tpu.memref_slice %arg9[%dma_start3A_341, %dma_start3A_342] : memref<2x80xi32, #tpu.memory_space<vmem>> -> memref<1x80xi32, #tpu.memory_space<vmem>>
        %dma_start3A_344 = tpu.memref_squeeze %dma_start3A_343 : memref<1x80xi32, #tpu.memory_space<vmem>> -> memref<80xi32, #tpu.memory_space<vmem>>
        %dma_start3A_345 = arith.constant 0 : i32
        %dma_start3A_346 = arith.constant 0 : i32
        %dma_start3A_347 = tpu.memref_slice %arg2[%dma_start3A_345, %dma_start3A_346] : memref<10000x128xf32, #tpu.memory_space<hbm>> -> memref<10000x128xf32, #tpu.memory_space<hbm>>
        tpu.enqueue_indirect_dma source(%dma_start3A_347 : memref<10000x128xf32, #tpu.memory_space<hbm>>) target(%arg17 : memref<80x128xf32, #tpu.memory_space<vmem>>) offsets(%dma_start3A_344 : memref<80xi32, #tpu.memory_space<vmem>>) semaphore(%arg30 : memref<!tpu.dma_semaphore, #tpu.memory_space<semaphore_mem>>)
      } else {
      }
      %le3A_171 = arith.constant 124 : i32
      %le3A_172 = arith.cmpi sle, %add3A_146, %le3A_171 : i32
      %convert_element_type3A_173 = arith.extui %le3A_172 : i1 to i32
      %cond3A_174 = arith.constant 0 : i32
      %cond3A_175 = arith.cmpi ne, %convert_element_type3A_173, %cond3A_174 : i32
      scf.if %cond3A_175 {
        %dma_wait3A_331 = arith.constant 0 : i32
        %dma_wait3A_332 = arith.constant 0 : i32
        %dma_wait3A_333 = tpu.memref_slice %arg8[%dma_wait3A_331, %dma_wait3A_332] : memref<2x80xi32, #tpu.memory_space<vmem>> -> memref<1x80xi32, #tpu.memory_space<vmem>>
        %dma_wait3A_334 = tpu.memref_squeeze %dma_wait3A_333 : memref<1x80xi32, #tpu.memory_space<vmem>> -> memref<80xi32, #tpu.memory_space<vmem>>
        %dma_wait3A_335 = arith.constant 0 : i32
        %dma_wait3A_336 = arith.constant 0 : i32
        %dma_wait3A_337 = tpu.memref_slice %arg2[%dma_wait3A_335, %dma_wait3A_336] : memref<10000x128xf32, #tpu.memory_space<hbm>> -> memref<10000x128xf32, #tpu.memory_space<hbm>>
        tpu.wait_indirect_dma semaphore(%arg29 : memref<!tpu.dma_semaphore, #tpu.memory_space<semaphore_mem>>) src(%dma_wait3A_337 : memref<10000x128xf32, #tpu.memory_space<hbm>>) dst(%arg16 : memref<80x128xf32, #tpu.memory_space<vmem>>)
        %dma_start3A_338 = arith.constant 1 : i32
        %dma_start3A_339 = arith.constant 0 : i32
        %dma_start3A_340 = tpu.memref_slice %arg8[%dma_start3A_338, %dma_start3A_339] : memref<2x80xi32, #tpu.memory_space<vmem>> -> memref<1x80xi32, #tpu.memory_space<vmem>>
        %dma_start3A_341 = tpu.memref_squeeze %dma_start3A_340 : memref<1x80xi32, #tpu.memory_space<vmem>> -> memref<80xi32, #tpu.memory_space<vmem>>
        %dma_start3A_342 = arith.constant 0 : i32
        %dma_start3A_343 = arith.constant 0 : i32
        %dma_start3A_344 = tpu.memref_slice %arg18[%dma_start3A_342, %dma_start3A_343] : memref<10000x128xf32, #tpu.memory_space<vmem_shared>> -> memref<10000x128xf32, #tpu.memory_space<vmem_shared>>
        tpu.enqueue_indirect_dma source(%arg16 : memref<80x128xf32, #tpu.memory_space<vmem>>) target(%dma_start3A_344 : memref<10000x128xf32, #tpu.memory_space<vmem_shared>>) offsets(%dma_start3A_341 : memref<80xi32, #tpu.memory_space<vmem>>) semaphore(%arg33 : memref<!tpu.dma_semaphore, #tpu.memory_space<semaphore_mem>>) {add = true}
      } else {
      }
      %add3A_176 = arith.constant 3 : i32
      %add3A_177 = arith.addi %mul3A_86, %add3A_176 : i32
      %ge3A_178 = arith.constant 3 : i32
      %ge3A_179 = arith.cmpi sge, %add3A_177, %ge3A_178 : i32
      %sub3A_180 = arith.constant 3 : i32
      %sub3A_181 = arith.subi %add3A_177, %sub3A_180 : i32
      %le3A_182 = arith.constant 124 : i32
      %le3A_183 = arith.cmpi sle, %sub3A_181, %le3A_182 : i32
      %and3A_184 = arith.andi %ge3A_179, %le3A_183 : i1
      %convert_element_type3A_185 = arith.extui %and3A_184 : i1 to i32
      %cond3A_186 = arith.constant 0 : i32
      %cond3A_187 = arith.cmpi ne, %convert_element_type3A_185, %cond3A_186 : i32
      scf.if %cond3A_187 {
        %dma_wait3A_331 = arith.constant 1 : i32
        %dma_wait3A_332 = arith.constant 0 : i32
        %dma_wait3A_333 = tpu.memref_slice %arg6[%dma_wait3A_331, %dma_wait3A_332] : memref<2x80xi32, #tpu.memory_space<vmem>> -> memref<1x80xi32, #tpu.memory_space<vmem>>
        %dma_wait3A_334 = tpu.memref_squeeze %dma_wait3A_333 : memref<1x80xi32, #tpu.memory_space<vmem>> -> memref<80xi32, #tpu.memory_space<vmem>>
        %dma_wait3A_335 = arith.constant 0 : i32
        %dma_wait3A_336 = arith.constant 0 : i32
        %dma_wait3A_337 = tpu.memref_slice %arg18[%dma_wait3A_335, %dma_wait3A_336] : memref<10000x128xf32, #tpu.memory_space<vmem_shared>> -> memref<10000x128xf32, #tpu.memory_space<vmem_shared>>
        tpu.wait_indirect_dma semaphore(%arg31 : memref<!tpu.dma_semaphore, #tpu.memory_space<semaphore_mem>>) src(%arg14 : memref<80x128xf32, #tpu.memory_space<vmem>>) dst(%dma_wait3A_337 : memref<10000x128xf32, #tpu.memory_space<vmem_shared>>)
      } else {
      }
      %add3A_188 = arith.constant 5 : i32
      %add3A_189 = arith.addi %add3A_177, %add3A_188 : i32
      %le3A_190 = arith.constant 124 : i32
      %le3A_191 = arith.cmpi sle, %add3A_189, %le3A_190 : i32
      %convert_element_type3A_192 = arith.extui %le3A_191 : i1 to i32
      %cond3A_193 = arith.constant 0 : i32
      %cond3A_194 = arith.cmpi ne, %convert_element_type3A_192, %cond3A_193 : i32
      scf.if %cond3A_194 {
        %add3A_331 = arith.constant 5 : i32
        %add3A_332 = arith.addi %add3A_177, %add3A_331 : i32
        %dma_start3A_333 = arith.constant 0 : i32
        %dma_start3A_334 = arith.constant 0 : i32
        %dma_start3A_335 = tpu.memref_slice %arg3[%add3A, %add3A_332, %dma_start3A_333, %dma_start3A_334] : memref<32x125x2x80xi32, #tpu.memory_space<hbm>> -> memref<1x1x2x80xi32, #tpu.memory_space<hbm>>
        %dma_start3A_336 = tpu.memref_squeeze %dma_start3A_335 : memref<1x1x2x80xi32, #tpu.memory_space<hbm>> -> memref<2x80xi32, #tpu.memory_space<hbm>>
        %dma_start3A_337 = arith.constant 0 : i32
        %dma_start3A_338 = arith.constant 0 : i32
        %dma_start3A_339 = tpu.memref_slice %arg3[%add3A, %add3A_332, %dma_start3A_337, %dma_start3A_338] : memref<32x125x2x80xi32, #tpu.memory_space<hbm>> -> memref<1x1x2x80xi32, #tpu.memory_space<hbm>>
        %dma_start3A_340 = tpu.memref_squeeze %dma_start3A_339 : memref<1x1x2x80xi32, #tpu.memory_space<hbm>> -> memref<2x80xi32, #tpu.memory_space<hbm>>
        tpu.enqueue_dma source(%dma_start3A_340 : memref<2x80xi32, #tpu.memory_space<hbm>>) target(%arg6 : memref<2x80xi32, #tpu.memory_space<vmem>>) target_semaphore(%arg19 : memref<!tpu.dma_semaphore, #tpu.memory_space<semaphore_mem>>)
      } else {
      }
      %add3A_195 = arith.constant 1 : i32
      %add3A_196 = arith.addi %add3A_177, %add3A_195 : i32
      %le3A_197 = arith.constant 124 : i32
      %le3A_198 = arith.cmpi sle, %add3A_196, %le3A_197 : i32
      %convert_element_type3A_199 = arith.extui %le3A_198 : i1 to i32
      %cond3A_200 = arith.constant 0 : i32
      %cond3A_201 = arith.cmpi ne, %convert_element_type3A_199, %cond3A_200 : i32
      scf.if %cond3A_201 {
        %add3A_331 = arith.constant 1 : i32
        %add3A_332 = arith.addi %add3A_177, %add3A_331 : i32
        %dma_wait3A_333 = arith.constant 0 : i32
        %dma_wait3A_334 = arith.constant 0 : i32
        %dma_wait3A_335 = tpu.memref_slice %arg3[%add3A, %add3A_332, %dma_wait3A_333, %dma_wait3A_334] : memref<32x125x2x80xi32, #tpu.memory_space<hbm>> -> memref<1x1x2x80xi32, #tpu.memory_space<hbm>>
        %dma_wait3A_336 = tpu.memref_squeeze %dma_wait3A_335 : memref<1x1x2x80xi32, #tpu.memory_space<hbm>> -> memref<2x80xi32, #tpu.memory_space<hbm>>
        %dma_wait3A_337 = arith.constant 0 : i32
        %dma_wait3A_338 = arith.constant 0 : i32
        %dma_wait3A_339 = tpu.memref_slice %arg3[%add3A, %add3A_332, %dma_wait3A_337, %dma_wait3A_338] : memref<32x125x2x80xi32, #tpu.memory_space<hbm>> -> memref<1x1x2x80xi32, #tpu.memory_space<hbm>>
        %dma_wait3A_340 = tpu.memref_squeeze %dma_wait3A_339 : memref<1x1x2x80xi32, #tpu.memory_space<hbm>> -> memref<2x80xi32, #tpu.memory_space<hbm>>
        tpu.wait_dma2 semaphore(%arg23 : memref<!tpu.dma_semaphore, #tpu.memory_space<semaphore_mem>>) src(%dma_wait3A_340 : memref<2x80xi32, #tpu.memory_space<hbm>>) dst(%arg10 : memref<2x80xi32, #tpu.memory_space<vmem>>)
        %dma_start3A_341 = arith.constant 0 : i32
        %dma_start3A_342 = arith.constant 0 : i32
        %dma_start3A_343 = tpu.memref_slice %arg10[%dma_start3A_341, %dma_start3A_342] : memref<2x80xi32, #tpu.memory_space<vmem>> -> memref<1x80xi32, #tpu.memory_space<vmem>>
        %dma_start3A_344 = tpu.memref_squeeze %dma_start3A_343 : memref<1x80xi32, #tpu.memory_space<vmem>> -> memref<80xi32, #tpu.memory_space<vmem>>
        %dma_start3A_345 = arith.constant 0 : i32
        %dma_start3A_346 = arith.constant 0 : i32
        %dma_start3A_347 = tpu.memref_slice %arg2[%dma_start3A_345, %dma_start3A_346] : memref<10000x128xf32, #tpu.memory_space<hbm>> -> memref<10000x128xf32, #tpu.memory_space<hbm>>
        tpu.enqueue_indirect_dma source(%dma_start3A_347 : memref<10000x128xf32, #tpu.memory_space<hbm>>) target(%arg14 : memref<80x128xf32, #tpu.memory_space<vmem>>) offsets(%dma_start3A_344 : memref<80xi32, #tpu.memory_space<vmem>>) semaphore(%arg27 : memref<!tpu.dma_semaphore, #tpu.memory_space<semaphore_mem>>)
      } else {
      }
      %le3A_202 = arith.constant 124 : i32
      %le3A_203 = arith.cmpi sle, %add3A_177, %le3A_202 : i32
      %convert_element_type3A_204 = arith.extui %le3A_203 : i1 to i32
      %cond3A_205 = arith.constant 0 : i32
      %cond3A_206 = arith.cmpi ne, %convert_element_type3A_204, %cond3A_205 : i32
      scf.if %cond3A_206 {
        %dma_wait3A_331 = arith.constant 0 : i32
        %dma_wait3A_332 = arith.constant 0 : i32
        %dma_wait3A_333 = tpu.memref_slice %arg9[%dma_wait3A_331, %dma_wait3A_332] : memref<2x80xi32, #tpu.memory_space<vmem>> -> memref<1x80xi32, #tpu.memory_space<vmem>>
        %dma_wait3A_334 = tpu.memref_squeeze %dma_wait3A_333 : memref<1x80xi32, #tpu.memory_space<vmem>> -> memref<80xi32, #tpu.memory_space<vmem>>
        %dma_wait3A_335 = arith.constant 0 : i32
        %dma_wait3A_336 = arith.constant 0 : i32
        %dma_wait3A_337 = tpu.memref_slice %arg2[%dma_wait3A_335, %dma_wait3A_336] : memref<10000x128xf32, #tpu.memory_space<hbm>> -> memref<10000x128xf32, #tpu.memory_space<hbm>>
        tpu.wait_indirect_dma semaphore(%arg30 : memref<!tpu.dma_semaphore, #tpu.memory_space<semaphore_mem>>) src(%dma_wait3A_337 : memref<10000x128xf32, #tpu.memory_space<hbm>>) dst(%arg17 : memref<80x128xf32, #tpu.memory_space<vmem>>)
        %dma_start3A_338 = arith.constant 1 : i32
        %dma_start3A_339 = arith.constant 0 : i32
        %dma_start3A_340 = tpu.memref_slice %arg9[%dma_start3A_338, %dma_start3A_339] : memref<2x80xi32, #tpu.memory_space<vmem>> -> memref<1x80xi32, #tpu.memory_space<vmem>>
        %dma_start3A_341 = tpu.memref_squeeze %dma_start3A_340 : memref<1x80xi32, #tpu.memory_space<vmem>> -> memref<80xi32, #tpu.memory_space<vmem>>
        %dma_start3A_342 = arith.constant 0 : i32
        %dma_start3A_343 = arith.constant 0 : i32
        %dma_start3A_344 = tpu.memref_slice %arg18[%dma_start3A_342, %dma_start3A_343] : memref<10000x128xf32, #tpu.memory_space<vmem_shared>> -> memref<10000x128xf32, #tpu.memory_space<vmem_shared>>
        tpu.enqueue_indirect_dma source(%arg17 : memref<80x128xf32, #tpu.memory_space<vmem>>) target(%dma_start3A_344 : memref<10000x128xf32, #tpu.memory_space<vmem_shared>>) offsets(%dma_start3A_341 : memref<80xi32, #tpu.memory_space<vmem>>) semaphore(%arg34 : memref<!tpu.dma_semaphore, #tpu.memory_space<semaphore_mem>>) {add = true}
      } else {
      }
      %add3A_207 = arith.constant 4 : i32
      %add3A_208 = arith.addi %mul3A_86, %add3A_207 : i32
      %ge3A_209 = arith.constant 3 : i32
      %ge3A_210 = arith.cmpi sge, %add3A_208, %ge3A_209 : i32
      %sub3A_211 = arith.constant 3 : i32
      %sub3A_212 = arith.subi %add3A_208, %sub3A_211 : i32
      %le3A_213 = arith.constant 124 : i32
      %le3A_214 = arith.cmpi sle, %sub3A_212, %le3A_213 : i32
      %and3A_215 = arith.andi %ge3A_210, %le3A_214 : i1
      %convert_element_type3A_216 = arith.extui %and3A_215 : i1 to i32
      %cond3A_217 = arith.constant 0 : i32
      %cond3A_218 = arith.cmpi ne, %convert_element_type3A_216, %cond3A_217 : i32
      scf.if %cond3A_218 {
        %dma_wait3A_331 = arith.constant 1 : i32
        %dma_wait3A_332 = arith.constant 0 : i32
        %dma_wait3A_333 = tpu.memref_slice %arg7[%dma_wait3A_331, %dma_wait3A_332] : memref<2x80xi32, #tpu.memory_space<vmem>> -> memref<1x80xi32, #tpu.memory_space<vmem>>
        %dma_wait3A_334 = tpu.memref_squeeze %dma_wait3A_333 : memref<1x80xi32, #tpu.memory_space<vmem>> -> memref<80xi32, #tpu.memory_space<vmem>>
        %dma_wait3A_335 = arith.constant 0 : i32
        %dma_wait3A_336 = arith.constant 0 : i32
        %dma_wait3A_337 = tpu.memref_slice %arg18[%dma_wait3A_335, %dma_wait3A_336] : memref<10000x128xf32, #tpu.memory_space<vmem_shared>> -> memref<10000x128xf32, #tpu.memory_space<vmem_shared>>
        tpu.wait_indirect_dma semaphore(%arg32 : memref<!tpu.dma_semaphore, #tpu.memory_space<semaphore_mem>>) src(%arg15 : memref<80x128xf32, #tpu.memory_space<vmem>>) dst(%dma_wait3A_337 : memref<10000x128xf32, #tpu.memory_space<vmem_shared>>)
      } else {
      }
      %add3A_219 = arith.constant 5 : i32
      %add3A_220 = arith.addi %add3A_208, %add3A_219 : i32
      %le3A_221 = arith.constant 124 : i32
      %le3A_222 = arith.cmpi sle, %add3A_220, %le3A_221 : i32
      %convert_element_type3A_223 = arith.extui %le3A_222 : i1 to i32
      %cond3A_224 = arith.constant 0 : i32
      %cond3A_225 = arith.cmpi ne, %convert_element_type3A_223, %cond3A_224 : i32
      scf.if %cond3A_225 {
        %add3A_331 = arith.constant 5 : i32
        %add3A_332 = arith.addi %add3A_208, %add3A_331 : i32
        %dma_start3A_333 = arith.constant 0 : i32
        %dma_start3A_334 = arith.constant 0 : i32
        %dma_start3A_335 = tpu.memref_slice %arg3[%add3A, %add3A_332, %dma_start3A_333, %dma_start3A_334] : memref<32x125x2x80xi32, #tpu.memory_space<hbm>> -> memref<1x1x2x80xi32, #tpu.memory_space<hbm>>
        %dma_start3A_336 = tpu.memref_squeeze %dma_start3A_335 : memref<1x1x2x80xi32, #tpu.memory_space<hbm>> -> memref<2x80xi32, #tpu.memory_space<hbm>>
        %dma_start3A_337 = arith.constant 0 : i32
        %dma_start3A_338 = arith.constant 0 : i32
        %dma_start3A_339 = tpu.memref_slice %arg3[%add3A, %add3A_332, %dma_start3A_337, %dma_start3A_338] : memref<32x125x2x80xi32, #tpu.memory_space<hbm>> -> memref<1x1x2x80xi32, #tpu.memory_space<hbm>>
        %dma_start3A_340 = tpu.memref_squeeze %dma_start3A_339 : memref<1x1x2x80xi32, #tpu.memory_space<hbm>> -> memref<2x80xi32, #tpu.memory_space<hbm>>
        tpu.enqueue_dma source(%dma_start3A_340 : memref<2x80xi32, #tpu.memory_space<hbm>>) target(%arg7 : memref<2x80xi32, #tpu.memory_space<vmem>>) target_semaphore(%arg20 : memref<!tpu.dma_semaphore, #tpu.memory_space<semaphore_mem>>)
      } else {
      }
      %add3A_226 = arith.constant 1 : i32
      %add3A_227 = arith.addi %add3A_208, %add3A_226 : i32
      %le3A_228 = arith.constant 124 : i32
      %le3A_229 = arith.cmpi sle, %add3A_227, %le3A_228 : i32
      %convert_element_type3A_230 = arith.extui %le3A_229 : i1 to i32
      %cond3A_231 = arith.constant 0 : i32
      %cond3A_232 = arith.cmpi ne, %convert_element_type3A_230, %cond3A_231 : i32
      scf.if %cond3A_232 {
        %add3A_331 = arith.constant 1 : i32
        %add3A_332 = arith.addi %add3A_208, %add3A_331 : i32
        %dma_wait3A_333 = arith.constant 0 : i32
        %dma_wait3A_334 = arith.constant 0 : i32
        %dma_wait3A_335 = tpu.memref_slice %arg3[%add3A, %add3A_332, %dma_wait3A_333, %dma_wait3A_334] : memref<32x125x2x80xi32, #tpu.memory_space<hbm>> -> memref<1x1x2x80xi32, #tpu.memory_space<hbm>>
        %dma_wait3A_336 = tpu.memref_squeeze %dma_wait3A_335 : memref<1x1x2x80xi32, #tpu.memory_space<hbm>> -> memref<2x80xi32, #tpu.memory_space<hbm>>
        %dma_wait3A_337 = arith.constant 0 : i32
        %dma_wait3A_338 = arith.constant 0 : i32
        %dma_wait3A_339 = tpu.memref_slice %arg3[%add3A, %add3A_332, %dma_wait3A_337, %dma_wait3A_338] : memref<32x125x2x80xi32, #tpu.memory_space<hbm>> -> memref<1x1x2x80xi32, #tpu.memory_space<hbm>>
        %dma_wait3A_340 = tpu.memref_squeeze %dma_wait3A_339 : memref<1x1x2x80xi32, #tpu.memory_space<hbm>> -> memref<2x80xi32, #tpu.memory_space<hbm>>
        tpu.wait_dma2 semaphore(%arg24 : memref<!tpu.dma_semaphore, #tpu.memory_space<semaphore_mem>>) src(%dma_wait3A_340 : memref<2x80xi32, #tpu.memory_space<hbm>>) dst(%arg11 : memref<2x80xi32, #tpu.memory_space<vmem>>)
        %dma_start3A_341 = arith.constant 0 : i32
        %dma_start3A_342 = arith.constant 0 : i32
        %dma_start3A_343 = tpu.memref_slice %arg11[%dma_start3A_341, %dma_start3A_342] : memref<2x80xi32, #tpu.memory_space<vmem>> -> memref<1x80xi32, #tpu.memory_space<vmem>>
        %dma_start3A_344 = tpu.memref_squeeze %dma_start3A_343 : memref<1x80xi32, #tpu.memory_space<vmem>> -> memref<80xi32, #tpu.memory_space<vmem>>
        %dma_start3A_345 = arith.constant 0 : i32
        %dma_start3A_346 = arith.constant 0 : i32
        %dma_start3A_347 = tpu.memref_slice %arg2[%dma_start3A_345, %dma_start3A_346] : memref<10000x128xf32, #tpu.memory_space<hbm>> -> memref<10000x128xf32, #tpu.memory_space<hbm>>
        tpu.enqueue_indirect_dma source(%dma_start3A_347 : memref<10000x128xf32, #tpu.memory_space<hbm>>) target(%arg15 : memref<80x128xf32, #tpu.memory_space<vmem>>) offsets(%dma_start3A_344 : memref<80xi32, #tpu.memory_space<vmem>>) semaphore(%arg28 : memref<!tpu.dma_semaphore, #tpu.memory_space<semaphore_mem>>)
      } else {
      }
      %le3A_233 = arith.constant 124 : i32
      %le3A_234 = arith.cmpi sle, %add3A_208, %le3A_233 : i32
      %convert_element_type3A_235 = arith.extui %le3A_234 : i1 to i32
      %cond3A_236 = arith.constant 0 : i32
      %cond3A_237 = arith.cmpi ne, %convert_element_type3A_235, %cond3A_236 : i32
      scf.if %cond3A_237 {
        %dma_wait3A_331 = arith.constant 0 : i32
        %dma_wait3A_332 = arith.constant 0 : i32
        %dma_wait3A_333 = tpu.memref_slice %arg10[%dma_wait3A_331, %dma_wait3A_332] : memref<2x80xi32, #tpu.memory_space<vmem>> -> memref<1x80xi32, #tpu.memory_space<vmem>>
        %dma_wait3A_334 = tpu.memref_squeeze %dma_wait3A_333 : memref<1x80xi32, #tpu.memory_space<vmem>> -> memref<80xi32, #tpu.memory_space<vmem>>
        %dma_wait3A_335 = arith.constant 0 : i32
        %dma_wait3A_336 = arith.constant 0 : i32
        %dma_wait3A_337 = tpu.memref_slice %arg2[%dma_wait3A_335, %dma_wait3A_336] : memref<10000x128xf32, #tpu.memory_space<hbm>> -> memref<10000x128xf32, #tpu.memory_space<hbm>>
        tpu.wait_indirect_dma semaphore(%arg27 : memref<!tpu.dma_semaphore, #tpu.memory_space<semaphore_mem>>) src(%dma_wait3A_337 : memref<10000x128xf32, #tpu.memory_space<hbm>>) dst(%arg14 : memref<80x128xf32, #tpu.memory_space<vmem>>)
        %dma_start3A_338 = arith.constant 1 : i32
        %dma_start3A_339 = arith.constant 0 : i32
        %dma_start3A_340 = tpu.memref_slice %arg10[%dma_start3A_338, %dma_start3A_339] : memref<2x80xi32, #tpu.memory_space<vmem>> -> memref<1x80xi32, #tpu.memory_space<vmem>>
        %dma_start3A_341 = tpu.memref_squeeze %dma_start3A_340 : memref<1x80xi32, #tpu.memory_space<vmem>> -> memref<80xi32, #tpu.memory_space<vmem>>
        %dma_start3A_342 = arith.constant 0 : i32
        %dma_start3A_343 = arith.constant 0 : i32
        %dma_start3A_344 = tpu.memref_slice %arg18[%dma_start3A_342, %dma_start3A_343] : memref<10000x128xf32, #tpu.memory_space<vmem_shared>> -> memref<10000x128xf32, #tpu.memory_space<vmem_shared>>
        tpu.enqueue_indirect_dma source(%arg14 : memref<80x128xf32, #tpu.memory_space<vmem>>) target(%dma_start3A_344 : memref<10000x128xf32, #tpu.memory_space<vmem_shared>>) offsets(%dma_start3A_341 : memref<80xi32, #tpu.memory_space<vmem>>) semaphore(%arg31 : memref<!tpu.dma_semaphore, #tpu.memory_space<semaphore_mem>>) {add = true}
      } else {
      }
      %add3A_238 = arith.constant 5 : i32
      %add3A_239 = arith.addi %mul3A_86, %add3A_238 : i32
      %ge3A_240 = arith.constant 3 : i32
      %ge3A_241 = arith.cmpi sge, %add3A_239, %ge3A_240 : i32
      %sub3A_242 = arith.constant 3 : i32
      %sub3A_243 = arith.subi %add3A_239, %sub3A_242 : i32
      %le3A_244 = arith.constant 124 : i32
      %le3A_245 = arith.cmpi sle, %sub3A_243, %le3A_244 : i32
      %and3A_246 = arith.andi %ge3A_241, %le3A_245 : i1
      %convert_element_type3A_247 = arith.extui %and3A_246 : i1 to i32
      %cond3A_248 = arith.constant 0 : i32
      %cond3A_249 = arith.cmpi ne, %convert_element_type3A_247, %cond3A_248 : i32
      scf.if %cond3A_249 {
        %dma_wait3A_331 = arith.constant 1 : i32
        %dma_wait3A_332 = arith.constant 0 : i32
        %dma_wait3A_333 = tpu.memref_slice %arg8[%dma_wait3A_331, %dma_wait3A_332] : memref<2x80xi32, #tpu.memory_space<vmem>> -> memref<1x80xi32, #tpu.memory_space<vmem>>
        %dma_wait3A_334 = tpu.memref_squeeze %dma_wait3A_333 : memref<1x80xi32, #tpu.memory_space<vmem>> -> memref<80xi32, #tpu.memory_space<vmem>>
        %dma_wait3A_335 = arith.constant 0 : i32
        %dma_wait3A_336 = arith.constant 0 : i32
        %dma_wait3A_337 = tpu.memref_slice %arg18[%dma_wait3A_335, %dma_wait3A_336] : memref<10000x128xf32, #tpu.memory_space<vmem_shared>> -> memref<10000x128xf32, #tpu.memory_space<vmem_shared>>
        tpu.wait_indirect_dma semaphore(%arg33 : memref<!tpu.dma_semaphore, #tpu.memory_space<semaphore_mem>>) src(%arg16 : memref<80x128xf32, #tpu.memory_space<vmem>>) dst(%dma_wait3A_337 : memref<10000x128xf32, #tpu.memory_space<vmem_shared>>)
      } else {
      }
      %add3A_250 = arith.constant 5 : i32
      %add3A_251 = arith.addi %add3A_239, %add3A_250 : i32
      %le3A_252 = arith.constant 124 : i32
      %le3A_253 = arith.cmpi sle, %add3A_251, %le3A_252 : i32
      %convert_element_type3A_254 = arith.extui %le3A_253 : i1 to i32
      %cond3A_255 = arith.constant 0 : i32
      %cond3A_256 = arith.cmpi ne, %convert_element_type3A_254, %cond3A_255 : i32
      scf.if %cond3A_256 {
        %add3A_331 = arith.constant 5 : i32
        %add3A_332 = arith.addi %add3A_239, %add3A_331 : i32
        %dma_start3A_333 = arith.constant 0 : i32
        %dma_start3A_334 = arith.constant 0 : i32
        %dma_start3A_335 = tpu.memref_slice %arg3[%add3A, %add3A_332, %dma_start3A_333, %dma_start3A_334] : memref<32x125x2x80xi32, #tpu.memory_space<hbm>> -> memref<1x1x2x80xi32, #tpu.memory_space<hbm>>
        %dma_start3A_336 = tpu.memref_squeeze %dma_start3A_335 : memref<1x1x2x80xi32, #tpu.memory_space<hbm>> -> memref<2x80xi32, #tpu.memory_space<hbm>>
        %dma_start3A_337 = arith.constant 0 : i32
        %dma_start3A_338 = arith.constant 0 : i32
        %dma_start3A_339 = tpu.memref_slice %arg3[%add3A, %add3A_332, %dma_start3A_337, %dma_start3A_338] : memref<32x125x2x80xi32, #tpu.memory_space<hbm>> -> memref<1x1x2x80xi32, #tpu.memory_space<hbm>>
        %dma_start3A_340 = tpu.memref_squeeze %dma_start3A_339 : memref<1x1x2x80xi32, #tpu.memory_space<hbm>> -> memref<2x80xi32, #tpu.memory_space<hbm>>
        tpu.enqueue_dma source(%dma_start3A_340 : memref<2x80xi32, #tpu.memory_space<hbm>>) target(%arg8 : memref<2x80xi32, #tpu.memory_space<vmem>>) target_semaphore(%arg21 : memref<!tpu.dma_semaphore, #tpu.memory_space<semaphore_mem>>)
      } else {
      }
      %add3A_257 = arith.constant 1 : i32
      %add3A_258 = arith.addi %add3A_239, %add3A_257 : i32
      %le3A_259 = arith.constant 124 : i32
      %le3A_260 = arith.cmpi sle, %add3A_258, %le3A_259 : i32
      %convert_element_type3A_261 = arith.extui %le3A_260 : i1 to i32
      %cond3A_262 = arith.constant 0 : i32
      %cond3A_263 = arith.cmpi ne, %convert_element_type3A_261, %cond3A_262 : i32
      scf.if %cond3A_263 {
        %add3A_331 = arith.constant 1 : i32
        %add3A_332 = arith.addi %add3A_239, %add3A_331 : i32
        %dma_wait3A_333 = arith.constant 0 : i32
        %dma_wait3A_334 = arith.constant 0 : i32
        %dma_wait3A_335 = tpu.memref_slice %arg3[%add3A, %add3A_332, %dma_wait3A_333, %dma_wait3A_334] : memref<32x125x2x80xi32, #tpu.memory_space<hbm>> -> memref<1x1x2x80xi32, #tpu.memory_space<hbm>>
        %dma_wait3A_336 = tpu.memref_squeeze %dma_wait3A_335 : memref<1x1x2x80xi32, #tpu.memory_space<hbm>> -> memref<2x80xi32, #tpu.memory_space<hbm>>
        %dma_wait3A_337 = arith.constant 0 : i32
        %dma_wait3A_338 = arith.constant 0 : i32
        %dma_wait3A_339 = tpu.memref_slice %arg3[%add3A, %add3A_332, %dma_wait3A_337, %dma_wait3A_338] : memref<32x125x2x80xi32, #tpu.memory_space<hbm>> -> memref<1x1x2x80xi32, #tpu.memory_space<hbm>>
        %dma_wait3A_340 = tpu.memref_squeeze %dma_wait3A_339 : memref<1x1x2x80xi32, #tpu.memory_space<hbm>> -> memref<2x80xi32, #tpu.memory_space<hbm>>
        tpu.wait_dma2 semaphore(%arg25 : memref<!tpu.dma_semaphore, #tpu.memory_space<semaphore_mem>>) src(%dma_wait3A_340 : memref<2x80xi32, #tpu.memory_space<hbm>>) dst(%arg12 : memref<2x80xi32, #tpu.memory_space<vmem>>)
        %dma_start3A_341 = arith.constant 0 : i32
        %dma_start3A_342 = arith.constant 0 : i32
        %dma_start3A_343 = tpu.memref_slice %arg12[%dma_start3A_341, %dma_start3A_342] : memref<2x80xi32, #tpu.memory_space<vmem>> -> memref<1x80xi32, #tpu.memory_space<vmem>>
        %dma_start3A_344 = tpu.memref_squeeze %dma_start3A_343 : memref<1x80xi32, #tpu.memory_space<vmem>> -> memref<80xi32, #tpu.memory_space<vmem>>
        %dma_start3A_345 = arith.constant 0 : i32
        %dma_start3A_346 = arith.constant 0 : i32
        %dma_start3A_347 = tpu.memref_slice %arg2[%dma_start3A_345, %dma_start3A_346] : memref<10000x128xf32, #tpu.memory_space<hbm>> -> memref<10000x128xf32, #tpu.memory_space<hbm>>
        tpu.enqueue_indirect_dma source(%dma_start3A_347 : memref<10000x128xf32, #tpu.memory_space<hbm>>) target(%arg16 : memref<80x128xf32, #tpu.memory_space<vmem>>) offsets(%dma_start3A_344 : memref<80xi32, #tpu.memory_space<vmem>>) semaphore(%arg29 : memref<!tpu.dma_semaphore, #tpu.memory_space<semaphore_mem>>)
      } else {
      }
      %le3A_264 = arith.constant 124 : i32
      %le3A_265 = arith.cmpi sle, %add3A_239, %le3A_264 : i32
      %convert_element_type3A_266 = arith.extui %le3A_265 : i1 to i32
      %cond3A_267 = arith.constant 0 : i32
      %cond3A_268 = arith.cmpi ne, %convert_element_type3A_266, %cond3A_267 : i32
      scf.if %cond3A_268 {
        %dma_wait3A_331 = arith.constant 0 : i32
        %dma_wait3A_332 = arith.constant 0 : i32
        %dma_wait3A_333 = tpu.memref_slice %arg11[%dma_wait3A_331, %dma_wait3A_332] : memref<2x80xi32, #tpu.memory_space<vmem>> -> memref<1x80xi32, #tpu.memory_space<vmem>>
        %dma_wait3A_334 = tpu.memref_squeeze %dma_wait3A_333 : memref<1x80xi32, #tpu.memory_space<vmem>> -> memref<80xi32, #tpu.memory_space<vmem>>
        %dma_wait3A_335 = arith.constant 0 : i32
        %dma_wait3A_336 = arith.constant 0 : i32
        %dma_wait3A_337 = tpu.memref_slice %arg2[%dma_wait3A_335, %dma_wait3A_336] : memref<10000x128xf32, #tpu.memory_space<hbm>> -> memref<10000x128xf32, #tpu.memory_space<hbm>>
        tpu.wait_indirect_dma semaphore(%arg28 : memref<!tpu.dma_semaphore, #tpu.memory_space<semaphore_mem>>) src(%dma_wait3A_337 : memref<10000x128xf32, #tpu.memory_space<hbm>>) dst(%arg15 : memref<80x128xf32, #tpu.memory_space<vmem>>)
        %dma_start3A_338 = arith.constant 1 : i32
        %dma_start3A_339 = arith.constant 0 : i32
        %dma_start3A_340 = tpu.memref_slice %arg11[%dma_start3A_338, %dma_start3A_339] : memref<2x80xi32, #tpu.memory_space<vmem>> -> memref<1x80xi32, #tpu.memory_space<vmem>>
        %dma_start3A_341 = tpu.memref_squeeze %dma_start3A_340 : memref<1x80xi32, #tpu.memory_space<vmem>> -> memref<80xi32, #tpu.memory_space<vmem>>
        %dma_start3A_342 = arith.constant 0 : i32
        %dma_start3A_343 = arith.constant 0 : i32
        %dma_start3A_344 = tpu.memref_slice %arg18[%dma_start3A_342, %dma_start3A_343] : memref<10000x128xf32, #tpu.memory_space<vmem_shared>> -> memref<10000x128xf32, #tpu.memory_space<vmem_shared>>
        tpu.enqueue_indirect_dma source(%arg15 : memref<80x128xf32, #tpu.memory_space<vmem>>) target(%dma_start3A_344 : memref<10000x128xf32, #tpu.memory_space<vmem_shared>>) offsets(%dma_start3A_341 : memref<80xi32, #tpu.memory_space<vmem>>) semaphore(%arg32 : memref<!tpu.dma_semaphore, #tpu.memory_space<semaphore_mem>>) {add = true}
      } else {
      }
      %add3A_269 = arith.constant 6 : i32
      %add3A_270 = arith.addi %mul3A_86, %add3A_269 : i32
      %ge3A_271 = arith.constant 3 : i32
      %ge3A_272 = arith.cmpi sge, %add3A_270, %ge3A_271 : i32
      %sub3A_273 = arith.constant 3 : i32
      %sub3A_274 = arith.subi %add3A_270, %sub3A_273 : i32
      %le3A_275 = arith.constant 124 : i32
      %le3A_276 = arith.cmpi sle, %sub3A_274, %le3A_275 : i32
      %and3A_277 = arith.andi %ge3A_272, %le3A_276 : i1
      %convert_element_type3A_278 = arith.extui %and3A_277 : i1 to i32
      %cond3A_279 = arith.constant 0 : i32
      %cond3A_280 = arith.cmpi ne, %convert_element_type3A_278, %cond3A_279 : i32
      scf.if %cond3A_280 {
        %dma_wait3A_331 = arith.constant 1 : i32
        %dma_wait3A_332 = arith.constant 0 : i32
        %dma_wait3A_333 = tpu.memref_slice %arg9[%dma_wait3A_331, %dma_wait3A_332] : memref<2x80xi32, #tpu.memory_space<vmem>> -> memref<1x80xi32, #tpu.memory_space<vmem>>
        %dma_wait3A_334 = tpu.memref_squeeze %dma_wait3A_333 : memref<1x80xi32, #tpu.memory_space<vmem>> -> memref<80xi32, #tpu.memory_space<vmem>>
        %dma_wait3A_335 = arith.constant 0 : i32
        %dma_wait3A_336 = arith.constant 0 : i32
        %dma_wait3A_337 = tpu.memref_slice %arg18[%dma_wait3A_335, %dma_wait3A_336] : memref<10000x128xf32, #tpu.memory_space<vmem_shared>> -> memref<10000x128xf32, #tpu.memory_space<vmem_shared>>
        tpu.wait_indirect_dma semaphore(%arg34 : memref<!tpu.dma_semaphore, #tpu.memory_space<semaphore_mem>>) src(%arg17 : memref<80x128xf32, #tpu.memory_space<vmem>>) dst(%dma_wait3A_337 : memref<10000x128xf32, #tpu.memory_space<vmem_shared>>)
      } else {
      }
      %add3A_281 = arith.constant 5 : i32
      %add3A_282 = arith.addi %add3A_270, %add3A_281 : i32
      %le3A_283 = arith.constant 124 : i32
      %le3A_284 = arith.cmpi sle, %add3A_282, %le3A_283 : i32
      %convert_element_type3A_285 = arith.extui %le3A_284 : i1 to i32
      %cond3A_286 = arith.constant 0 : i32
      %cond3A_287 = arith.cmpi ne, %convert_element_type3A_285, %cond3A_286 : i32
      scf.if %cond3A_287 {
        %add3A_331 = arith.constant 5 : i32
        %add3A_332 = arith.addi %add3A_270, %add3A_331 : i32
        %dma_start3A_333 = arith.constant 0 : i32
        %dma_start3A_334 = arith.constant 0 : i32
        %dma_start3A_335 = tpu.memref_slice %arg3[%add3A, %add3A_332, %dma_start3A_333, %dma_start3A_334] : memref<32x125x2x80xi32, #tpu.memory_space<hbm>> -> memref<1x1x2x80xi32, #tpu.memory_space<hbm>>
        %dma_start3A_336 = tpu.memref_squeeze %dma_start3A_335 : memref<1x1x2x80xi32, #tpu.memory_space<hbm>> -> memref<2x80xi32, #tpu.memory_space<hbm>>
        %dma_start3A_337 = arith.constant 0 : i32
        %dma_start3A_338 = arith.constant 0 : i32
        %dma_start3A_339 = tpu.memref_slice %arg3[%add3A, %add3A_332, %dma_start3A_337, %dma_start3A_338] : memref<32x125x2x80xi32, #tpu.memory_space<hbm>> -> memref<1x1x2x80xi32, #tpu.memory_space<hbm>>
        %dma_start3A_340 = tpu.memref_squeeze %dma_start3A_339 : memref<1x1x2x80xi32, #tpu.memory_space<hbm>> -> memref<2x80xi32, #tpu.memory_space<hbm>>
        tpu.enqueue_dma source(%dma_start3A_340 : memref<2x80xi32, #tpu.memory_space<hbm>>) target(%arg9 : memref<2x80xi32, #tpu.memory_space<vmem>>) target_semaphore(%arg22 : memref<!tpu.dma_semaphore, #tpu.memory_space<semaphore_mem>>)
      } else {
      }
      %add3A_288 = arith.constant 1 : i32
      %add3A_289 = arith.addi %add3A_270, %add3A_288 : i32
      %le3A_290 = arith.constant 124 : i32
      %le3A_291 = arith.cmpi sle, %add3A_289, %le3A_290 : i32
      %convert_element_type3A_292 = arith.extui %le3A_291 : i1 to i32
      %cond3A_293 = arith.constant 0 : i32
      %cond3A_294 = arith.cmpi ne, %convert_element_type3A_292, %cond3A_293 : i32
      scf.if %cond3A_294 {
        %add3A_331 = arith.constant 1 : i32
        %add3A_332 = arith.addi %add3A_270, %add3A_331 : i32
        %dma_wait3A_333 = arith.constant 0 : i32
        %dma_wait3A_334 = arith.constant 0 : i32
        %dma_wait3A_335 = tpu.memref_slice %arg3[%add3A, %add3A_332, %dma_wait3A_333, %dma_wait3A_334] : memref<32x125x2x80xi32, #tpu.memory_space<hbm>> -> memref<1x1x2x80xi32, #tpu.memory_space<hbm>>
        %dma_wait3A_336 = tpu.memref_squeeze %dma_wait3A_335 : memref<1x1x2x80xi32, #tpu.memory_space<hbm>> -> memref<2x80xi32, #tpu.memory_space<hbm>>
        %dma_wait3A_337 = arith.constant 0 : i32
        %dma_wait3A_338 = arith.constant 0 : i32
        %dma_wait3A_339 = tpu.memref_slice %arg3[%add3A, %add3A_332, %dma_wait3A_337, %dma_wait3A_338] : memref<32x125x2x80xi32, #tpu.memory_space<hbm>> -> memref<1x1x2x80xi32, #tpu.memory_space<hbm>>
        %dma_wait3A_340 = tpu.memref_squeeze %dma_wait3A_339 : memref<1x1x2x80xi32, #tpu.memory_space<hbm>> -> memref<2x80xi32, #tpu.memory_space<hbm>>
        tpu.wait_dma2 semaphore(%arg26 : memref<!tpu.dma_semaphore, #tpu.memory_space<semaphore_mem>>) src(%dma_wait3A_340 : memref<2x80xi32, #tpu.memory_space<hbm>>) dst(%arg13 : memref<2x80xi32, #tpu.memory_space<vmem>>)
        %dma_start3A_341 = arith.constant 0 : i32
        %dma_start3A_342 = arith.constant 0 : i32
        %dma_start3A_343 = tpu.memref_slice %arg13[%dma_start3A_341, %dma_start3A_342] : memref<2x80xi32, #tpu.memory_space<vmem>> -> memref<1x80xi32, #tpu.memory_space<vmem>>
        %dma_start3A_344 = tpu.memref_squeeze %dma_start3A_343 : memref<1x80xi32, #tpu.memory_space<vmem>> -> memref<80xi32, #tpu.memory_space<vmem>>
        %dma_start3A_345 = arith.constant 0 : i32
        %dma_start3A_346 = arith.constant 0 : i32
        %dma_start3A_347 = tpu.memref_slice %arg2[%dma_start3A_345, %dma_start3A_346] : memref<10000x128xf32, #tpu.memory_space<hbm>> -> memref<10000x128xf32, #tpu.memory_space<hbm>>
        tpu.enqueue_indirect_dma source(%dma_start3A_347 : memref<10000x128xf32, #tpu.memory_space<hbm>>) target(%arg17 : memref<80x128xf32, #tpu.memory_space<vmem>>) offsets(%dma_start3A_344 : memref<80xi32, #tpu.memory_space<vmem>>) semaphore(%arg30 : memref<!tpu.dma_semaphore, #tpu.memory_space<semaphore_mem>>)
      } else {
      }
      %le3A_295 = arith.constant 124 : i32
      %le3A_296 = arith.cmpi sle, %add3A_270, %le3A_295 : i32
      %convert_element_type3A_297 = arith.extui %le3A_296 : i1 to i32
      %cond3A_298 = arith.constant 0 : i32
      %cond3A_299 = arith.cmpi ne, %convert_element_type3A_297, %cond3A_298 : i32
      scf.if %cond3A_299 {
        %dma_wait3A_331 = arith.constant 0 : i32
        %dma_wait3A_332 = arith.constant 0 : i32
        %dma_wait3A_333 = tpu.memref_slice %arg12[%dma_wait3A_331, %dma_wait3A_332] : memref<2x80xi32, #tpu.memory_space<vmem>> -> memref<1x80xi32, #tpu.memory_space<vmem>>
        %dma_wait3A_334 = tpu.memref_squeeze %dma_wait3A_333 : memref<1x80xi32, #tpu.memory_space<vmem>> -> memref<80xi32, #tpu.memory_space<vmem>>
        %dma_wait3A_335 = arith.constant 0 : i32
        %dma_wait3A_336 = arith.constant 0 : i32
        %dma_wait3A_337 = tpu.memref_slice %arg2[%dma_wait3A_335, %dma_wait3A_336] : memref<10000x128xf32, #tpu.memory_space<hbm>> -> memref<10000x128xf32, #tpu.memory_space<hbm>>
        tpu.wait_indirect_dma semaphore(%arg29 : memref<!tpu.dma_semaphore, #tpu.memory_space<semaphore_mem>>) src(%dma_wait3A_337 : memref<10000x128xf32, #tpu.memory_space<hbm>>) dst(%arg16 : memref<80x128xf32, #tpu.memory_space<vmem>>)
        %dma_start3A_338 = arith.constant 1 : i32
        %dma_start3A_339 = arith.constant 0 : i32
        %dma_start3A_340 = tpu.memref_slice %arg12[%dma_start3A_338, %dma_start3A_339] : memref<2x80xi32, #tpu.memory_space<vmem>> -> memref<1x80xi32, #tpu.memory_space<vmem>>
        %dma_start3A_341 = tpu.memref_squeeze %dma_start3A_340 : memref<1x80xi32, #tpu.memory_space<vmem>> -> memref<80xi32, #tpu.memory_space<vmem>>
        %dma_start3A_342 = arith.constant 0 : i32
        %dma_start3A_343 = arith.constant 0 : i32
        %dma_start3A_344 = tpu.memref_slice %arg18[%dma_start3A_342, %dma_start3A_343] : memref<10000x128xf32, #tpu.memory_space<vmem_shared>> -> memref<10000x128xf32, #tpu.memory_space<vmem_shared>>
        tpu.enqueue_indirect_dma source(%arg16 : memref<80x128xf32, #tpu.memory_space<vmem>>) target(%dma_start3A_344 : memref<10000x128xf32, #tpu.memory_space<vmem_shared>>) offsets(%dma_start3A_341 : memref<80xi32, #tpu.memory_space<vmem>>) semaphore(%arg33 : memref<!tpu.dma_semaphore, #tpu.memory_space<semaphore_mem>>) {add = true}
      } else {
      }
      %add3A_300 = arith.constant 7 : i32
      %add3A_301 = arith.addi %mul3A_86, %add3A_300 : i32
      %ge3A_302 = arith.constant 3 : i32
      %ge3A_303 = arith.cmpi sge, %add3A_301, %ge3A_302 : i32
      %sub3A_304 = arith.constant 3 : i32
      %sub3A_305 = arith.subi %add3A_301, %sub3A_304 : i32
      %le3A_306 = arith.constant 124 : i32
      %le3A_307 = arith.cmpi sle, %sub3A_305, %le3A_306 : i32
      %and3A_308 = arith.andi %ge3A_303, %le3A_307 : i1
      %convert_element_type3A_309 = arith.extui %and3A_308 : i1 to i32
      %cond3A_310 = arith.constant 0 : i32
      %cond3A_311 = arith.cmpi ne, %convert_element_type3A_309, %cond3A_310 : i32
      scf.if %cond3A_311 {
        %dma_wait3A_331 = arith.constant 1 : i32
        %dma_wait3A_332 = arith.constant 0 : i32
        %dma_wait3A_333 = tpu.memref_slice %arg10[%dma_wait3A_331, %dma_wait3A_332] : memref<2x80xi32, #tpu.memory_space<vmem>> -> memref<1x80xi32, #tpu.memory_space<vmem>>
        %dma_wait3A_334 = tpu.memref_squeeze %dma_wait3A_333 : memref<1x80xi32, #tpu.memory_space<vmem>> -> memref<80xi32, #tpu.memory_space<vmem>>
        %dma_wait3A_335 = arith.constant 0 : i32
        %dma_wait3A_336 = arith.constant 0 : i32
        %dma_wait3A_337 = tpu.memref_slice %arg18[%dma_wait3A_335, %dma_wait3A_336] : memref<10000x128xf32, #tpu.memory_space<vmem_shared>> -> memref<10000x128xf32, #tpu.memory_space<vmem_shared>>
        tpu.wait_indirect_dma semaphore(%arg31 : memref<!tpu.dma_semaphore, #tpu.memory_space<semaphore_mem>>) src(%arg14 : memref<80x128xf32, #tpu.memory_space<vmem>>) dst(%dma_wait3A_337 : memref<10000x128xf32, #tpu.memory_space<vmem_shared>>)
      } else {
      }
      %add3A_312 = arith.constant 5 : i32
      %add3A_313 = arith.addi %add3A_301, %add3A_312 : i32
      %le3A_314 = arith.constant 124 : i32
      %le3A_315 = arith.cmpi sle, %add3A_313, %le3A_314 : i32
      %convert_element_type3A_316 = arith.extui %le3A_315 : i1 to i32
      %cond3A_317 = arith.constant 0 : i32
      %cond3A_318 = arith.cmpi ne, %convert_element_type3A_316, %cond3A_317 : i32
      scf.if %cond3A_318 {
        %add3A_331 = arith.constant 5 : i32
        %add3A_332 = arith.addi %add3A_301, %add3A_331 : i32
        %dma_start3A_333 = arith.constant 0 : i32
        %dma_start3A_334 = arith.constant 0 : i32
        %dma_start3A_335 = tpu.memref_slice %arg3[%add3A, %add3A_332, %dma_start3A_333, %dma_start3A_334] : memref<32x125x2x80xi32, #tpu.memory_space<hbm>> -> memref<1x1x2x80xi32, #tpu.memory_space<hbm>>
        %dma_start3A_336 = tpu.memref_squeeze %dma_start3A_335 : memref<1x1x2x80xi32, #tpu.memory_space<hbm>> -> memref<2x80xi32, #tpu.memory_space<hbm>>
        %dma_start3A_337 = arith.constant 0 : i32
        %dma_start3A_338 = arith.constant 0 : i32
        %dma_start3A_339 = tpu.memref_slice %arg3[%add3A, %add3A_332, %dma_start3A_337, %dma_start3A_338] : memref<32x125x2x80xi32, #tpu.memory_space<hbm>> -> memref<1x1x2x80xi32, #tpu.memory_space<hbm>>
        %dma_start3A_340 = tpu.memref_squeeze %dma_start3A_339 : memref<1x1x2x80xi32, #tpu.memory_space<hbm>> -> memref<2x80xi32, #tpu.memory_space<hbm>>
        tpu.enqueue_dma source(%dma_start3A_340 : memref<2x80xi32, #tpu.memory_space<hbm>>) target(%arg10 : memref<2x80xi32, #tpu.memory_space<vmem>>) target_semaphore(%arg23 : memref<!tpu.dma_semaphore, #tpu.memory_space<semaphore_mem>>)
      } else {
      }
      %add3A_319 = arith.constant 1 : i32
      %add3A_320 = arith.addi %add3A_301, %add3A_319 : i32
      %le3A_321 = arith.constant 124 : i32
      %le3A_322 = arith.cmpi sle, %add3A_320, %le3A_321 : i32
      %convert_element_type3A_323 = arith.extui %le3A_322 : i1 to i32
      %cond3A_324 = arith.constant 0 : i32
      %cond3A_325 = arith.cmpi ne, %convert_element_type3A_323, %cond3A_324 : i32
      scf.if %cond3A_325 {
        %add3A_331 = arith.constant 1 : i32
        %add3A_332 = arith.addi %add3A_301, %add3A_331 : i32
        %dma_wait3A_333 = arith.constant 0 : i32
        %dma_wait3A_334 = arith.constant 0 : i32
        %dma_wait3A_335 = tpu.memref_slice %arg3[%add3A, %add3A_332, %dma_wait3A_333, %dma_wait3A_334] : memref<32x125x2x80xi32, #tpu.memory_space<hbm>> -> memref<1x1x2x80xi32, #tpu.memory_space<hbm>>
        %dma_wait3A_336 = tpu.memref_squeeze %dma_wait3A_335 : memref<1x1x2x80xi32, #tpu.memory_space<hbm>> -> memref<2x80xi32, #tpu.memory_space<hbm>>
        %dma_wait3A_337 = arith.constant 0 : i32
        %dma_wait3A_338 = arith.constant 0 : i32
        %dma_wait3A_339 = tpu.memref_slice %arg3[%add3A, %add3A_332, %dma_wait3A_337, %dma_wait3A_338] : memref<32x125x2x80xi32, #tpu.memory_space<hbm>> -> memref<1x1x2x80xi32, #tpu.memory_space<hbm>>
        %dma_wait3A_340 = tpu.memref_squeeze %dma_wait3A_339 : memref<1x1x2x80xi32, #tpu.memory_space<hbm>> -> memref<2x80xi32, #tpu.memory_space<hbm>>
        tpu.wait_dma2 semaphore(%arg19 : memref<!tpu.dma_semaphore, #tpu.memory_space<semaphore_mem>>) src(%dma_wait3A_340 : memref<2x80xi32, #tpu.memory_space<hbm>>) dst(%arg6 : memref<2x80xi32, #tpu.memory_space<vmem>>)
        %dma_start3A_341 = arith.constant 0 : i32
        %dma_start3A_342 = arith.constant 0 : i32
        %dma_start3A_343 = tpu.memref_slice %arg6[%dma_start3A_341, %dma_start3A_342] : memref<2x80xi32, #tpu.memory_space<vmem>> -> memref<1x80xi32, #tpu.memory_space<vmem>>
        %dma_start3A_344 = tpu.memref_squeeze %dma_start3A_343 : memref<1x80xi32, #tpu.memory_space<vmem>> -> memref<80xi32, #tpu.memory_space<vmem>>
        %dma_start3A_345 = arith.constant 0 : i32
        %dma_start3A_346 = arith.constant 0 : i32
        %dma_start3A_347 = tpu.memref_slice %arg2[%dma_start3A_345, %dma_start3A_346] : memref<10000x128xf32, #tpu.memory_space<hbm>> -> memref<10000x128xf32, #tpu.memory_space<hbm>>
        tpu.enqueue_indirect_dma source(%dma_start3A_347 : memref<10000x128xf32, #tpu.memory_space<hbm>>) target(%arg14 : memref<80x128xf32, #tpu.memory_space<vmem>>) offsets(%dma_start3A_344 : memref<80xi32, #tpu.memory_space<vmem>>) semaphore(%arg27 : memref<!tpu.dma_semaphore, #tpu.memory_space<semaphore_mem>>)
      } else {
      }
      %le3A_326 = arith.constant 124 : i32
      %le3A_327 = arith.cmpi sle, %add3A_301, %le3A_326 : i32
      %convert_element_type3A_328 = arith.extui %le3A_327 : i1 to i32
      %cond3A_329 = arith.constant 0 : i32
      %cond3A_330 = arith.cmpi ne, %convert_element_type3A_328, %cond3A_329 : i32
      scf.if %cond3A_330 {
        %dma_wait3A_331 = arith.constant 0 : i32
        %dma_wait3A_332 = arith.constant 0 : i32
        %dma_wait3A_333 = tpu.memref_slice %arg13[%dma_wait3A_331, %dma_wait3A_332] : memref<2x80xi32, #tpu.memory_space<vmem>> -> memref<1x80xi32, #tpu.memory_space<vmem>>
        %dma_wait3A_334 = tpu.memref_squeeze %dma_wait3A_333 : memref<1x80xi32, #tpu.memory_space<vmem>> -> memref<80xi32, #tpu.memory_space<vmem>>
        %dma_wait3A_335 = arith.constant 0 : i32
        %dma_wait3A_336 = arith.constant 0 : i32
        %dma_wait3A_337 = tpu.memref_slice %arg2[%dma_wait3A_335, %dma_wait3A_336] : memref<10000x128xf32, #tpu.memory_space<hbm>> -> memref<10000x128xf32, #tpu.memory_space<hbm>>
        tpu.wait_indirect_dma semaphore(%arg30 : memref<!tpu.dma_semaphore, #tpu.memory_space<semaphore_mem>>) src(%dma_wait3A_337 : memref<10000x128xf32, #tpu.memory_space<hbm>>) dst(%arg17 : memref<80x128xf32, #tpu.memory_space<vmem>>)
        %dma_start3A_338 = arith.constant 1 : i32
        %dma_start3A_339 = arith.constant 0 : i32
        %dma_start3A_340 = tpu.memref_slice %arg13[%dma_start3A_338, %dma_start3A_339] : memref<2x80xi32, #tpu.memory_space<vmem>> -> memref<1x80xi32, #tpu.memory_space<vmem>>
        %dma_start3A_341 = tpu.memref_squeeze %dma_start3A_340 : memref<1x80xi32, #tpu.memory_space<vmem>> -> memref<80xi32, #tpu.memory_space<vmem>>
        %dma_start3A_342 = arith.constant 0 : i32
        %dma_start3A_343 = arith.constant 0 : i32
        %dma_start3A_344 = tpu.memref_slice %arg18[%dma_start3A_342, %dma_start3A_343] : memref<10000x128xf32, #tpu.memory_space<vmem_shared>> -> memref<10000x128xf32, #tpu.memory_space<vmem_shared>>
        tpu.enqueue_indirect_dma source(%arg17 : memref<80x128xf32, #tpu.memory_space<vmem>>) target(%dma_start3A_344 : memref<10000x128xf32, #tpu.memory_space<vmem_shared>>) offsets(%dma_start3A_341 : memref<80xi32, #tpu.memory_space<vmem>>) semaphore(%arg34 : memref<!tpu.dma_semaphore, #tpu.memory_space<semaphore_mem>>) {add = true}
      } else {
      }
    }
    %scan3A_72 = arith.constant 16 : i32
    %barrier3A_73 = arith.constant 0 : index
    tpu.barrier barrier_id(%barrier3A_73)
    %lt3A_74 = arith.constant 15 : i32
    %lt3A_75 = arith.cmpi slt, %arg1, %lt3A_74 : i32
    %convert_element_type3A_76 = arith.extui %lt3A_75 : i1 to i32
    %cond3A_77 = arith.constant 0 : i32
    %cond3A_78 = arith.cmpi ne, %convert_element_type3A_76, %cond3A_77 : i32
    scf.if %cond3A_78 {
      "tpu.region"() ({
        %run_scoped3A = tpu.sem_alloc : memref<!tpu.dma_semaphore, #tpu.memory_space<semaphore_mem>>
        %dma_start3A_84 = arith.constant 0 : i32
        %dma_start3A_85 = tpu.memref_slice %arg5[%arg0, %mul3A_2, %dma_start3A_84] : memref<2x10000x128xf32, #tpu.memory_space<hbm>> -> memref<1x624x128xf32, #tpu.memory_space<hbm>>
        %dma_start3A_86 = tpu.memref_squeeze %dma_start3A_85 : memref<1x624x128xf32, #tpu.memory_space<hbm>> -> memref<624x128xf32, #tpu.memory_space<hbm>>
        %dma_start3A_87 = arith.constant 0 : i32
        %dma_start3A_88 = tpu.memref_slice %arg18[%mul3A_2, %dma_start3A_87] : memref<10000x128xf32, #tpu.memory_space<vmem_shared>> -> memref<624x128xf32, #tpu.memory_space<vmem_shared>>
        tpu.enqueue_dma source(%dma_start3A_88 : memref<624x128xf32, #tpu.memory_space<vmem_shared>>) target(%dma_start3A_86 : memref<624x128xf32, #tpu.memory_space<hbm>>) target_semaphore(%run_scoped3A : memref<!tpu.dma_semaphore, #tpu.memory_space<semaphore_mem>>)
        %dma_wait3A_89 = arith.constant 0 : i32
        %dma_wait3A_90 = tpu.memref_slice %arg5[%arg0, %mul3A_2, %dma_wait3A_89] : memref<2x10000x128xf32, #tpu.memory_space<hbm>> -> memref<1x624x128xf32, #tpu.memory_space<hbm>>
        %dma_wait3A_91 = tpu.memref_squeeze %dma_wait3A_90 : memref<1x624x128xf32, #tpu.memory_space<hbm>> -> memref<624x128xf32, #tpu.memory_space<hbm>>
        %dma_wait3A_92 = arith.constant 0 : i32
        %dma_wait3A_93 = tpu.memref_slice %arg18[%mul3A_2, %dma_wait3A_92] : memref<10000x128xf32, #tpu.memory_space<vmem_shared>> -> memref<624x128xf32, #tpu.memory_space<vmem_shared>>
        tpu.wait_dma2 semaphore(%run_scoped3A : memref<!tpu.dma_semaphore, #tpu.memory_space<semaphore_mem>>) src(%dma_wait3A_93 : memref<624x128xf32, #tpu.memory_space<vmem_shared>>) dst(%dma_wait3A_91 : memref<624x128xf32, #tpu.memory_space<hbm>>)
        tpu.yield
      }) : () -> ()
    } else {
    }
    %eq3A_79 = arith.constant 15 : i32
    %eq3A_80 = arith.cmpi eq, %arg1, %eq3A_79 : i32
    %convert_element_type3A_81 = arith.extui %eq3A_80 : i1 to i32
    %cond3A_82 = arith.constant 0 : i32
    %cond3A_83 = arith.cmpi ne, %convert_element_type3A_81, %cond3A_82 : i32
    scf.if %cond3A_83 {
      "tpu.region"() ({
        %run_scoped3A = tpu.sem_alloc : memref<!tpu.dma_semaphore, #tpu.memory_space<semaphore_mem>>
        %dma_start3A_84 = arith.constant 0 : i32
        %dma_start3A_85 = tpu.memref_slice %arg5[%arg0, %mul3A_2, %dma_start3A_84] : memref<2x10000x128xf32, #tpu.memory_space<hbm>> -> memref<1x640x128xf32, #tpu.memory_space<hbm>>
        %dma_start3A_86 = tpu.memref_squeeze %dma_start3A_85 : memref<1x640x128xf32, #tpu.memory_space<hbm>> -> memref<640x128xf32, #tpu.memory_space<hbm>>
        %dma_start3A_87 = arith.constant 0 : i32
        %dma_start3A_88 = tpu.memref_slice %arg18[%mul3A_2, %dma_start3A_87] : memref<10000x128xf32, #tpu.memory_space<vmem_shared>> -> memref<640x128xf32, #tpu.memory_space<vmem_shared>>
        tpu.enqueue_dma source(%dma_start3A_88 : memref<640x128xf32, #tpu.memory_space<vmem_shared>>) target(%dma_start3A_86 : memref<640x128xf32, #tpu.memory_space<hbm>>) target_semaphore(%run_scoped3A : memref<!tpu.dma_semaphore, #tpu.memory_space<semaphore_mem>>)
        %dma_wait3A_89 = arith.constant 0 : i32
        %dma_wait3A_90 = tpu.memref_slice %arg5[%arg0, %mul3A_2, %dma_wait3A_89] : memref<2x10000x128xf32, #tpu.memory_space<hbm>> -> memref<1x640x128xf32, #tpu.memory_space<hbm>>
        %dma_wait3A_91 = tpu.memref_squeeze %dma_wait3A_90 : memref<1x640x128xf32, #tpu.memory_space<hbm>> -> memref<640x128xf32, #tpu.memory_space<hbm>>
        %dma_wait3A_92 = arith.constant 0 : i32
        %dma_wait3A_93 = tpu.memref_slice %arg18[%mul3A_2, %dma_wait3A_92] : memref<10000x128xf32, #tpu.memory_space<vmem_shared>> -> memref<640x128xf32, #tpu.memory_space<vmem_shared>>
        tpu.wait_dma2 semaphore(%run_scoped3A : memref<!tpu.dma_semaphore, #tpu.memory_space<semaphore_mem>>) src(%dma_wait3A_93 : memref<640x128xf32, #tpu.memory_space<vmem_shared>>) dst(%dma_wait3A_91 : memref<640x128xf32, #tpu.memory_space<hbm>>)
        tpu.yield
      }) : () -> ()
    } else {
    }
    return
  }
}

#map = affine_map<(d0, d1) -> (0, 0, 0)>
#map1 = affine_map<(d0, d1) -> (0, 0)>
module attributes {stable_mosaic.version = 14 : i64} {
  func.func @_deg_kernel(%arg0: i32, %arg1: i32, %arg2: memref<32x125x80xi32, #tpu.memory_space<hbm>>, %arg3: memref<80x16xf32, #tpu.memory_space<hbm>>, %arg4: memref<640x16xf32, #tpu.memory_space<hbm>>, %arg5: memref<2x10000x16xf32, #tpu.memory_space<hbm>>, %arg6: memref<125x80xi32, #tpu.memory_space<vmem>>, %arg7: memref<80x16xf32, #tpu.memory_space<vmem>>, %arg8: memref<10000x16xf32, #tpu.memory_space<vmem_shared>>, %arg9: memref<!tpu.dma_semaphore, #tpu.memory_space<semaphore_mem>>) attributes {dimension_semantics = [#tpu.dimension_semantics<core_parallel>, #tpu.dimension_semantics<subcore_parallel>], iteration_bounds = array<i64: 2, 16>, scalar_prefetch = 0 : i64, scratch_operands = 4 : i64, tpu.core_type = #tpu.core_type<sc_vector_subcore>, window_params = [{transform_indices = #map}, {transform_indices = #map1}, {transform_indices = #map1}, {transform_indices = #map}]} {
    %mul3A = arith.constant 2 : i32
    %mul3A_0 = arith.muli %arg1, %mul3A : i32
    %add3A = arith.addi %mul3A_0, %arg0 : i32
    %mul3A_1 = arith.constant 624 : i32
    %mul3A_2 = arith.muli %arg1, %mul3A_1 : i32
    %lt3A = arith.constant 15 : i32
    %lt3A_3 = arith.cmpi slt, %arg1, %lt3A : i32
    %convert_element_type3A = arith.extui %lt3A_3 : i1 to i32
    %cond3A = arith.constant 0 : i32
    %cond3A_4 = arith.cmpi ne, %convert_element_type3A, %cond3A : i32
    scf.if %cond3A_4 {
      "tpu.region"() ({
        %run_scoped3A = tpu.sem_alloc : memref<!tpu.dma_semaphore, #tpu.memory_space<semaphore_mem>>
        %dma_start3A = arith.constant 0 : i32
        %dma_start3A_31 = tpu.memref_slice %arg8[%mul3A_2, %dma_start3A] : memref<10000x16xf32, #tpu.memory_space<vmem_shared>> -> memref<624x16xf32, #tpu.memory_space<vmem_shared>>
        %dma_start3A_32 = arith.constant 0 : i32
        %dma_start3A_33 = arith.constant 0 : i32
        %dma_start3A_34 = tpu.memref_slice %arg4[%dma_start3A_32, %dma_start3A_33] : memref<640x16xf32, #tpu.memory_space<hbm>> -> memref<624x16xf32, #tpu.memory_space<hbm>>
        tpu.enqueue_dma source(%dma_start3A_34 : memref<624x16xf32, #tpu.memory_space<hbm>>) target(%dma_start3A_31 : memref<624x16xf32, #tpu.memory_space<vmem_shared>>) target_semaphore(%run_scoped3A : memref<!tpu.dma_semaphore, #tpu.memory_space<semaphore_mem>>)
        %dma_wait3A = arith.constant 0 : i32
        %dma_wait3A_35 = tpu.memref_slice %arg8[%mul3A_2, %dma_wait3A] : memref<10000x16xf32, #tpu.memory_space<vmem_shared>> -> memref<624x16xf32, #tpu.memory_space<vmem_shared>>
        %dma_wait3A_36 = arith.constant 0 : i32
        %dma_wait3A_37 = arith.constant 0 : i32
        %dma_wait3A_38 = tpu.memref_slice %arg4[%dma_wait3A_36, %dma_wait3A_37] : memref<640x16xf32, #tpu.memory_space<hbm>> -> memref<624x16xf32, #tpu.memory_space<hbm>>
        tpu.wait_dma2 semaphore(%run_scoped3A : memref<!tpu.dma_semaphore, #tpu.memory_space<semaphore_mem>>) src(%dma_wait3A_38 : memref<624x16xf32, #tpu.memory_space<hbm>>) dst(%dma_wait3A_35 : memref<624x16xf32, #tpu.memory_space<vmem_shared>>)
        tpu.yield
      }) : () -> ()
    } else {
    }
    %eq3A = arith.constant 15 : i32
    %eq3A_5 = arith.cmpi eq, %arg1, %eq3A : i32
    %convert_element_type3A_6 = arith.extui %eq3A_5 : i1 to i32
    %cond3A_7 = arith.constant 0 : i32
    %cond3A_8 = arith.cmpi ne, %convert_element_type3A_6, %cond3A_7 : i32
    scf.if %cond3A_8 {
      "tpu.region"() ({
        %run_scoped3A = tpu.sem_alloc : memref<!tpu.dma_semaphore, #tpu.memory_space<semaphore_mem>>
        %dma_start3A = arith.constant 0 : i32
        %dma_start3A_31 = tpu.memref_slice %arg8[%mul3A_2, %dma_start3A] : memref<10000x16xf32, #tpu.memory_space<vmem_shared>> -> memref<640x16xf32, #tpu.memory_space<vmem_shared>>
        tpu.enqueue_dma source(%arg4 : memref<640x16xf32, #tpu.memory_space<hbm>>) target(%dma_start3A_31 : memref<640x16xf32, #tpu.memory_space<vmem_shared>>) target_semaphore(%run_scoped3A : memref<!tpu.dma_semaphore, #tpu.memory_space<semaphore_mem>>)
        %dma_wait3A = arith.constant 0 : i32
        %dma_wait3A_32 = tpu.memref_slice %arg8[%mul3A_2, %dma_wait3A] : memref<10000x16xf32, #tpu.memory_space<vmem_shared>> -> memref<640x16xf32, #tpu.memory_space<vmem_shared>>
        tpu.wait_dma2 semaphore(%run_scoped3A : memref<!tpu.dma_semaphore, #tpu.memory_space<semaphore_mem>>) src(%arg4 : memref<640x16xf32, #tpu.memory_space<hbm>>) dst(%dma_wait3A_32 : memref<640x16xf32, #tpu.memory_space<vmem_shared>>)
        tpu.yield
      }) : () -> ()
    } else {
    }
    "tpu.region"() ({
      %run_scoped3A = tpu.sem_alloc : memref<!tpu.dma_semaphore, #tpu.memory_space<semaphore_mem>>
      tpu.enqueue_dma source(%arg3 : memref<80x16xf32, #tpu.memory_space<hbm>>) target(%arg7 : memref<80x16xf32, #tpu.memory_space<vmem>>) target_semaphore(%run_scoped3A : memref<!tpu.dma_semaphore, #tpu.memory_space<semaphore_mem>>)
      tpu.wait_dma2 semaphore(%run_scoped3A : memref<!tpu.dma_semaphore, #tpu.memory_space<semaphore_mem>>) src(%arg3 : memref<80x16xf32, #tpu.memory_space<hbm>>) dst(%arg7 : memref<80x16xf32, #tpu.memory_space<vmem>>)
      tpu.yield
    }) : () -> ()
    "tpu.region"() ({
      %run_scoped3A = tpu.sem_alloc : memref<!tpu.dma_semaphore, #tpu.memory_space<semaphore_mem>>
      %dma_start3A = arith.constant 0 : i32
      %dma_start3A_31 = arith.constant 0 : i32
      %dma_start3A_32 = tpu.memref_slice %arg2[%add3A, %dma_start3A, %dma_start3A_31] : memref<32x125x80xi32, #tpu.memory_space<hbm>> -> memref<1x125x80xi32, #tpu.memory_space<hbm>>
      %dma_start3A_33 = tpu.memref_squeeze %dma_start3A_32 : memref<1x125x80xi32, #tpu.memory_space<hbm>> -> memref<125x80xi32, #tpu.memory_space<hbm>>
      %dma_start3A_34 = arith.constant 0 : i32
      %dma_start3A_35 = arith.constant 0 : i32
      %dma_start3A_36 = tpu.memref_slice %arg2[%add3A, %dma_start3A_34, %dma_start3A_35] : memref<32x125x80xi32, #tpu.memory_space<hbm>> -> memref<1x125x80xi32, #tpu.memory_space<hbm>>
      %dma_start3A_37 = tpu.memref_squeeze %dma_start3A_36 : memref<1x125x80xi32, #tpu.memory_space<hbm>> -> memref<125x80xi32, #tpu.memory_space<hbm>>
      tpu.enqueue_dma source(%dma_start3A_37 : memref<125x80xi32, #tpu.memory_space<hbm>>) target(%arg6 : memref<125x80xi32, #tpu.memory_space<vmem>>) target_semaphore(%run_scoped3A : memref<!tpu.dma_semaphore, #tpu.memory_space<semaphore_mem>>)
      %dma_wait3A = arith.constant 0 : i32
      %dma_wait3A_38 = arith.constant 0 : i32
      %dma_wait3A_39 = tpu.memref_slice %arg2[%add3A, %dma_wait3A, %dma_wait3A_38] : memref<32x125x80xi32, #tpu.memory_space<hbm>> -> memref<1x125x80xi32, #tpu.memory_space<hbm>>
      %dma_wait3A_40 = tpu.memref_squeeze %dma_wait3A_39 : memref<1x125x80xi32, #tpu.memory_space<hbm>> -> memref<125x80xi32, #tpu.memory_space<hbm>>
      %dma_wait3A_41 = arith.constant 0 : i32
      %dma_wait3A_42 = arith.constant 0 : i32
      %dma_wait3A_43 = tpu.memref_slice %arg2[%add3A, %dma_wait3A_41, %dma_wait3A_42] : memref<32x125x80xi32, #tpu.memory_space<hbm>> -> memref<1x125x80xi32, #tpu.memory_space<hbm>>
      %dma_wait3A_44 = tpu.memref_squeeze %dma_wait3A_43 : memref<1x125x80xi32, #tpu.memory_space<hbm>> -> memref<125x80xi32, #tpu.memory_space<hbm>>
      tpu.wait_dma2 semaphore(%run_scoped3A : memref<!tpu.dma_semaphore, #tpu.memory_space<semaphore_mem>>) src(%dma_wait3A_44 : memref<125x80xi32, #tpu.memory_space<hbm>>) dst(%arg6 : memref<125x80xi32, #tpu.memory_space<vmem>>)
      tpu.yield
    }) : () -> ()
    %barrier3A = arith.constant 0 : index
    tpu.barrier barrier_id(%barrier3A)
    %scan3A = arith.constant 0 : i32
    %scan3A_9 = arith.constant 0 : i32
    %scan3A_10 = arith.constant 125 : i32
    %scan3A_11 = arith.addi %scan3A_9, %scan3A_10 : i32
    %scan3A_12 = arith.constant 1 : i32
    scf.for %scan3A_31 = %scan3A_9 to %scan3A_11 step %scan3A_12  : i32 {
      %ge3A = arith.constant 8 : i32
      %ge3A_32 = arith.cmpi sge, %scan3A_31, %ge3A : i32
      %convert_element_type3A_33 = arith.extui %ge3A_32 : i1 to i32
      %cond3A_34 = arith.constant 0 : i32
      %cond3A_35 = arith.cmpi ne, %convert_element_type3A_33, %cond3A_34 : i32
      scf.if %cond3A_35 {
        %dma_wait3A = arith.constant 0 : i32
        %dma_wait3A_41 = arith.constant 0 : i32
        %dma_wait3A_42 = tpu.memref_slice %arg6[%dma_wait3A, %dma_wait3A_41] : memref<125x80xi32, #tpu.memory_space<vmem>> -> memref<1x80xi32, #tpu.memory_space<vmem>>
        %dma_wait3A_43 = tpu.memref_squeeze %dma_wait3A_42 : memref<1x80xi32, #tpu.memory_space<vmem>> -> memref<80xi32, #tpu.memory_space<vmem>>
        %dma_wait3A_44 = arith.constant 0 : i32
        %dma_wait3A_45 = arith.constant 0 : i32
        %dma_wait3A_46 = tpu.memref_slice %arg8[%dma_wait3A_44, %dma_wait3A_45] : memref<10000x16xf32, #tpu.memory_space<vmem_shared>> -> memref<10000x16xf32, #tpu.memory_space<vmem_shared>>
        tpu.wait_indirect_dma semaphore(%arg9 : memref<!tpu.dma_semaphore, #tpu.memory_space<semaphore_mem>>) src(%arg7 : memref<80x16xf32, #tpu.memory_space<vmem>>) dst(%dma_wait3A_46 : memref<10000x16xf32, #tpu.memory_space<vmem_shared>>)
      } else {
      }
      %dma_start3A = arith.constant 0 : i32
      %dma_start3A_36 = tpu.memref_slice %arg6[%scan3A_31, %dma_start3A] : memref<125x80xi32, #tpu.memory_space<vmem>> -> memref<1x80xi32, #tpu.memory_space<vmem>>
      %dma_start3A_37 = tpu.memref_squeeze %dma_start3A_36 : memref<1x80xi32, #tpu.memory_space<vmem>> -> memref<80xi32, #tpu.memory_space<vmem>>
      %dma_start3A_38 = arith.constant 0 : i32
      %dma_start3A_39 = arith.constant 0 : i32
      %dma_start3A_40 = tpu.memref_slice %arg8[%dma_start3A_38, %dma_start3A_39] : memref<10000x16xf32, #tpu.memory_space<vmem_shared>> -> memref<10000x16xf32, #tpu.memory_space<vmem_shared>>
      tpu.enqueue_indirect_dma source(%arg7 : memref<80x16xf32, #tpu.memory_space<vmem>>) target(%dma_start3A_40 : memref<10000x16xf32, #tpu.memory_space<vmem_shared>>) offsets(%dma_start3A_37 : memref<80xi32, #tpu.memory_space<vmem>>) semaphore(%arg9 : memref<!tpu.dma_semaphore, #tpu.memory_space<semaphore_mem>>) {add = true}
    }
    %scan3A_13 = arith.constant 125 : i32
    %scan3A_14 = arith.constant 0 : i32
    %scan3A_15 = arith.constant 0 : i32
    %scan3A_16 = arith.constant 8 : i32
    %scan3A_17 = arith.addi %scan3A_15, %scan3A_16 : i32
    %scan3A_18 = arith.constant 1 : i32
    scf.for %scan3A_31 = %scan3A_15 to %scan3A_17 step %scan3A_18  : i32 {
      %dma_wait3A = arith.constant 0 : i32
      %dma_wait3A_32 = arith.constant 0 : i32
      %dma_wait3A_33 = tpu.memref_slice %arg6[%dma_wait3A, %dma_wait3A_32] : memref<125x80xi32, #tpu.memory_space<vmem>> -> memref<1x80xi32, #tpu.memory_space<vmem>>
      %dma_wait3A_34 = tpu.memref_squeeze %dma_wait3A_33 : memref<1x80xi32, #tpu.memory_space<vmem>> -> memref<80xi32, #tpu.memory_space<vmem>>
      %dma_wait3A_35 = arith.constant 0 : i32
      %dma_wait3A_36 = arith.constant 0 : i32
      %dma_wait3A_37 = tpu.memref_slice %arg8[%dma_wait3A_35, %dma_wait3A_36] : memref<10000x16xf32, #tpu.memory_space<vmem_shared>> -> memref<10000x16xf32, #tpu.memory_space<vmem_shared>>
      tpu.wait_indirect_dma semaphore(%arg9 : memref<!tpu.dma_semaphore, #tpu.memory_space<semaphore_mem>>) src(%arg7 : memref<80x16xf32, #tpu.memory_space<vmem>>) dst(%dma_wait3A_37 : memref<10000x16xf32, #tpu.memory_space<vmem_shared>>)
    }
    %scan3A_19 = arith.constant 8 : i32
    %barrier3A_20 = arith.constant 0 : index
    tpu.barrier barrier_id(%barrier3A_20)
    %lt3A_21 = arith.constant 15 : i32
    %lt3A_22 = arith.cmpi slt, %arg1, %lt3A_21 : i32
    %convert_element_type3A_23 = arith.extui %lt3A_22 : i1 to i32
    %cond3A_24 = arith.constant 0 : i32
    %cond3A_25 = arith.cmpi ne, %convert_element_type3A_23, %cond3A_24 : i32
    scf.if %cond3A_25 {
      "tpu.region"() ({
        %run_scoped3A = tpu.sem_alloc : memref<!tpu.dma_semaphore, #tpu.memory_space<semaphore_mem>>
        %dma_start3A = arith.constant 0 : i32
        %dma_start3A_31 = tpu.memref_slice %arg5[%arg0, %mul3A_2, %dma_start3A] : memref<2x10000x16xf32, #tpu.memory_space<hbm>> -> memref<1x624x16xf32, #tpu.memory_space<hbm>>
        %dma_start3A_32 = tpu.memref_squeeze %dma_start3A_31 : memref<1x624x16xf32, #tpu.memory_space<hbm>> -> memref<624x16xf32, #tpu.memory_space<hbm>>
        %dma_start3A_33 = arith.constant 0 : i32
        %dma_start3A_34 = tpu.memref_slice %arg8[%mul3A_2, %dma_start3A_33] : memref<10000x16xf32, #tpu.memory_space<vmem_shared>> -> memref<624x16xf32, #tpu.memory_space<vmem_shared>>
        tpu.enqueue_dma source(%dma_start3A_34 : memref<624x16xf32, #tpu.memory_space<vmem_shared>>) target(%dma_start3A_32 : memref<624x16xf32, #tpu.memory_space<hbm>>) target_semaphore(%run_scoped3A : memref<!tpu.dma_semaphore, #tpu.memory_space<semaphore_mem>>)
        %dma_wait3A = arith.constant 0 : i32
        %dma_wait3A_35 = tpu.memref_slice %arg5[%arg0, %mul3A_2, %dma_wait3A] : memref<2x10000x16xf32, #tpu.memory_space<hbm>> -> memref<1x624x16xf32, #tpu.memory_space<hbm>>
        %dma_wait3A_36 = tpu.memref_squeeze %dma_wait3A_35 : memref<1x624x16xf32, #tpu.memory_space<hbm>> -> memref<624x16xf32, #tpu.memory_space<hbm>>
        %dma_wait3A_37 = arith.constant 0 : i32
        %dma_wait3A_38 = tpu.memref_slice %arg8[%mul3A_2, %dma_wait3A_37] : memref<10000x16xf32, #tpu.memory_space<vmem_shared>> -> memref<624x16xf32, #tpu.memory_space<vmem_shared>>
        tpu.wait_dma2 semaphore(%run_scoped3A : memref<!tpu.dma_semaphore, #tpu.memory_space<semaphore_mem>>) src(%dma_wait3A_38 : memref<624x16xf32, #tpu.memory_space<vmem_shared>>) dst(%dma_wait3A_36 : memref<624x16xf32, #tpu.memory_space<hbm>>)
        tpu.yield
      }) : () -> ()
    } else {
    }
    %eq3A_26 = arith.constant 15 : i32
    %eq3A_27 = arith.cmpi eq, %arg1, %eq3A_26 : i32
    %convert_element_type3A_28 = arith.extui %eq3A_27 : i1 to i32
    %cond3A_29 = arith.constant 0 : i32
    %cond3A_30 = arith.cmpi ne, %convert_element_type3A_28, %cond3A_29 : i32
    scf.if %cond3A_30 {
      "tpu.region"() ({
        %run_scoped3A = tpu.sem_alloc : memref<!tpu.dma_semaphore, #tpu.memory_space<semaphore_mem>>
        %dma_start3A = arith.constant 0 : i32
        %dma_start3A_31 = tpu.memref_slice %arg5[%arg0, %mul3A_2, %dma_start3A] : memref<2x10000x16xf32, #tpu.memory_space<hbm>> -> memref<1x640x16xf32, #tpu.memory_space<hbm>>
        %dma_start3A_32 = tpu.memref_squeeze %dma_start3A_31 : memref<1x640x16xf32, #tpu.memory_space<hbm>> -> memref<640x16xf32, #tpu.memory_space<hbm>>
        %dma_start3A_33 = arith.constant 0 : i32
        %dma_start3A_34 = tpu.memref_slice %arg8[%mul3A_2, %dma_start3A_33] : memref<10000x16xf32, #tpu.memory_space<vmem_shared>> -> memref<640x16xf32, #tpu.memory_space<vmem_shared>>
        tpu.enqueue_dma source(%dma_start3A_34 : memref<640x16xf32, #tpu.memory_space<vmem_shared>>) target(%dma_start3A_32 : memref<640x16xf32, #tpu.memory_space<hbm>>) target_semaphore(%run_scoped3A : memref<!tpu.dma_semaphore, #tpu.memory_space<semaphore_mem>>)
        %dma_wait3A = arith.constant 0 : i32
        %dma_wait3A_35 = tpu.memref_slice %arg5[%arg0, %mul3A_2, %dma_wait3A] : memref<2x10000x16xf32, #tpu.memory_space<hbm>> -> memref<1x640x16xf32, #tpu.memory_space<hbm>>
        %dma_wait3A_36 = tpu.memref_squeeze %dma_wait3A_35 : memref<1x640x16xf32, #tpu.memory_space<hbm>> -> memref<640x16xf32, #tpu.memory_space<hbm>>
        %dma_wait3A_37 = arith.constant 0 : i32
        %dma_wait3A_38 = tpu.memref_slice %arg8[%mul3A_2, %dma_wait3A_37] : memref<10000x16xf32, #tpu.memory_space<vmem_shared>> -> memref<640x16xf32, #tpu.memory_space<vmem_shared>>
        tpu.wait_dma2 semaphore(%run_scoped3A : memref<!tpu.dma_semaphore, #tpu.memory_space<semaphore_mem>>) src(%dma_wait3A_38 : memref<640x16xf32, #tpu.memory_space<vmem_shared>>) dst(%dma_wait3A_36 : memref<640x16xf32, #tpu.memory_space<hbm>>)
        tpu.yield
      }) : () -> ()
    } else {
    }
    return
  }
}

module attributes {stable_mosaic.version = 14 : i64} {
  func.func @_tc1_body(%arg0: i32, %arg1: memref<2000x128xf32, #tpu.memory_space<vmem>>, %arg2: memref<128x128xf32, #tpu.memory_space<vmem>>, %arg3: memref<2x2000x16xf32, #tpu.memory_space<vmem>>, %arg4: memref<2000x128xf32, #tpu.memory_space<vmem>>) attributes {dimension_semantics = [#tpu.dimension_semantics<arbitrary>], iteration_bounds = array<i64: 5>, scalar_prefetch = 0 : i64, scratch_operands = 0 : i64, tpu.core_type = #tpu.core_type<tc>, window_params = [{transform_indices = @transform_0, window_bounds = array<i64: 2000, 128>}, {pipeline_mode = #tpu.pipeline_mode<synchronous>, transform_indices = @transform_1, window_bounds = array<i64: 128, 128>}, {transform_indices = @transform_2, window_bounds = array<i64: 2, 2000, 16>}, {transform_indices = @transform_3, window_bounds = array<i64: 2000, 128>}]} {
    %get3A = arith.constant 0 : index
    %get3A_0 = arith.constant 0 : index
    %get3A_1 = arith.constant 0 : index
    %get3A_2 = vector.load %arg3[%get3A, %get3A_0, %get3A_1] : memref<2x2000x16xf32, #tpu.memory_space<vmem>>, vector<1x2000x1xf32>
    %get3A_3 = vector.shape_cast %get3A_2 : vector<1x2000x1xf32> to vector<2000x1xf32>
    %get3A_4 = arith.constant 1 : index
    %get3A_5 = arith.constant 0 : index
    %get3A_6 = arith.constant 0 : index
    %get3A_7 = vector.load %arg3[%get3A_4, %get3A_5, %get3A_6] : memref<2x2000x16xf32, #tpu.memory_space<vmem>>, vector<1x2000x1xf32>
    %get3A_8 = vector.shape_cast %get3A_7 : vector<1x2000x1xf32> to vector<2000x1xf32>
    %add3A = arith.addf %get3A_3, %get3A_8 : vector<2000x1xf32>
    %add3A_9 = arith.constant 1.000000e+00 : f32
    %add3A_10 = vector.broadcast %add3A_9 : f32 to vector<2000x1xf32>
    %add3A_11 = arith.addf %add3A, %add3A_10 : vector<2000x1xf32>
    %rsqrt3A = math.rsqrt %add3A_11 : vector<2000x1xf32>
    %get3A_12 = arith.constant 0 : index
    %get3A_13 = arith.constant 0 : index
    %get3A_14 = vector.load %arg1[%get3A_12, %get3A_13] : memref<2000x128xf32, #tpu.memory_space<vmem>>, vector<2000x128xf32>
    %get3A_15 = arith.constant 0 : index
    %get3A_16 = arith.constant 0 : index
    %get3A_17 = vector.load %arg2[%get3A_15, %get3A_16] : memref<128x128xf32, #tpu.memory_space<vmem>>, vector<128x128xf32>
    %dot_general3A = arith.constant dense<0.000000e+00> : vector<2000x128xf32>
    %dot_general3A_18 = tpu.matmul %get3A_14, %get3A_17, %dot_general3A {dimension_numbers = #tpu.dot_dimension_numbers<[1], [0], [0], [1], [0, 0, 1, 1], [], []>, transpose_lhs_hint = false} : vector<2000x128xf32>, vector<128x128xf32>, vector<2000x128xf32> -> vector<2000x128xf32>
    %mul3A = vector.broadcast %rsqrt3A : vector<2000x1xf32> to vector<2000x128xf32>
    %mul3A_19 = arith.mulf %dot_general3A_18, %mul3A : vector<2000x128xf32>
    %swap3A = arith.constant 0 : index
    %swap3A_20 = arith.constant 0 : index
    %swap3A_21 = vector.load %arg4[%swap3A, %swap3A_20] : memref<2000x128xf32, #tpu.memory_space<vmem>>, vector<2000x128xf32>
    tpu.vector_store %arg4[%swap3A, %swap3A_20], %mul3A_19 {strides = array<i32>} : memref<2000x128xf32, #tpu.memory_space<vmem>>, vector<2000x128xf32>,
    return
  }
  func.func @transform_0(%arg0: i32) -> (i32, i32) {
    %c0_i32 = arith.constant 0 : i32
    %c0_i32_0 = arith.constant 0 : i32
    return %arg0, %c0_i32 : i32, i32
  }
  func.func @transform_1(%arg0: i32) -> (i32, i32) {
    %c0_i32 = arith.constant 0 : i32
    %c0_i32_0 = arith.constant 0 : i32
    %c0_i32_1 = arith.constant 0 : i32
    return %c0_i32, %c0_i32_0 : i32, i32
  }
  func.func @transform_2(%arg0: i32) -> (i32, i32, i32) {
    %c0_i32 = arith.constant 0 : i32
    %c0_i32_0 = arith.constant 0 : i32
    %c0_i32_1 = arith.constant 0 : i32
    return %c0_i32, %arg0, %c0_i32_0 : i32, i32, i32
  }
  func.func @transform_3(%arg0: i32) -> (i32, i32) {
    %c0_i32 = arith.constant 0 : i32
    %c0_i32_0 = arith.constant 0 : i32
    return %arg0, %c0_i32 : i32, i32
  }
}

module attributes {stable_mosaic.version = 14 : i64} {
  func.func @_tc2_body(%arg0: i32, %arg1: memref<2x2000x128xf32, #tpu.memory_space<vmem>>, %arg2: memref<2000x128xf32, #tpu.memory_space<vmem>>, %arg3: memref<2x2000x16xf32, #tpu.memory_space<vmem>>, %arg4: memref<128x128xf32, #tpu.memory_space<vmem>>, %arg5: memref<1x128xf32, #tpu.memory_space<vmem>>, %arg6: memref<2000x128xf32, #tpu.memory_space<vmem>>) attributes {dimension_semantics = [#tpu.dimension_semantics<arbitrary>], iteration_bounds = array<i64: 5>, scalar_prefetch = 0 : i64, scratch_operands = 0 : i64, tpu.core_type = #tpu.core_type<tc>, window_params = [{transform_indices = @transform_0, window_bounds = array<i64: 2, 2000, 128>}, {transform_indices = @transform_1, window_bounds = array<i64: 2000, 128>}, {transform_indices = @transform_2, window_bounds = array<i64: 2, 2000, 16>}, {pipeline_mode = #tpu.pipeline_mode<synchronous>, transform_indices = @transform_3, window_bounds = array<i64: 128, 128>}, {pipeline_mode = #tpu.pipeline_mode<synchronous>, transform_indices = @transform_4, window_bounds = array<i64: 1, 128>}, {transform_indices = @transform_5, window_bounds = array<i64: 2000, 128>}]} {
    %get3A = arith.constant 0 : index
    %get3A_0 = arith.constant 0 : index
    %get3A_1 = arith.constant 0 : index
    %get3A_2 = vector.load %arg3[%get3A, %get3A_0, %get3A_1] : memref<2x2000x16xf32, #tpu.memory_space<vmem>>, vector<1x2000x1xf32>
    %get3A_3 = vector.shape_cast %get3A_2 : vector<1x2000x1xf32> to vector<2000x1xf32>
    %get3A_4 = arith.constant 1 : index
    %get3A_5 = arith.constant 0 : index
    %get3A_6 = arith.constant 0 : index
    %get3A_7 = vector.load %arg3[%get3A_4, %get3A_5, %get3A_6] : memref<2x2000x16xf32, #tpu.memory_space<vmem>>, vector<1x2000x1xf32>
    %get3A_8 = vector.shape_cast %get3A_7 : vector<1x2000x1xf32> to vector<2000x1xf32>
    %add3A = arith.addf %get3A_3, %get3A_8 : vector<2000x1xf32>
    %add3A_9 = arith.constant 1.000000e+00 : f32
    %add3A_10 = vector.broadcast %add3A_9 : f32 to vector<2000x1xf32>
    %add3A_11 = arith.addf %add3A, %add3A_10 : vector<2000x1xf32>
    %rsqrt3A = math.rsqrt %add3A_11 : vector<2000x1xf32>
    %get3A_12 = arith.constant 0 : index
    %get3A_13 = arith.constant 0 : index
    %get3A_14 = arith.constant 0 : index
    %get3A_15 = vector.load %arg1[%get3A_12, %get3A_13, %get3A_14] : memref<2x2000x128xf32, #tpu.memory_space<vmem>>, vector<1x2000x128xf32>
    %get3A_16 = vector.shape_cast %get3A_15 : vector<1x2000x128xf32> to vector<2000x128xf32>
    %get3A_17 = arith.constant 1 : index
    %get3A_18 = arith.constant 0 : index
    %get3A_19 = arith.constant 0 : index
    %get3A_20 = vector.load %arg1[%get3A_17, %get3A_18, %get3A_19] : memref<2x2000x128xf32, #tpu.memory_space<vmem>>, vector<1x2000x128xf32>
    %get3A_21 = vector.shape_cast %get3A_20 : vector<1x2000x128xf32> to vector<2000x128xf32>
    %add3A_22 = arith.addf %get3A_16, %get3A_21 : vector<2000x128xf32>
    %get3A_23 = arith.constant 0 : index
    %get3A_24 = arith.constant 0 : index
    %get3A_25 = vector.load %arg2[%get3A_23, %get3A_24] : memref<2000x128xf32, #tpu.memory_space<vmem>>, vector<2000x128xf32>
    %add3A_26 = arith.addf %add3A_22, %get3A_25 : vector<2000x128xf32>
    %mul3A = vector.broadcast %rsqrt3A : vector<2000x1xf32> to vector<2000x128xf32>
    %mul3A_27 = arith.mulf %add3A_26, %mul3A : vector<2000x128xf32>
    %get3A_28 = arith.constant 0 : index
    %get3A_29 = arith.constant 0 : index
    %get3A_30 = vector.load %arg5[%get3A_28, %get3A_29] : memref<1x128xf32, #tpu.memory_space<vmem>>, vector<1x128xf32>
    %add3A_31 = vector.broadcast %get3A_30 : vector<1x128xf32> to vector<2000x128xf32>
    %add3A_32 = arith.addf %mul3A_27, %add3A_31 : vector<2000x128xf32>
    %max3A = arith.constant 0.000000e+00 : f32
    %max3A_33 = vector.broadcast %max3A : f32 to vector<2000x128xf32>
    %max3A_34 = arith.maximumf %add3A_32, %max3A_33 : vector<2000x128xf32>
    %get3A_35 = arith.constant 0 : index
    %get3A_36 = arith.constant 0 : index
    %get3A_37 = vector.load %arg4[%get3A_35, %get3A_36] : memref<128x128xf32, #tpu.memory_space<vmem>>, vector<128x128xf32>
    %dot_general3A = arith.constant dense<0.000000e+00> : vector<2000x128xf32>
    %dot_general3A_38 = tpu.matmul %max3A_34, %get3A_37, %dot_general3A {dimension_numbers = #tpu.dot_dimension_numbers<[1], [0], [0], [1], [0, 0, 1, 1], [], []>, transpose_lhs_hint = false} : vector<2000x128xf32>, vector<128x128xf32>, vector<2000x128xf32> -> vector<2000x128xf32>
    %mul3A_39 = vector.broadcast %rsqrt3A : vector<2000x1xf32> to vector<2000x128xf32>
    %mul3A_40 = arith.mulf %dot_general3A_38, %mul3A_39 : vector<2000x128xf32>
    %swap3A = arith.constant 0 : index
    %swap3A_41 = arith.constant 0 : index
    %swap3A_42 = vector.load %arg6[%swap3A, %swap3A_41] : memref<2000x128xf32, #tpu.memory_space<vmem>>, vector<2000x128xf32>
    tpu.vector_store %arg6[%swap3A, %swap3A_41], %mul3A_40 {strides = array<i32>} : memref<2000x128xf32, #tpu.memory_space<vmem>>, vector<2000x128xf32>,
    return
  }
  func.func @transform_0(%arg0: i32) -> (i32, i32, i32) {
    %c0_i32 = arith.constant 0 : i32
    %c0_i32_0 = arith.constant 0 : i32
    %c0_i32_1 = arith.constant 0 : i32
    return %c0_i32, %arg0, %c0_i32_0 : i32, i32, i32
  }
  func.func @transform_1(%arg0: i32) -> (i32, i32) {
    %c0_i32 = arith.constant 0 : i32
    %c0_i32_0 = arith.constant 0 : i32
    return %arg0, %c0_i32 : i32, i32
  }
  func.func @transform_2(%arg0: i32) -> (i32, i32, i32) {
    %c0_i32 = arith.constant 0 : i32
    %c0_i32_0 = arith.constant 0 : i32
    %c0_i32_1 = arith.constant 0 : i32
    return %c0_i32, %arg0, %c0_i32_0 : i32, i32, i32
  }
  func.func @transform_3(%arg0: i32) -> (i32, i32) {
    %c0_i32 = arith.constant 0 : i32
    %c0_i32_0 = arith.constant 0 : i32
    %c0_i32_1 = arith.constant 0 : i32
    return %c0_i32, %c0_i32_0 : i32, i32
  }
  func.func @transform_4(%arg0: i32) -> (i32, i32) {
    %c0_i32 = arith.constant 0 : i32
    %c0_i32_0 = arith.constant 0 : i32
    %c0_i32_1 = arith.constant 0 : i32
    return %c0_i32, %c0_i32_0 : i32, i32
  }
  func.func @transform_5(%arg0: i32) -> (i32, i32) {
    %c0_i32 = arith.constant 0 : i32
    %c0_i32_0 = arith.constant 0 : i32
    return %arg0, %c0_i32 : i32, i32
  }
}

module attributes {stable_mosaic.version = 14 : i64} {
  func.func @_tc3_body(%arg0: i32, %arg1: memref<2x2000x128xf32, #tpu.memory_space<vmem>>, %arg2: memref<2000x128xf32, #tpu.memory_space<vmem>>, %arg3: memref<2x2000x16xf32, #tpu.memory_space<vmem>>, %arg4: memref<1x128xf32, #tpu.memory_space<vmem>>, %arg5: memref<128x128xf32, #tpu.memory_space<vmem>>, %arg6: memref<1x128xf32, #tpu.memory_space<vmem>>, %arg7: memref<128x128xf32, #tpu.memory_space<vmem>>, %arg8: memref<1x128xf32, #tpu.memory_space<vmem>>, %arg9: memref<2000x128xf32, #tpu.memory_space<vmem>>) attributes {dimension_semantics = [#tpu.dimension_semantics<arbitrary>], iteration_bounds = array<i64: 5>, scalar_prefetch = 0 : i64, scratch_operands = 0 : i64, tpu.core_type = #tpu.core_type<tc>, window_params = [{transform_indices = @transform_0, window_bounds = array<i64: 2, 2000, 128>}, {transform_indices = @transform_1, window_bounds = array<i64: 2000, 128>}, {transform_indices = @transform_2, window_bounds = array<i64: 2, 2000, 16>}, {pipeline_mode = #tpu.pipeline_mode<synchronous>, transform_indices = @transform_3, window_bounds = array<i64: 1, 128>}, {pipeline_mode = #tpu.pipeline_mode<synchronous>, transform_indices = @transform_4, window_bounds = array<i64: 128, 128>}, {pipeline_mode = #tpu.pipeline_mode<synchronous>, transform_indices = @transform_5, window_bounds = array<i64: 1, 128>}, {pipeline_mode = #tpu.pipeline_mode<synchronous>, transform_indices = @transform_6, window_bounds = array<i64: 128, 128>}, {pipeline_mode = #tpu.pipeline_mode<synchronous>, transform_indices = @transform_7, window_bounds = array<i64: 1, 128>}, {transform_indices = @transform_8, window_bounds = array<i64: 2000, 128>}]} {
    %get3A = arith.constant 0 : index
    %get3A_0 = arith.constant 0 : index
    %get3A_1 = arith.constant 0 : index
    %get3A_2 = vector.load %arg3[%get3A, %get3A_0, %get3A_1] : memref<2x2000x16xf32, #tpu.memory_space<vmem>>, vector<1x2000x1xf32>
    %get3A_3 = vector.shape_cast %get3A_2 : vector<1x2000x1xf32> to vector<2000x1xf32>
    %get3A_4 = arith.constant 1 : index
    %get3A_5 = arith.constant 0 : index
    %get3A_6 = arith.constant 0 : index
    %get3A_7 = vector.load %arg3[%get3A_4, %get3A_5, %get3A_6] : memref<2x2000x16xf32, #tpu.memory_space<vmem>>, vector<1x2000x1xf32>
    %get3A_8 = vector.shape_cast %get3A_7 : vector<1x2000x1xf32> to vector<2000x1xf32>
    %add3A = arith.addf %get3A_3, %get3A_8 : vector<2000x1xf32>
    %add3A_9 = arith.constant 1.000000e+00 : f32
    %add3A_10 = vector.broadcast %add3A_9 : f32 to vector<2000x1xf32>
    %add3A_11 = arith.addf %add3A, %add3A_10 : vector<2000x1xf32>
    %rsqrt3A = math.rsqrt %add3A_11 : vector<2000x1xf32>
    %get3A_12 = arith.constant 0 : index
    %get3A_13 = arith.constant 0 : index
    %get3A_14 = arith.constant 0 : index
    %get3A_15 = vector.load %arg1[%get3A_12, %get3A_13, %get3A_14] : memref<2x2000x128xf32, #tpu.memory_space<vmem>>, vector<1x2000x128xf32>
    %get3A_16 = vector.shape_cast %get3A_15 : vector<1x2000x128xf32> to vector<2000x128xf32>
    %get3A_17 = arith.constant 1 : index
    %get3A_18 = arith.constant 0 : index
    %get3A_19 = arith.constant 0 : index
    %get3A_20 = vector.load %arg1[%get3A_17, %get3A_18, %get3A_19] : memref<2x2000x128xf32, #tpu.memory_space<vmem>>, vector<1x2000x128xf32>
    %get3A_21 = vector.shape_cast %get3A_20 : vector<1x2000x128xf32> to vector<2000x128xf32>
    %add3A_22 = arith.addf %get3A_16, %get3A_21 : vector<2000x128xf32>
    %get3A_23 = arith.constant 0 : index
    %get3A_24 = arith.constant 0 : index
    %get3A_25 = vector.load %arg2[%get3A_23, %get3A_24] : memref<2000x128xf32, #tpu.memory_space<vmem>>, vector<2000x128xf32>
    %add3A_26 = arith.addf %add3A_22, %get3A_25 : vector<2000x128xf32>
    %mul3A = vector.broadcast %rsqrt3A : vector<2000x1xf32> to vector<2000x128xf32>
    %mul3A_27 = arith.mulf %add3A_26, %mul3A : vector<2000x128xf32>
    %get3A_28 = arith.constant 0 : index
    %get3A_29 = arith.constant 0 : index
    %get3A_30 = vector.load %arg4[%get3A_28, %get3A_29] : memref<1x128xf32, #tpu.memory_space<vmem>>, vector<1x128xf32>
    %add3A_31 = vector.broadcast %get3A_30 : vector<1x128xf32> to vector<2000x128xf32>
    %add3A_32 = arith.addf %mul3A_27, %add3A_31 : vector<2000x128xf32>
    %get3A_33 = arith.constant 0 : index
    %get3A_34 = arith.constant 0 : index
    %get3A_35 = vector.load %arg5[%get3A_33, %get3A_34] : memref<128x128xf32, #tpu.memory_space<vmem>>, vector<128x128xf32>
    %dot_general3A = arith.constant dense<0.000000e+00> : vector<2000x128xf32>
    %dot_general3A_36 = tpu.matmul %add3A_32, %get3A_35, %dot_general3A {dimension_numbers = #tpu.dot_dimension_numbers<[1], [0], [0], [1], [0, 0, 1, 1], [], []>, transpose_lhs_hint = false} : vector<2000x128xf32>, vector<128x128xf32>, vector<2000x128xf32> -> vector<2000x128xf32>
    %get3A_37 = arith.constant 0 : index
    %get3A_38 = arith.constant 0 : index
    %get3A_39 = vector.load %arg6[%get3A_37, %get3A_38] : memref<1x128xf32, #tpu.memory_space<vmem>>, vector<1x128xf32>
    %add3A_40 = vector.broadcast %get3A_39 : vector<1x128xf32> to vector<2000x128xf32>
    %add3A_41 = arith.addf %dot_general3A_36, %add3A_40 : vector<2000x128xf32>
    %get3A_42 = arith.constant 0 : index
    %get3A_43 = arith.constant 0 : index
    %get3A_44 = vector.load %arg7[%get3A_42, %get3A_43] : memref<128x128xf32, #tpu.memory_space<vmem>>, vector<128x128xf32>
    %dot_general3A_45 = arith.constant dense<0.000000e+00> : vector<2000x128xf32>
    %dot_general3A_46 = tpu.matmul %add3A_41, %get3A_44, %dot_general3A_45 {dimension_numbers = #tpu.dot_dimension_numbers<[1], [0], [0], [1], [0, 0, 1, 1], [], []>, transpose_lhs_hint = false} : vector<2000x128xf32>, vector<128x128xf32>, vector<2000x128xf32> -> vector<2000x128xf32>
    %get3A_47 = arith.constant 0 : index
    %get3A_48 = arith.constant 0 : index
    %get3A_49 = vector.load %arg8[%get3A_47, %get3A_48] : memref<1x128xf32, #tpu.memory_space<vmem>>, vector<1x128xf32>
    %add3A_50 = vector.broadcast %get3A_49 : vector<1x128xf32> to vector<2000x128xf32>
    %add3A_51 = arith.addf %dot_general3A_46, %add3A_50 : vector<2000x128xf32>
    %swap3A = arith.constant 0 : index
    %swap3A_52 = arith.constant 0 : index
    %swap3A_53 = vector.load %arg9[%swap3A, %swap3A_52] : memref<2000x128xf32, #tpu.memory_space<vmem>>, vector<2000x128xf32>
    tpu.vector_store %arg9[%swap3A, %swap3A_52], %add3A_51 {strides = array<i32>} : memref<2000x128xf32, #tpu.memory_space<vmem>>, vector<2000x128xf32>,
    return
  }
  func.func @transform_0(%arg0: i32) -> (i32, i32, i32) {
    %c0_i32 = arith.constant 0 : i32
    %c0_i32_0 = arith.constant 0 : i32
    %c0_i32_1 = arith.constant 0 : i32
    return %c0_i32, %arg0, %c0_i32_0 : i32, i32, i32
  }
  func.func @transform_1(%arg0: i32) -> (i32, i32) {
    %c0_i32 = arith.constant 0 : i32
    %c0_i32_0 = arith.constant 0 : i32
    return %arg0, %c0_i32 : i32, i32
  }
  func.func @transform_2(%arg0: i32) -> (i32, i32, i32) {
    %c0_i32 = arith.constant 0 : i32
    %c0_i32_0 = arith.constant 0 : i32
    %c0_i32_1 = arith.constant 0 : i32
    return %c0_i32, %arg0, %c0_i32_0 : i32, i32, i32
  }
  func.func @transform_3(%arg0: i32) -> (i32, i32) {
    %c0_i32 = arith.constant 0 : i32
    %c0_i32_0 = arith.constant 0 : i32
    %c0_i32_1 = arith.constant 0 : i32
    return %c0_i32, %c0_i32_0 : i32, i32
  }
  func.func @transform_4(%arg0: i32) -> (i32, i32) {
    %c0_i32 = arith.constant 0 : i32
    %c0_i32_0 = arith.constant 0 : i32
    %c0_i32_1 = arith.constant 0 : i32
    return %c0_i32, %c0_i32_0 : i32, i32
  }
  func.func @transform_5(%arg0: i32) -> (i32, i32) {
    %c0_i32 = arith.constant 0 : i32
    %c0_i32_0 = arith.constant 0 : i32
    %c0_i32_1 = arith.constant 0 : i32
    return %c0_i32, %c0_i32_0 : i32, i32
  }
  func.func @transform_6(%arg0: i32) -> (i32, i32) {
    %c0_i32 = arith.constant 0 : i32
    %c0_i32_0 = arith.constant 0 : i32
    %c0_i32_1 = arith.constant 0 : i32
    return %c0_i32, %c0_i32_0 : i32, i32
  }
  func.func @transform_7(%arg0: i32) -> (i32, i32) {
    %c0_i32 = arith.constant 0 : i32
    %c0_i32_0 = arith.constant 0 : i32
    %c0_i32_1 = arith.constant 0 : i32
    return %c0_i32, %c0_i32_0 : i32, i32
  }
  func.func @transform_8(%arg0: i32) -> (i32, i32) {
    %c0_i32 = arith.constant 0 : i32
    %c0_i32_0 = arith.constant 0 : i32
    return %arg0, %c0_i32 : i32, i32
  }
}

</mosaic_0001>

<sc_bundles>
// kernel: kernel.11.cloned.1.call-start
scs
__scs_entry_jumppad:
0x0: {  	(pc) =	sbr.rel $0x88, $3  }
0x1: {  	(tag) =	ssettag $0x0;
	lr =	simm.s32 $0x1  }
0x2: {  	[smem:$0x3F97] =	sst lr;
	_ =	strace $0xD0000000  }
0x3: {  	_ = 	snop  }
0x4: {  	_ = 	snop  }
0x5: {  	_ = 	snop  }
0x6: {  	_ = 	snop  }
0x7: {  	_ = 	snop  }
__scs_overlays_trampoline_lowered:
0x8: {  	[smem:$0x3FA6] =	sst s0  }
0x9: {  	[smem:$0x3FA7] =	sst s1  }
0xa: {  	[smem:$0x3FA8] =	sst s2  }
0xb: {  	[smem:$0x3FA9] =	sst s3  }
0xc: {  	[smem:$0x3FAA] =	sst s4  }
0xd: {  	[smem:$0x3FAB] =	sst s5  }
0xe: {  	[smem:$0x3FAC] =	sst s6  }
0xf: {  	[smem:$0x3FAD] =	sst s7  }
0x10: {  	[smem:$0x3FAE] =	sst s8  }
0x11: {  	[smem:$0x3FAF] =	sst s9;
	s0 =	simm.s32 @!p0 $0x0  }
0x12: {  	s1 =	sld [smem:$0x3F95];
	s0 =	simm.s32 @p0 $0x1  }
0x13: {  	[smem:$0x3FB0] =	sst s0;
	s0 =	simm.s32 @!p1 $0x0  }
0x14: {  	s2 =	sld [smem:$0x3F94];
	s0 =	simm.s32 @p1 $0x1  }
0x15: {  	[smem:$0x3FB1] =	sst s0;
	s0 =	simm.s32 @!p2 $0x0  }
0x16: {  	s3 =	sld [smem:$0x3FDB];
	s0 =	simm.s32 @p2 $0x1  }
0x17: {  	s4 =	simm.s32 $0x1BF5;
	[smem:$0x3FB3] =	sst s0  }
0x18: {  	s0 =	sld [smem:$0x3F96];
	_ =	swait.ge [sflag:s4], $0x0  }
0x19: {  	s7 =	sld [smem:$0x3F97]  }
0x1a: {  	s8 =	sadd.s32 $0xFFFFE003, lr  }
0x1b: {  	s9 =	sadd.s32 $0xFFFFFEF7, lr;
	s5 =	simm.s32 $0xFFFFFFFF;
	p2 =	slt.u32 s8, $0xFFFFF086  }
0x1c: {  	p1 =	slt.u32 s9, $0xF7A;
	s5 =	simm.s32 @!p2 $0x0  }
0x1d: {  	s5 =	simm.s32 @p1 $0x1;
	p0 =	seq.s32 s7, s2  }
0x1e: {  	s7 =	smul.u32 @!p0 $0xF7A, s2;
	p2 =	seq.s32 @!p0 s5, $0x0  }
0x1f: {  	s9 =	smul.u32 $0xF7A, s1;
	s8 =	simm.s32 @!p0 $0x1BF5;
	p2 =	por !p2, p0  }
0x20: {  	[sflag:s8] =	ssyncset.s32 @!p0 $0xFFFFF086;
	s6 =	sadd.s32 @!p0 s3, s7;
	s7 =	simm.s32 @!p0 $0x108  }
0x21: {  	s3 =	sadd.s32 s3, s9;
	s6 =	sadd.s32 @!p0 $0x88, s6;
	s7 =	simm.s32 @p2 $0x1082  }
0x22: {  	[simem:s7], [sflag:s8] =	dma.local @!p0 [hbm:s6], $0xF7A  }
0x23: {  	s9 =	sor.u32 $0xD0000000, s2;
	s6 =	simm.s32 $0x108;
	_ =	swait.ge @!p0 [sflag:s8], $0x0  }
0x24: {  	s3 =	sadd.s32 $0x88, s3;
	s6 =	simm.s32 @!p1 $0x1082;
	[sflag:s4] =	ssyncset.s32 $0xFFFFF086  }
0x25: {  	[simem:s6], [sflag:s4] =	dma.local [hbm:s3], $0xF7A  }
0x26: {  	[smem:$0x3F97] =	sst s1;
	(tag) =	ssettag s2;
	_ =	strace s9  }
0x27: {  	s1 =	sld [smem:$0x3FA7]  }
0x28: {  	s2 =	sld [smem:$0x3FA8]  }
0x29: {  	s4 =	sld [smem:$0x3FAA]  }
0x2a: {  	p0 =	seq.s32 s5, $0x0;
	s5 =	sld [smem:$0x3FAB]  }
0x2b: {  	s6 =	sld [smem:$0x3FAC]  }
0x2c: {  	s7 =	sld [smem:$0x3FAD]  }
0x2d: {  	s3 =	simm.s32 $0x108;
	s8 =	sld [smem:$0x3FAE]  }
0x2e: {  	s3 =	simm.s32 @!p0 $0x1082;
	s9 =	sld [smem:$0x3FAF]  }
0x2f: {  	lr =	sadd.s32 s0, s3;
	s0 =	sld [smem:$0x3FA6]  }
0x30: {  	s3 =	sld [smem:$0x3FA9]  }
0x31: {  	[smem:$0x3FB2] =	sst s10  }
0x32: {  	s10 =	sld [smem:$0x3FB0];
	_ =	sdelay $0x3  }
0x33: {  	p0 =	seq.s32 s10, $0x1;
	s10 =	sld [smem:$0x3FB2];
	_ =	sdelay $0x3  }
0x34: {  	[smem:$0x3FB2] =	sst s10  }
0x35: {  	s10 =	sld [smem:$0x3FB1];
	_ =	sdelay $0x3  }
0x36: {  	p1 =	seq.s32 s10, $0x1;
	s10 =	sld [smem:$0x3FB2];
	_ =	sdelay $0x3  }
0x37: {  	[smem:$0x3FB2] =	sst s10  }
0x38: {  	s10 =	sld [smem:$0x3FB3]  }
0x39: {  	_ = 	snop;
	(pc) =	sbr.ind lr, $3  }
0x3a: {  	_ = 	snop  }
0x3b: {  	_ = 	snop  }
0x3c: {  	p2 =	seq.s32 s10, $0x1;
	s10 =	sld [smem:$0x3FB2]  }
0x3d: {  	_ =	shalt  }
0x3e: {  	_ =	shalt  }
0x3f: {  	_ =	shalt  }
0x40: {  	_ =	shalt  }
0x41: {  	_ =	shalt  }
0x42: {  	_ =	shalt  }
0x43: {  	_ =	shalt  }
0x44: {  	_ =	shalt  }
0x45: {  	_ =	shalt  }
0x46: {  	_ =	shalt  }
0x47: {  	_ =	shalt  }
0x48: {  	_ =	shalt  }
0x49: {  	_ =	shalt  }
0x4a: {  	_ =	shalt  }
0x4b: {  	_ =	shalt  }
0x4c: {  	_ =	shalt  }
0x4d: {  	_ =	shalt  }
0x4e: {  	_ =	shalt  }
0x4f: {  	_ =	shalt  }
0x50: {  	_ =	shalt  }
0x51: {  	_ =	shalt  }
0x52: {  	_ =	shalt  }
0x53: {  	_ =	shalt  }
0x54: {  	_ =	shalt  }
0x55: {  	_ =	shalt  }
0x56: {  	_ =	shalt  }
0x57: {  	_ =	shalt  }
0x58: {  	_ =	shalt  }
0x59: {  	_ =	shalt  }
0x5a: {  	_ =	shalt  }
0x5b: {  	_ =	shalt  }
0x5c: {  	_ =	shalt  }
0x5d: {  	_ =	shalt  }
0x5e: {  	_ =	shalt  }
0x5f: {  	_ =	shalt  }
0x60: {  	_ =	shalt  }
0x61: {  	_ =	shalt  }
0x62: {  	_ =	shalt  }
0x63: {  	_ =	shalt  }
0x64: {  	_ =	shalt  }
0x65: {  	_ =	shalt  }
0x66: {  	_ =	shalt  }
0x67: {  	_ =	shalt  }
0x68: {  	_ =	shalt  }
0x69: {  	_ =	shalt  }
0x6a: {  	_ =	shalt  }
0x6b: {  	_ =	shalt  }
0x6c: {  	_ =	shalt  }
0x6d: {  	_ =	shalt  }
0x6e: {  	_ =	shalt  }
0x6f: {  	_ =	shalt  }
0x70: {  	_ =	shalt  }
0x71: {  	_ =	shalt  }
0x72: {  	_ =	shalt  }
0x73: {  	_ =	shalt  }
0x74: {  	_ =	shalt  }
0x75: {  	_ =	shalt  }
0x76: {  	_ =	shalt  }
0x77: {  	_ =	shalt  }
0x78: {  	_ =	shalt  }
0x79: {  	_ =	shalt  }
0x7a: {  	_ =	shalt  }
0x7b: {  	_ =	shalt  }
0x7c: {  	_ =	shalt  }
0x7d: {  	_ =	shalt  }
0x7e: {  	_ =	shalt  }
0x7f: {  	_ =	shalt  }
0x80: {  	_ =	shalt  }
0x81: {  	_ =	shalt  }
0x82: {  	_ =	shalt  }
0x83: {  	_ =	shalt  }
0x84: {  	_ =	shalt  }
0x85: {  	_ =	shalt  }
0x86: {  	_ =	shalt  }
0x87: {  	_ =	shalt  }
.Lfunc_end0:
.L_simem_size_0:
called_computation.1_lowered:
.L_overlay_start_0:
0x88: {  	s2 =	sld [smem:$0x3FD9]  }
0x89: {  	s3 =	sld [smem:$0x3FFE];
	_ =	sdelay $0x1  }
0x8a: {  	s1 =	srdreg.scid  }
0x8b: {  	s0 =	sand.u32 $0x1, s1  }
0x8c: {  	s17 =	sshll.u32 s0, $0xA;
	s2 =	sadd.s32 s3, s2  }
0x8d: {  	s2 =	sadd.s32 s2, s17  }
0x8e: {  	[smem:$0x3FBE] =	sst s2  }
0x8f: {  	_ = 	snop  }
0x90: {  	s2 =	sld [smem:$0x3FD0];
	(tm) =	ssettm $0x1  }
0x91: {  	s18 =	sld [smem:$0x3FFB];
	_ =	sdelay $0x3  }
0x92: {  	_ =	strace s18  }
0x93: {  	s3 =	sld [smem:$0x3FFC];
	_ =	sdelay $0x3  }
0x94: {  	_ =	strace s3  }
0x95: {  	s3 =	sld [smem:$0x3FFD];
	_ =	sdelay $0x3  }
0x96: {  	_ =	strace s3  }
0x97: {  	_ =	strace $0x8FFFFFFF  }
0x98: {  	s19 =	sld [smem:$0x3FDB];
	_ =	sdelay $0x1  }
0x99: {  	s4 =	simm.s32 $_scs_section_size  }
0x9a: {  	s5 =	simm.s32 $_size__tile_overlayer_lowered;
	s6 =	simm.s32 $_tile_overlayer_lowered  }
0x9b: {  	s22 =	simm.s32 $0x1BFF;
	s21 =	sshll.u32 s6, $0x1;
	s3 =	sadd.s32 s4, s19  }
0x9c: {  	s7 =	simm.s32 $0x0;
	s20 =	sshll.u32 s5, $0x1;
	s5 =	sadd.s32 s21, s3  }
0x9d: {  	[timem:s7], [sflag:s22] =	dma.local [hbm:s5], s20  }
0x9e: {  	_ =	swait.ge [sflag:s22], s20  }
0x9f: {  	s4 =	ssub.s32 $0x0, s20;
	[sflag:s22] =	ssyncset.done $0x0  }
0xa0: {  	[sflag:s22] =	ssyncadd.s32 s4;
	_ =	sdelay $0x1  }
0xa1: {  	s23 =	simm.s32 $0x1B8B  }
0xa2: {  	_ =	swait.ge [sflag:s23], $0x1  }
0xa3: {  	[sflag:s23] =	ssyncset.done $0x0  }
0xa4: {  	s25 =	simm.s32 $0x1B8E;
	s24 =	sld [smem:$0x3FFE];
	[sflag:s23] =	ssyncadd.s32 $0xFFFFFFFF  }
0xa5: {  	s26 =	simm.s32 $execute0_lowered;
	[smem:$0x3FD2] =	sst s25  }
0xa6: {  	s5 =	sshll.u32 s26, $0x1;
	_ =	strace $0x80000049;
	[dreg:$0x1] =	wrdreg $0xFFFFFFFF  }
0xa7: {  	s28 =	simm.s32 $_size_execute0_lowered;
	s3 =	sadd.s32 s3, s5;
	[dreg:$0x0] =	wrdreg $0x0  }
0xa8: {  	s5 =	sshll.u32 s28, $0x1;
	[dreg:$0x2] =	wrdreg s3  }
0xa9: {  	[dreg:$0x3] =	wrdreg s5  }
0xaa: {  	[dreg:$0x4] =	wrdreg $0xC0  }
0xab: {  	_ =	task [dreg:s7], $0x5FFFF  }
0xac: {  	[dreg:$0x1] =	wrdreg $0xFFFFFFFF  }
0xad: {  	[dreg:$0x0] =	wrdreg $0x60  }
0xae: {  	[dreg:$0x2] =	wrdreg s2  }
0xaf: {  	[dreg:$0x3] =	wrdreg s24  }
0xb0: {  	[dreg:$0x4] =	wrdreg $0xA8000  }
0xb1: {  	[dreg:$0x5] =	wrdreg $0x9  }
0xb2: {  	_ =	task.clear_ibuf [dreg:s7], $0x6FFFF;
	_ =	strace $0x90000049  }
0xb3: {  	s29 =	simm.s32 $0x9;
	_ =	strace $0x8000004B  }
0xb4: {  	_ =	swait.ge [sflag:s29], $0x1  }
0xb5: {  	[sflag:s29] =	ssyncadd.s32 $0xFFFFFFFF  }
0xb6: {  	_ =	strace $0x9000004B  }
0xb7: {  	_ =	sfence  }
0xb8: {  	s30 =	sld [smem:$0x0];
	_ =	sdelay $0x2  }
0xb9: {  	s31 =	sshll.u32 s1, $0xD;
	s1 =	sshrl.u32 s1, $0x2  }
0xba: {  	s3 =	sand.u32 $0x4000, s31;
	s1 =	sadd.s32 s1, s30  }
0xbb: {  	s0 =	sor.u32 s3, s0;
	s1 =	sshll.u32 s1, $0x11  }
0xbc: {  	s0 =	sor.u32 s1, s0  }
0xbd: {  	s0 =	sadd.s32 $0x8F2B, s0  }
0xbe: {  	[sflag:s0] =	ssyncadd.remote.s32 $0x1  }
0xbf: {  	_ =	sfence.sel $0xFFFF  }
0xc0: {  	[dreg:$0x0] =	wrdreg $0xFFFFFFFF;
	(pc) =	sbr.abs _section_cstart, $3  }
0xc1: {  	[dreg:$0x1] =	wrdreg $0xFFFFFFFF  }
0xc2: {  	_ =	task.clear_ibuf [dreg:s7], $0x2FFFF;
	_ =	strace $0x9FFFFFFF  }
0xc3: {  	(tm) =	ssettm $0x7FFFFFFF  }
tec
execute0_lowered:
.L_overlay_start_1:
0x0: {  	(tag) =	ssettag $0x1  }
0x1: {  	s1 =	rddreg [dreg:$0x0]  }
0x2: {  	s0 =	rddreg [dreg:$0x1]  }
0x3: {  	s2 =	rddreg [dreg:$0x2]  }
0x4: {  	s3 =	simm.s32 $0x0;
	s24 =	srdreg.scid;
	s9 =	stileid.u32  }
0x5: {  	s31 =	simm.s32 $0x50;
	[smem:$0x7FF] =	sst s3;
	s5 =	sadd.s32 $0xD800, s0  }
0x6: {  	s3 =	sand.u32 $0x1, s24;
	s4 =	sshll.u32 s9, $0x1;
	s7 =	smul.u32 $0x4E000, s9  }
0x7: {  	s8 =	sadd.s32 $0x3200, s0;
	s0 =	sadd.s32 $0x7AE00, s0;
	s13 =	smul.u32 $0x13800, s9  }
0x8: {  	s12 =	sadd.s32 $0x124800, s2;
	s16 =	smul.u32 $0xFA00, s9;
	p0 =	seq.s32 s9, $0xF  }
0x9: {  	s9 =	simm.s32 $0x9;
	_ =	strace $0x8000004A;
	s6 =	ssub.s32 $0x2, s3  }
0xa: {  	s4 =	sor.u32 s3, s4;
	[dreg:$0x4] =	wrdreg s8;
	s30 =	smul.u32 $0x138800, s3  }
0xb: {  	[dreg:$0x7] =	wrdreg s12;
	s3 =	smul.u32 $0x7D00, s3;
	s12 =	simm.s32 $0x3  }
0xc: {  	s8 =	simm.s32 $0x0;
	s25 =	sshrl.u32 s6, $0x1;
	s28 =	sshrl.u32 s7, $0x2  }
0xd: {  	s10 =	smul.u32 $0x7D00, s4;
	s26 =	ssub.s32 s6, s25;
	s6 =	sadd.s32 s28, s2  }
0xe: {  	s7 =	sshrl.u32 s30, $0x3;
	s3 =	sadd.s32 s3, s16;
	[dreg:$0x6] =	wrdreg s6  }
0xf: {  	s16 =	simm.s32 $0x10;
	[dreg:$0x5] =	wrdreg s10;
	s29 =	sshrl.u32 s10, $0x3  }
0x10: {  	s6 =	sadd.s32 s13, s30;
	s17 =	smax.u32 s26, $0x1;
	s18 =	sadd.s32 $0xC00, s3  }
0x11: {  	s19 =	sadd.s32 $0xB00, s3;
	s20 =	sadd.s32 $0xA00, s3;
	s24 =	sadd.s32 $0x900, s3  }
0x12: {  	s25 =	sadd.s32 $0x600, s3;
	s26 =	sadd.s32 $0x500, s3;
	s3 =	sadd.s32 $0x800, s3  }
0x13: {  	s10 =	sadd.s32 s5, s29;
	s6 =	sshrl.u32 s6, $0x3;
	[dreg:$0xf] =	wrdreg s17  }
0x14: {  	s21 =	sshrl.u32 s19, $0x3;
	s22 =	sshrl.u32 s20, $0x3;
	[dreg:$0x14] =	wrdreg s3  }
0x15: {  	s28 =	sshrl.u32 s25, $0x3;
	s14 =	sadd.s32 $0x20, s10;
	[dreg:$0x8] =	wrdreg s10  }
0x16: {  	s29 =	sshrl.u32 s26, $0x3;
	s15 =	sadd.s32 $0x40, s10;
	[dreg:$0x9] =	wrdreg s14  }
0x17: {  	s3 =	simm.s32 $0x2;
	s11 =	sadd.s32 $0x60, s10;
	[dreg:$0xa] =	wrdreg s15  }
0x18: {  	s17 =	simm.s32 $0x4;
	s10 =	sadd.s32 $0x80, s10;
	[dreg:$0xb] =	wrdreg s11  }
0x19: {  	s19 =	simm.s32 $0xB;
	s6 =	sadd.s32 s0, s6;
	[dreg:$0xc] =	wrdreg s10  }
0x1a: {  	s0 =	sadd.s32 s0, s7;
	s23 =	sadd.s32 s22, s5;
	[dreg:$0xd] =	wrdreg s6  }
0x1b: {  	s30 =	sadd.s32 s29, s5;
	s0 =	sadd.s32 $0x24900, s0;
	[dreg:$0x12] =	wrdreg s23  }
0x1c: {  	s22 =	simm.s32 $0xC;
	[dreg:$0xe] =	wrdreg s0;
	s0 =	sshrl.u32 s18, $0x3  }
0x1d: {  	[dreg:$0x16] =	wrdreg s30;
	s14 =	simm.s32 $0xA;
	s0 =	sadd.s32 s0, s5  }
.Ltmp0:
0x1e: {  	[dreg:$0x10] =	wrdreg s0;
	s0 =	sadd.s32 s21, s5;
	(pc) =	sbr.rel .LBB2_1-.Ltmp0, $4  }
0x1f: {  	s10 =	simm.s32 $0x5;
	[dreg:$0x11] =	wrdreg s0;
	s0 =	sshrl.u32 s24, $0x3  }
0x20: {  	s6 =	simm.s32 $0xF;
	s18 =	simm.s32 $0x5800;
	s0 =	sadd.s32 s0, s5  }
0x21: {  	s21 =	simm.s32 $0xD;
	[dreg:$0x13] =	wrdreg s0;
	s0 =	sadd.s32 s28, s5  }
0x22: {  	s24 =	simm.s32 $0xE;
	[dreg:$0x15] =	wrdreg s0;
	s0 =	simm.s32 $0x800  }
.LBB2_5:
0x23: {  	[bflag:$0x0] =	sbarrier.arrive $0xFFFF  }
0x24: {  	s7 =	rddreg [dreg:$0xe]  }
0x25: {  	s4 =	simm.s32 @p0 $0x1FD1;
	s8 =	rddreg [dreg:$0x18]  }
0x26: {  	[hbm:s7], [sflag:s4] =	dma.local @p0 [spmem:s8], $0x2800  }
0x27: {  	s4 =	simm.s32 @p0 $0x11  }
0x28: {  	_ =	swait.ge @p0 [sflag:s4], $0x2800  }
0x29: {  	s7 =	rddreg [dreg:$0x19]  }
0x2a: {  	[sflag:s4] =	ssyncset.done @p0 $0x0;
	s8 =	rddreg [dreg:$0x1a]  }
0x2b: {  	[sflag:s4] =	ssyncadd.s32 @p0 $0xFFFFD800;
	s4 =	rddreg [dreg:$0xd]  }
0x2c: {  	[hbm:s4], [sflag:s7] =	dma.local @!p0 [spmem:s8], $0x2700  }
0x2d: {  	s4 =	simm.s32 @!p0 $0x11  }
0x2e: {  	_ =	swait.ge @!p0 [sflag:s4], $0x2700  }
0x2f: {  	s29 =	rddreg [dreg:$0x17]  }
0x30: {  	s30 =	rddreg [dreg:$0xf];
	s8 =	sadd.s32 $0x1, s29  }
0x31: {  	p1 =	sne.s32 s8, s30  }
.Ltmp1:
0x32: {  	_ = 	snop;
	(pc) =	sbr.rel @!p1 .LBB2_6-.Ltmp1, $3  }
0x33: {  	_ =	sdelay $0x1  }
0x34: {  	[sflag:s4] =	ssyncset.done @!p0 $0x0  }
0x35: {  	[sflag:s4] =	ssyncadd.s32 @!p0 $0xFFFFD900  }
.LBB2_1:
0x36: {  	[dreg:$0x17] =	wrdreg s8  }
0x37: {  	s4 =	rddreg [dreg:$0x7]  }
0x38: {  	s8 =	rddreg [dreg:$0x4];
	s7 =	sshrl.u32 @p0 s4, $0x3  }
0x39: {  	s4 =	simm.s32 @p0 $0x1FD1;
	[dreg:$0x18] =	wrdreg s7  }
0x3a: {  	[spmem:s7], [sflag:s4] =	dma.local @p0 [hbm:s8], $0x2800  }
0x3b: {  	s4 =	simm.s32 @p0 $0x11  }
0x3c: {  	s7 =	stileid.u32;
	_ =	swait.ge @p0 [sflag:s4], $0x2800  }
0x3d: {  	s7 =	sshll.u32 @!p0 s7, $0x6;
	[sflag:s4] =	ssyncset.done @p0 $0x0  }
0x3e: {  	s7 =	sor.u32 @!p0 $0x1C11, s7;
	[sflag:s4] =	ssyncadd.s32 @p0 $0xFFFFD800;
	s4 =	rddreg [dreg:$0x6]  }
0x3f: {  	[dreg:$0x19] =	wrdreg s7;
	s4 =	sshrl.u32 @!p0 s4, $0x3  }
0x40: {  	[dreg:$0x1a] =	wrdreg s4  }
0x41: {  	[spmem:s4], [sflag:s7] =	dma.local @!p0 [hbm:s8], $0x2700  }
0x42: {  	s4 =	simm.s32 @!p0 $0x11  }
0x43: {  	_ =	swait.ge @!p0 [sflag:s4], $0x2700  }
0x44: {  	[sflag:s4] =	ssyncset.done @!p0 $0x0  }
0x45: {  	[sflag:s4] =	ssyncadd.s32 @!p0 $0xFFFFD900  }
0x46: {  	[bflag:$0x0] =	sbarrier.arrive $0xFFFF  }
0x47: {  	s4 =	simm.s32 $0x0;
	s30 =	rddreg [dreg:$0x8]  }
0x48: {  	[tilespmem:s4], [sflag:$0x1] =	stream.linear.gather [hbm4b:s30+s4], $0x100, $0x38;
	[tilespmem:$0x1E080] =	vst v63  }
0x49: {  	s11 =	simm.s32 $0x100;
	s8 =	rddreg [dreg:$0x9]  }
0x4a: {  	[tilespmem:s11], [sflag:$0x2] =	stream.linear.gather [hbm4b:s8+s4], $0x100, $0x38;
	[tilespmem:$0x1E080] =	vst v63  }
0x4b: {  	s15 =	simm.s32 $0x200;
	s13 =	rddreg [dreg:$0xa]  }
0x4c: {  	[tilespmem:s15], [sflag:$0x3] =	stream.linear.gather [hbm4b:s13+s4], $0x100, $0x38;
	[tilespmem:$0x1E080] =	vst v63  }
0x4d: {  	s23 =	simm.s32 $0x300;
	s20 =	rddreg [dreg:$0xb]  }
0x4e: {  	[tilespmem:s23], [sflag:$0x4] =	stream.linear.gather [hbm4b:s20+s4], $0x100, $0x38;
	[tilespmem:$0x1E080] =	vst v63  }
0x4f: {  	s26 =	simm.s32 $0x400;
	s25 =	rddreg [dreg:$0xc];
	s30 =	simm.s32 $0x1  }
0x50: {  	[tilespmem:s26], [sflag:$0x5] =	stream.linear.gather [hbm4b:s25+s4], $0x100, $0x38;
	[tilespmem:$0x1E080] =	vst v63  }
0x51: {  	_ =	swait.ge [sflag:s30], $0x100  }
0x52: {  	s7 =	rddreg [dreg:$0x15]  }
0x53: {  	s26 =	rddreg [dreg:$0x14]  }
0x54: {  	s11 =	rddreg [dreg:$0x13]  }
.Ltmp2:
0x55: {  	s28 =	rddreg [dreg:$0x12];
	(pc) =	sbr.rel .LBB2_2-.Ltmp2, $4  }
0x56: {  	[sflag:s30] =	ssyncset.done $0x0;
	s29 =	rddreg [dreg:$0x11]  }
0x57: {  	s15 =	rddreg [dreg:$0x10];
	[sflag:s30] =	ssyncadd.s32 $0xFFFFFF00  }
0x58: {  	[tilespmem:s0], [sflag:$0x9] =	stream.indirect.gather [hbm4b:s1+s31], $0x80, s4, s31, $0xb8;
	[tilespmem:$0x1E080] =	vst v63  }
0x59: {  	s25 =	simm.s32 $0x7;
	s4 =	rddreg [dreg:$0x16]  }
.LBB2_4:
0x5a: {  	_ =	swait.ge [sflag:s17], $0x100  }
0x5b: {  	[sflag:s17] =	ssyncset.done $0x0  }
0x5c: {  	s8 =	simm.s32 $0x300;
	s13 =	simm.s32 $0x8000;
	[sflag:s17] =	ssyncadd.s32 $0xFFFFFF00  }
0x5d: {  	[tilespmem:s13], [sflag:$0xC] =	stream.indirect.gather [hbm4b:s1+s31], $0x80, s8, s31, $0xb8;
	[tilespmem:$0x1E080] =	vst v63  }
0x5e: {  	_ =	swait.ge [sflag:s19], $0x2800  }
0x5f: {  	[sflag:s19] =	ssyncset.done $0x0  }
0x60: {  	s30 =	simm.s32 $0x280;
	[sflag:s19] =	ssyncadd.s32 $0xFFFFD800  }
0x61: {  	[spmem:s2] =	stream.indirect.scatter.add.f32 [tilespmem:s18], [sflag:$0xF], $0x80, s30, s31, $0xb8;
	[tilespmem:$0x1E080] =	vst v63  }
0x62: {  	p4 =	seq.s32 s25, $0x7F;
	_ =	swait.ge [sflag:s21], $0x2800  }
0x63: {  	s30 =	sshrl.u32 @!p4 s26, $0x3;
	[sflag:s21] =	ssyncset.done $0x0  }
0x64: {  	s8 =	sadd.s32 @!p4 s5, s30;
	s30 =	simm.s32 @!p4 $0x0;
	[sflag:s21] =	ssyncadd.s32 $0xFFFFD800  }
0x65: {  	[tilespmem:s30], [sflag:$0x1] =	stream.linear.gather @!p4 [hbm4b:s8+s30], $0x100, $0x38;
	[tilespmem:$0x1E080] =	vst v63  }
0x66: {  	_ =	swait.ge [sflag:s10], $0x100  }
0x67: {  	[sflag:s10] =	ssyncset.done $0x0  }
0x68: {  	s18 =	simm.s32 $0x400;
	[sflag:s10] =	ssyncadd.s32 $0xFFFFFF00  }
0x69: {  	[tilespmem:s0], [sflag:$0x9] =	stream.indirect.gather [hbm4b:s1+s31], $0x80, s18, s31, $0xb8;
	[tilespmem:$0x1E080] =	vst v63  }
0x6a: {  	_ =	swait.ge [sflag:s22], $0x2800  }
0x6b: {  	[sflag:s22] =	ssyncset.done $0x0  }
0x6c: {  	s18 =	simm.s32 $0x380;
	[sflag:s22] =	ssyncadd.s32 $0xFFFFD800  }
0x6d: {  	[spmem:s2] =	stream.indirect.scatter.add.f32 [tilespmem:s13], [sflag:$0x10], $0x80, s18, s31, $0xb8;
	[tilespmem:$0x1E080] =	vst v63  }
0x6e: {  	_ =	swait.ge [sflag:s24], $0x2800  }
0x6f: {  	[sflag:s24] =	ssyncset.done $0x0  }
0x70: {  	s8 =	simm.s32 @!p4 $0x100;
	[sflag:s24] =	ssyncadd.s32 $0xFFFFD800  }
0x71: {  	[tilespmem:s8], [sflag:$0x2] =	stream.linear.gather @!p4 [hbm4b:s11+s30], $0x100, $0x38;
	[tilespmem:$0x1E080] =	vst v63  }
0x72: {  	s8 =	simm.s32 @!p1 $0x6  }
0x73: {  	_ =	swait.ge @!p1 [sflag:s8], $0x100  }
0x74: {  	[sflag:s8] =	ssyncset.done @!p1 $0x0  }
0x75: {  	s13 =	simm.s32 @!p1 $0x3000;
	[sflag:s8] =	ssyncadd.s32 @!p1 $0xFFFFFF00;
	s8 =	simm.s32 @!p1 $0x50  }
0x76: {  	[tilespmem:s13], [sflag:$0xA] =	stream.indirect.gather @!p1 [hbm4b:s1+s8], $0x80, s20, s8, $0xb8;
	[tilespmem:$0x1E080] =	vst v63  }
0x77: {  	_ =	swait.ge [sflag:s9], $0x2800  }
0x78: {  	[sflag:s9] =	ssyncset.done $0x0  }
0x79: {  	s20 =	simm.s32 $0x480;
	[sflag:s9] =	ssyncadd.s32 $0xFFFFD800  }
0x7a: {  	[spmem:s2] =	stream.indirect.scatter.add.f32 [tilespmem:s0], [sflag:$0xD], $0x80, s20, s31, $0xb8;
	[tilespmem:$0x1E080] =	vst v63  }
0x7b: {  	_ =	swait.ge [sflag:s6], $0x2800  }
0x7c: {  	[sflag:s6] =	ssyncset.done $0x0  }
0x7d: {  	s20 =	simm.s32 @!p4 $0x200;
	[sflag:s6] =	ssyncadd.s32 $0xFFFFD800  }
0x7e: {  	[tilespmem:s20], [sflag:$0x3] =	stream.linear.gather @!p4 [hbm4b:s28+s30], $0x100, $0x38;
	[tilespmem:$0x1E080] =	vst v63  }
0x7f: {  	s20 =	simm.s32 @!p2 $0x7  }
0x80: {  	_ =	swait.ge @!p2 [sflag:s20], $0x100  }
0x81: {  	[sflag:s20] =	ssyncset.done @!p2 $0x0  }
0x82: {  	s18 =	simm.s32 @!p2 $0x5800;
	[sflag:s20] =	ssyncadd.s32 @!p2 $0xFFFFFF00;
	s20 =	simm.s32 @!p2 $0x50  }
0x83: {  	[tilespmem:s18], [sflag:$0xB] =	stream.indirect.gather @!p2 [hbm4b:s1+s20], $0x80, s23, s20, $0xb8;
	[tilespmem:$0x1E080] =	vst v63  }
0x84: {  	s23 =	simm.s32 @!p1 $0xA  }
0x85: {  	_ =	swait.ge @!p1 [sflag:s23], $0x2800  }
0x86: {  	[sflag:s23] =	ssyncset.done @!p1 $0x0  }
0x87: {  	[sflag:s23] =	ssyncadd.s32 @!p1 $0xFFFFD800;
	s23 =	simm.s32 @!p1 $0x580  }
0x88: {  	[spmem:s2] =	stream.indirect.scatter.add.f32 @!p1 [tilespmem:s13], [sflag:$0xE], $0x80, s23, s8, $0xb8;
	[tilespmem:$0x1E080] =	vst v63  }
0x89: {  	_ =	swait.ge [sflag:s16], $0x2800  }
0x8a: {  	[sflag:s16] =	ssyncset.done $0x0  }
0x8b: {  	s8 =	simm.s32 @!p4 $0x300;
	[sflag:s16] =	ssyncadd.s32 $0xFFFFD800  }
0x8c: {  	[tilespmem:s8], [sflag:$0x4] =	stream.linear.gather @!p4 [hbm4b:s29+s30], $0x100, $0x38;
	[tilespmem:$0x1E080] =	vst v63  }
0x8d: {  	s8 =	simm.s32 @p3 $0x8  }
0x8e: {  	_ =	swait.ge @p3 [sflag:s8], $0x100  }
0x8f: {  	s13 =	simm.s32 @p3 $0x700;
	[sflag:s8] =	ssyncset.done @p3 $0x0  }
0x90: {  	s23 =	simm.s32 @p3 $0x8000;
	[sflag:s8] =	ssyncadd.s32 @p3 $0xFFFFFF00;
	s8 =	simm.s32 @p3 $0x50  }
0x91: {  	[tilespmem:s23], [sflag:$0xC] =	stream.indirect.gather @p3 [hbm4b:s1+s8], $0x80, s13, s8, $0xb8;
	[tilespmem:$0x1E080] =	vst v63  }
0x92: {  	s13 =	simm.s32 @!p2 $0xB  }
0x93: {  	_ =	swait.ge @!p2 [sflag:s13], $0x2800  }
0x94: {  	[sflag:s13] =	ssyncset.done @!p2 $0x0  }
0x95: {  	[sflag:s13] =	ssyncadd.s32 @!p2 $0xFFFFD800;
	s13 =	simm.s32 @!p2 $0x680  }
0x96: {  	[spmem:s2] =	stream.indirect.scatter.add.f32 @!p2 [tilespmem:s18], [sflag:$0xF], $0x80, s13, s20, $0xb8;
	[tilespmem:$0x1E080] =	vst v63  }
0x97: {  	_ =	swait.ge [sflag:s21], $0x2800  }
0x98: {  	[sflag:s21] =	ssyncset.done $0x0  }
0x99: {  	s13 =	simm.s32 @!p4 $0x400;
	[sflag:s21] =	ssyncadd.s32 $0xFFFFD800  }
0x9a: {  	[tilespmem:s13], [sflag:$0x5] =	stream.linear.gather @!p4 [hbm4b:s15+s30], $0x100, $0x38;
	[tilespmem:$0x1E080] =	vst v63  }
0x9b: {  	s13 =	simm.s32 @!p4 $0x1  }
0x9c: {  	s25 =	sadd.s32 $0x8, s25;
	s7 =	sadd.s32 $0x100, s7;
	_ =	swait.ge @!p4 [sflag:s13], $0x100  }
0x9d: {  	s4 =	sadd.s32 $0x100, s4;
	p1 =	sne.s32 s25, $0x87;
	[sflag:s13] =	ssyncset.done @!p4 $0x0  }
0x9e: {  	s18 =	simm.s32 @!p4 $0x800;
	[sflag:s13] =	ssyncadd.s32 @!p4 $0xFFFFFF00;
	s13 =	simm.s32 @!p4 $0x50  }
0x9f: {  	[tilespmem:s18], [sflag:$0x9] =	stream.indirect.gather @!p4 [hbm4b:s1+s13], $0x80, s30, s13, $0xb8;
	[tilespmem:$0x1E080] =	vst v63  }
.Ltmp3:
0xa0: {  	s26 =	sadd.s32 $0x800, s26;
	s13 =	simm.s32 @p3 $0xC;
	(pc) =	sbr.rel @!p1 .LBB2_5-.Ltmp3, $4  }
0xa1: {  	s11 =	sadd.s32 $0x100, s11;
	s28 =	sadd.s32 $0x100, s28;
	_ =	swait.ge @p3 [sflag:s13], $0x2800  }
0xa2: {  	s29 =	sadd.s32 $0x100, s29;
	s15 =	sadd.s32 $0x100, s15;
	[sflag:s13] =	ssyncset.done @p3 $0x0  }
0xa3: {  	s18 =	simm.s32 $0x5800;
	[sflag:s13] =	ssyncadd.s32 @p3 $0xFFFFD800;
	s13 =	simm.s32 @p3 $0x780  }
0xa4: {  	[spmem:s2] =	stream.indirect.scatter.add.f32 @p3 [tilespmem:s23], [sflag:$0x10], $0x80, s13, s8, $0xb8;
	[tilespmem:$0x1E080] =	vst v63  }
.LBB2_2:
0xa5: {  	s20 =	sadd.s32 $0xFFFFFFF6, s25  }
0xa6: {  	p2 =	sgt.u32 s20, $0x7C  }
0xa7: {  	s20 =	simm.s32 @!p2 $0xE  }
0xa8: {  	s23 =	sadd.s32 $0xFFFFFFFE, s25;
	_ =	swait.ge @!p2 [sflag:s20], $0x2800  }
0xa9: {  	p1 =	sgt.u32 s23, $0x7C;
	[sflag:s20] =	ssyncset.done @!p2 $0x0  }
0xaa: {  	s23 =	simm.s32 @!p1 $0x0;
	[sflag:s20] =	ssyncadd.s32 @!p2 $0xFFFFD800;
	s20 =	simm.s32 @!p1 $0x500  }
0xab: {  	[tilespmem:s20], [sflag:$0x6] =	stream.linear.gather @!p1 [hbm4b:s4+s23], $0x100, $0x38;
	[tilespmem:$0x1E080] =	vst v63  }
0xac: {  	_ =	swait.ge [sflag:s3], $0x100  }
0xad: {  	[sflag:s3] =	ssyncset.done $0x0  }
0xae: {  	s8 =	simm.s32 $0x100;
	s13 =	simm.s32 $0x3000;
	[sflag:s3] =	ssyncadd.s32 $0xFFFFFF00  }
0xaf: {  	[tilespmem:s13], [sflag:$0xA] =	stream.indirect.gather [hbm4b:s1+s31], $0x80, s8, s31, $0xb8;
	[tilespmem:$0x1E080] =	vst v63  }
0xb0: {  	s8 =	sadd.s32 $0xFFFFFFF7, s25;
	_ =	swait.ge [sflag:s9], $0x2800  }
0xb1: {  	p3 =	sgt.u32 s8, $0x7C;
	[sflag:s9] =	ssyncset.done $0x0  }
0xb2: {  	s30 =	simm.s32 $0x80;
	s23 =	simm.s32 @!p3 $0xF;
	[sflag:s9] =	ssyncadd.s32 $0xFFFFD800  }
0xb3: {  	[spmem:s2] =	stream.indirect.scatter.add.f32 [tilespmem:s0], [sflag:$0xD], $0x80, s30, s31, $0xb8;
	[tilespmem:$0x1E080] =	vst v63  }
0xb4: {  	s30 =	sadd.s32 $0xFFFFFFFF, s25;
	_ =	swait.ge @!p3 [sflag:s23], $0x2800  }
0xb5: {  	p2 =	sgt.u32 s30, $0x7C;
	[sflag:s23] =	ssyncset.done @!p3 $0x0  }
0xb6: {  	s30 =	simm.s32 @!p2 $0x0;
	[sflag:s23] =	ssyncadd.s32 @!p3 $0xFFFFD800;
	s23 =	simm.s32 @!p2 $0x600  }
0xb7: {  	[tilespmem:s23], [sflag:$0x7] =	stream.linear.gather @!p2 [hbm4b:s7+s30], $0x100, $0x38;
	[tilespmem:$0x1E080] =	vst v63  }
0xb8: {  	_ =	swait.ge [sflag:s12], $0x100  }
0xb9: {  	[sflag:s12] =	ssyncset.done $0x0  }
0xba: {  	s30 =	simm.s32 $0x200;
	[sflag:s12] =	ssyncadd.s32 $0xFFFFFF00  }
0xbb: {  	[tilespmem:s18], [sflag:$0xB] =	stream.indirect.gather [hbm4b:s1+s31], $0x80, s30, s31, $0xb8;
	[tilespmem:$0x1E080] =	vst v63  }
0xbc: {  	_ =	swait.ge [sflag:s14], $0x2800  }
0xbd: {  	[sflag:s14] =	ssyncset.done $0x0  }
0xbe: {  	s30 =	simm.s32 $0x180;
	[sflag:s14] =	ssyncadd.s32 $0xFFFFD800  }
0xbf: {  	[spmem:s2] =	stream.indirect.scatter.add.f32 [tilespmem:s13], [sflag:$0xE], $0x80, s30, s31, $0xb8;
	[tilespmem:$0x1E080] =	vst v63  }
0xc0: {  	s13 =	sadd.s32 $0xFFFFFFF8, s25  }
0xc1: {  	p4 =	sgt.u32 s13, $0x7C  }
0xc2: {  	p3 =	sgt.u32 @!p4 s25, $0x7C  }
0xc3: {  	p5 =	por p4, !p3  }
.Ltmp4:
0xc4: {  	_ = 	snop;
	(pc) =	sbr.rel @!p5 .LBB2_4-.Ltmp4, $4  }
0xc5: {  	s30 =	simm.s32 @!p4 $0x10  }
0xc6: {  	_ =	swait.ge @!p4 [sflag:s30], $0x2800  }
0xc7: {  	[sflag:s30] =	ssyncset.done @!p4 $0x0  }
0xc8: {  	p3 =	por @!p4 $0x0, $0x0;
	[sflag:s30] =	ssyncadd.s32 @!p4 $0xFFFFD800  }
0xc9: {  	s30 =	smov.u32 s25  }
0xca: {  	s30 =	simm.s32 @p4 $0x7  }
.Ltmp5:
0xcb: {  	s8 =	rddreg [dreg:$0x5];
	s30 =	sshll.u32 s30, $0x8;
	(pc) =	sbr.rel .LBB2_4-.Ltmp5, $4  }
0xcc: {  	s30 =	sadd.s32 s8, s30  }
0xcd: {  	s13 =	simm.s32 $0x700;
	s30 =	sshrl.u32 s30, $0x3  }
0xce: {  	p3 =	por $0x1, $0x1;
	s8 =	simm.s32 $0x0;
	s30 =	sadd.s32 s5, s30  }
0xcf: {  	[tilespmem:s13], [sflag:$0x8] =	stream.linear.gather [hbm4b:s30+s8], $0x100, $0x38;
	[tilespmem:$0x1E080] =	vst v63  }
.LBB2_6:
0xd0: {  	_ =	sfence.sel $0x180000  }
0xd1: {  	[bflag:$0x0] =	sbarrier.arrive $0xFFFF  }
0xd2: {  	_ =	strace $0x9000004A  }
0xd3: {  	s0 =	stileid.u32;
	[bflag:$0x2] =	sbarrier.arrive $0xFFFF  }
0xd4: {  	p0 =	sne.s32 s0, $0x0;
	s0 =	rddreg [dreg:$0x3]  }
0xd5: {  	s0 =	sadd.s32 @!p0 $0x100000, s0  }
0xd6: {  	[sflag:s0] =	ssyncadd.tile.s32 @!p0 $0x1;
	_ =	shalt  }
.Lfunc_end2:
_tile_overlayer_lowered:
.L_overlay_start_2:
0xd7: {  	(tag) =	ssettag $0x2  }
0xd8: {  	s0 =	rddreg [dreg:$0x0];
	s2 =	stileid.u32  }
0xd9: {  	s1 =	rddreg [dreg:$0x1];
	p0 =	sne.s32 s2, $0x0  }
0xda: {  	s3 =	rddreg [dreg:$0x2];
	[bflag:$0x3] =	sbarrier.arrive $0xFFFF;
	s2 =	simm.s32 @!p0 $0x1C11  }
0xdb: {  	[timem:s3], [sflag:s2] =	dma.local @!p0 [hbm:s0], s1  }
0xdc: {  	s0 =	simm.s32 @!p0 $0x11  }
0xdd: {  	_ =	swait.ge @!p0 [sflag:s0], s1  }
0xde: {  	s1 =	ssub.s32 @!p0 $0x0, s1;
	[sflag:s0] =	ssyncset.done @!p0 $0x0  }
0xdf: {  	[sflag:s0] =	ssyncadd.s32 @!p0 s1  }
0xe0: {  	[bflag:$0x3] =	sbarrier.arrive $0xFFFF  }
0xe1: {  	_ =	shalt  }

// kernel: kernel.14.cloned.1.call-start
scs
__scs_entry_jumppad:
0x0: {  	(pc) =	sbr.rel $0x88, $3  }
0x1: {  	(tag) =	ssettag $0x0;
	lr =	simm.s32 $0x1  }
0x2: {  	[smem:$0x3F97] =	sst lr;
	_ =	strace $0xD0000000  }
0x3: {  	_ = 	snop  }
0x4: {  	_ = 	snop  }
0x5: {  	_ = 	snop  }
0x6: {  	_ = 	snop  }
0x7: {  	_ = 	snop  }
__scs_overlays_trampoline_lowered:
0x8: {  	[smem:$0x3FA6] =	sst s0  }
0x9: {  	[smem:$0x3FA7] =	sst s1  }
0xa: {  	[smem:$0x3FA8] =	sst s2  }
0xb: {  	[smem:$0x3FA9] =	sst s3  }
0xc: {  	[smem:$0x3FAA] =	sst s4  }
0xd: {  	[smem:$0x3FAB] =	sst s5  }
0xe: {  	[smem:$0x3FAC] =	sst s6  }
0xf: {  	[smem:$0x3FAD] =	sst s7  }
0x10: {  	[smem:$0x3FAE] =	sst s8  }
0x11: {  	[smem:$0x3FAF] =	sst s9;
	s0 =	simm.s32 @!p0 $0x0  }
0x12: {  	s1 =	sld [smem:$0x3F95];
	s0 =	simm.s32 @p0 $0x1  }
0x13: {  	[smem:$0x3FB0] =	sst s0;
	s0 =	simm.s32 @!p1 $0x0  }
0x14: {  	s2 =	sld [smem:$0x3F94];
	s0 =	simm.s32 @p1 $0x1  }
0x15: {  	[smem:$0x3FB1] =	sst s0;
	s0 =	simm.s32 @!p2 $0x0  }
0x16: {  	s3 =	sld [smem:$0x3FDB];
	s0 =	simm.s32 @p2 $0x1  }
0x17: {  	s4 =	simm.s32 $0x1BF5;
	[smem:$0x3FB3] =	sst s0  }
0x18: {  	s0 =	sld [smem:$0x3F96];
	_ =	swait.ge [sflag:s4], $0x0  }
0x19: {  	s7 =	sld [smem:$0x3F97]  }
0x1a: {  	s8 =	sadd.s32 $0xFFFFE003, lr  }
0x1b: {  	s9 =	sadd.s32 $0xFFFFFEF7, lr;
	s5 =	simm.s32 $0xFFFFFFFF;
	p2 =	slt.u32 s8, $0xFFFFF086  }
0x1c: {  	p1 =	slt.u32 s9, $0xF7A;
	s5 =	simm.s32 @!p2 $0x0  }
0x1d: {  	s5 =	simm.s32 @p1 $0x1;
	p0 =	seq.s32 s7, s2  }
0x1e: {  	s7 =	smul.u32 @!p0 $0xF7A, s2;
	p2 =	seq.s32 @!p0 s5, $0x0  }
0x1f: {  	s9 =	smul.u32 $0xF7A, s1;
	s8 =	simm.s32 @!p0 $0x1BF5;
	p2 =	por !p2, p0  }
0x20: {  	[sflag:s8] =	ssyncset.s32 @!p0 $0xFFFFF086;
	s6 =	sadd.s32 @!p0 s3, s7;
	s7 =	simm.s32 @!p0 $0x108  }
0x21: {  	s3 =	sadd.s32 s3, s9;
	s6 =	sadd.s32 @!p0 $0x88, s6;
	s7 =	simm.s32 @p2 $0x1082  }
0x22: {  	[simem:s7], [sflag:s8] =	dma.local @!p0 [hbm:s6], $0xF7A  }
0x23: {  	s9 =	sor.u32 $0xD0000000, s2;
	s6 =	simm.s32 $0x108;
	_ =	swait.ge @!p0 [sflag:s8], $0x0  }
0x24: {  	s3 =	sadd.s32 $0x88, s3;
	s6 =	simm.s32 @!p1 $0x1082;
	[sflag:s4] =	ssyncset.s32 $0xFFFFF086  }
0x25: {  	[simem:s6], [sflag:s4] =	dma.local [hbm:s3], $0xF7A  }
0x26: {  	[smem:$0x3F97] =	sst s1;
	(tag) =	ssettag s2;
	_ =	strace s9  }
0x27: {  	s1 =	sld [smem:$0x3FA7]  }
0x28: {  	s2 =	sld [smem:$0x3FA8]  }
0x29: {  	s4 =	sld [smem:$0x3FAA]  }
0x2a: {  	p0 =	seq.s32 s5, $0x0;
	s5 =	sld [smem:$0x3FAB]  }
0x2b: {  	s6 =	sld [smem:$0x3FAC]  }
0x2c: {  	s7 =	sld [smem:$0x3FAD]  }
0x2d: {  	s3 =	simm.s32 $0x108;
	s8 =	sld [smem:$0x3FAE]  }
0x2e: {  	s3 =	simm.s32 @!p0 $0x1082;
	s9 =	sld [smem:$0x3FAF]  }
0x2f: {  	lr =	sadd.s32 s0, s3;
	s0 =	sld [smem:$0x3FA6]  }
0x30: {  	s3 =	sld [smem:$0x3FA9]  }
0x31: {  	[smem:$0x3FB2] =	sst s10  }
0x32: {  	s10 =	sld [smem:$0x3FB0];
	_ =	sdelay $0x3  }
0x33: {  	p0 =	seq.s32 s10, $0x1;
	s10 =	sld [smem:$0x3FB2];
	_ =	sdelay $0x3  }
0x34: {  	[smem:$0x3FB2] =	sst s10  }
0x35: {  	s10 =	sld [smem:$0x3FB1];
	_ =	sdelay $0x3  }
0x36: {  	p1 =	seq.s32 s10, $0x1;
	s10 =	sld [smem:$0x3FB2];
	_ =	sdelay $0x3  }
0x37: {  	[smem:$0x3FB2] =	sst s10  }
0x38: {  	s10 =	sld [smem:$0x3FB3]  }
0x39: {  	_ = 	snop;
	(pc) =	sbr.ind lr, $3  }
0x3a: {  	_ = 	snop  }
0x3b: {  	_ = 	snop  }
0x3c: {  	p2 =	seq.s32 s10, $0x1;
	s10 =	sld [smem:$0x3FB2]  }
0x3d: {  	_ =	shalt  }
0x3e: {  	_ =	shalt  }
0x3f: {  	_ =	shalt  }
0x40: {  	_ =	shalt  }
0x41: {  	_ =	shalt  }
0x42: {  	_ =	shalt  }
0x43: {  	_ =	shalt  }
0x44: {  	_ =	shalt  }
0x45: {  	_ =	shalt  }
0x46: {  	_ =	shalt  }
0x47: {  	_ =	shalt  }
0x48: {  	_ =	shalt  }
0x49: {  	_ =	shalt  }
0x4a: {  	_ =	shalt  }
0x4b: {  	_ =	shalt  }
0x4c: {  	_ =	shalt  }
0x4d: {  	_ =	shalt  }
0x4e: {  	_ =	shalt  }
0x4f: {  	_ =	shalt  }
0x50: {  	_ =	shalt  }
0x51: {  	_ =	shalt  }
0x52: {  	_ =	shalt  }
0x53: {  	_ =	shalt  }
0x54: {  	_ =	shalt  }
0x55: {  	_ =	shalt  }
0x56: {  	_ =	shalt  }
0x57: {  	_ =	shalt  }
0x58: {  	_ =	shalt  }
0x59: {  	_ =	shalt  }
0x5a: {  	_ =	shalt  }
0x5b: {  	_ =	shalt  }
0x5c: {  	_ =	shalt  }
0x5d: {  	_ =	shalt  }
0x5e: {  	_ =	shalt  }
0x5f: {  	_ =	shalt  }
0x60: {  	_ =	shalt  }
0x61: {  	_ =	shalt  }
0x62: {  	_ =	shalt  }
0x63: {  	_ =	shalt  }
0x64: {  	_ =	shalt  }
0x65: {  	_ =	shalt  }
0x66: {  	_ =	shalt  }
0x67: {  	_ =	shalt  }
0x68: {  	_ =	shalt  }
0x69: {  	_ =	shalt  }
0x6a: {  	_ =	shalt  }
0x6b: {  	_ =	shalt  }
0x6c: {  	_ =	shalt  }
0x6d: {  	_ =	shalt  }
0x6e: {  	_ =	shalt  }
0x6f: {  	_ =	shalt  }
0x70: {  	_ =	shalt  }
0x71: {  	_ =	shalt  }
0x72: {  	_ =	shalt  }
0x73: {  	_ =	shalt  }
0x74: {  	_ =	shalt  }
0x75: {  	_ =	shalt  }
0x76: {  	_ =	shalt  }
0x77: {  	_ =	shalt  }
0x78: {  	_ =	shalt  }
0x79: {  	_ =	shalt  }
0x7a: {  	_ =	shalt  }
0x7b: {  	_ =	shalt  }
0x7c: {  	_ =	shalt  }
0x7d: {  	_ =	shalt  }
0x7e: {  	_ =	shalt  }
0x7f: {  	_ =	shalt  }
0x80: {  	_ =	shalt  }
0x81: {  	_ =	shalt  }
0x82: {  	_ =	shalt  }
0x83: {  	_ =	shalt  }
0x84: {  	_ =	shalt  }
0x85: {  	_ =	shalt  }
0x86: {  	_ =	shalt  }
0x87: {  	_ =	shalt  }
.Lfunc_end0:
.L_simem_size_0:
called_computation.2_lowered:
.L_overlay_start_0:
0x88: {  	s2 =	sld [smem:$0x3FD9]  }
0x89: {  	s3 =	sld [smem:$0x3FFE];
	_ =	sdelay $0x1  }
0x8a: {  	s1 =	srdreg.scid  }
0x8b: {  	s0 =	sand.u32 $0x1, s1  }
0x8c: {  	s17 =	sshll.u32 s0, $0xA;
	s2 =	sadd.s32 s3, s2  }
0x8d: {  	s2 =	sadd.s32 s2, s17  }
0x8e: {  	[smem:$0x3FBE] =	sst s2  }
0x8f: {  	_ = 	snop  }
0x90: {  	s2 =	sld [smem:$0x3FD0];
	(tm) =	ssettm $0x1  }
0x91: {  	s18 =	sld [smem:$0x3FFB];
	_ =	sdelay $0x3  }
0x92: {  	_ =	strace s18  }
0x93: {  	s3 =	sld [smem:$0x3FFC];
	_ =	sdelay $0x3  }
0x94: {  	_ =	strace s3  }
0x95: {  	s3 =	sld [smem:$0x3FFD];
	_ =	sdelay $0x3  }
0x96: {  	_ =	strace s3  }
0x97: {  	_ =	strace $0x8FFFFFFF  }
0x98: {  	s19 =	sld [smem:$0x3FDB];
	_ =	sdelay $0x1  }
0x99: {  	s4 =	simm.s32 $_scs_section_size  }
0x9a: {  	s5 =	simm.s32 $_size__tile_overlayer_lowered;
	s6 =	simm.s32 $_tile_overlayer_lowered  }
0x9b: {  	s22 =	simm.s32 $0x1BFF;
	s21 =	sshll.u32 s6, $0x1;
	s3 =	sadd.s32 s4, s19  }
0x9c: {  	s7 =	simm.s32 $0x0;
	s20 =	sshll.u32 s5, $0x1;
	s5 =	sadd.s32 s21, s3  }
0x9d: {  	[timem:s7], [sflag:s22] =	dma.local [hbm:s5], s20  }
0x9e: {  	_ =	swait.ge [sflag:s22], s20  }
0x9f: {  	s4 =	ssub.s32 $0x0, s20;
	[sflag:s22] =	ssyncset.done $0x0  }
0xa0: {  	[sflag:s22] =	ssyncadd.s32 s4;
	_ =	sdelay $0x1  }
0xa1: {  	s23 =	simm.s32 $0x1B8B  }
0xa2: {  	_ =	swait.ge [sflag:s23], $0x1  }
0xa3: {  	[sflag:s23] =	ssyncset.done $0x0  }
0xa4: {  	s25 =	simm.s32 $0x1B8E;
	s24 =	sld [smem:$0x3FFE];
	[sflag:s23] =	ssyncadd.s32 $0xFFFFFFFF  }
0xa5: {  	s26 =	simm.s32 $execute0_lowered;
	[smem:$0x3FD2] =	sst s25  }
0xa6: {  	s5 =	sshll.u32 s26, $0x1;
	_ =	strace $0x8000004C;
	[dreg:$0x1] =	wrdreg $0xFFFFFFFF  }
0xa7: {  	s28 =	simm.s32 $_size_execute0_lowered;
	s3 =	sadd.s32 s3, s5;
	[dreg:$0x0] =	wrdreg $0x0  }
0xa8: {  	s5 =	sshll.u32 s28, $0x1;
	[dreg:$0x2] =	wrdreg s3  }
0xa9: {  	[dreg:$0x3] =	wrdreg s5  }
0xaa: {  	[dreg:$0x4] =	wrdreg $0xC0  }
0xab: {  	_ =	task [dreg:s7], $0x5FFFF  }
0xac: {  	[dreg:$0x1] =	wrdreg $0xFFFFFFFF  }
0xad: {  	[dreg:$0x0] =	wrdreg $0x60  }
0xae: {  	[dreg:$0x2] =	wrdreg s2  }
0xaf: {  	[dreg:$0x3] =	wrdreg s24  }
0xb0: {  	[dreg:$0x4] =	wrdreg $0xA8000  }
0xb1: {  	[dreg:$0x5] =	wrdreg $0x9  }
0xb2: {  	_ =	task.clear_ibuf [dreg:s7], $0x6FFFF;
	_ =	strace $0x9000004C  }
0xb3: {  	s29 =	simm.s32 $0x9;
	_ =	strace $0x8000004E  }
0xb4: {  	_ =	swait.ge [sflag:s29], $0x1  }
0xb5: {  	[sflag:s29] =	ssyncadd.s32 $0xFFFFFFFF  }
0xb6: {  	_ =	strace $0x9000004E  }
0xb7: {  	_ =	sfence  }
0xb8: {  	s30 =	sld [smem:$0x0];
	_ =	sdelay $0x2  }
0xb9: {  	s31 =	sshll.u32 s1, $0xD;
	s1 =	sshrl.u32 s1, $0x2  }
0xba: {  	s3 =	sand.u32 $0x4000, s31;
	s1 =	sadd.s32 s1, s30  }
0xbb: {  	s0 =	sor.u32 s3, s0;
	s1 =	sshll.u32 s1, $0x11  }
0xbc: {  	s0 =	sor.u32 s1, s0  }
0xbd: {  	s0 =	sadd.s32 $0x8F2B, s0  }
0xbe: {  	[sflag:s0] =	ssyncadd.remote.s32 $0x1  }
0xbf: {  	_ =	sfence.sel $0xFFFF  }
0xc0: {  	[dreg:$0x0] =	wrdreg $0xFFFFFFFF;
	(pc) =	sbr.abs _section_cstart, $3  }
0xc1: {  	[dreg:$0x1] =	wrdreg $0xFFFFFFFF  }
0xc2: {  	_ =	task.clear_ibuf [dreg:s7], $0x2FFFF;
	_ =	strace $0x9FFFFFFF  }
0xc3: {  	(tm) =	ssettm $0x7FFFFFFF  }
tec
execute0_lowered:
.L_overlay_start_1:
0x0: {  	(tag) =	ssettag $0x1  }
0x1: {  	s1 =	rddreg [dreg:$0x0]  }
0x2: {  	s0 =	rddreg [dreg:$0x1]  }
0x3: {  	s2 =	rddreg [dreg:$0x2]  }
0x4: {  	s3 =	simm.s32 $0x0;
	s24 =	srdreg.scid;
	s9 =	stileid.u32  }
0x5: {  	s31 =	simm.s32 $0x50;
	[smem:$0x7FF] =	sst s3;
	s5 =	sadd.s32 $0xD800, s0  }
0x6: {  	s3 =	sand.u32 $0x1, s24;
	s4 =	sshll.u32 s9, $0x1;
	s7 =	smul.u32 $0x4E000, s9  }
0x7: {  	s8 =	sadd.s32 $0x3200, s0;
	s0 =	sadd.s32 $0x7AE00, s0;
	s13 =	smul.u32 $0x13800, s9  }
0x8: {  	s12 =	sadd.s32 $0x124800, s2;
	s16 =	smul.u32 $0xFA00, s9;
	p0 =	seq.s32 s9, $0xF  }
0x9: {  	s9 =	simm.s32 $0x9;
	_ =	strace $0x8000004D;
	s6 =	ssub.s32 $0x2, s3  }
0xa: {  	s4 =	sor.u32 s3, s4;
	[dreg:$0x4] =	wrdreg s8;
	s30 =	smul.u32 $0x138800, s3  }
0xb: {  	[dreg:$0x7] =	wrdreg s12;
	s3 =	smul.u32 $0x7D00, s3;
	s12 =	simm.s32 $0x3  }
0xc: {  	s8 =	simm.s32 $0x0;
	s25 =	sshrl.u32 s6, $0x1;
	s28 =	sshrl.u32 s7, $0x2  }
0xd: {  	s10 =	smul.u32 $0x7D00, s4;
	s26 =	ssub.s32 s6, s25;
	s6 =	sadd.s32 s28, s2  }
0xe: {  	s7 =	sshrl.u32 s30, $0x3;
	s3 =	sadd.s32 s3, s16;
	[dreg:$0x6] =	wrdreg s6  }
0xf: {  	s16 =	simm.s32 $0x10;
	[dreg:$0x5] =	wrdreg s10;
	s29 =	sshrl.u32 s10, $0x3  }
0x10: {  	s6 =	sadd.s32 s13, s30;
	s17 =	smax.u32 s26, $0x1;
	s18 =	sadd.s32 $0xC00, s3  }
0x11: {  	s19 =	sadd.s32 $0xB00, s3;
	s20 =	sadd.s32 $0xA00, s3;
	s24 =	sadd.s32 $0x900, s3  }
0x12: {  	s25 =	sadd.s32 $0x600, s3;
	s26 =	sadd.s32 $0x500, s3;
	s3 =	sadd.s32 $0x800, s3  }
0x13: {  	s10 =	sadd.s32 s5, s29;
	s6 =	sshrl.u32 s6, $0x3;
	[dreg:$0xf] =	wrdreg s17  }
0x14: {  	s21 =	sshrl.u32 s19, $0x3;
	s22 =	sshrl.u32 s20, $0x3;
	[dreg:$0x14] =	wrdreg s3  }
0x15: {  	s28 =	sshrl.u32 s25, $0x3;
	s14 =	sadd.s32 $0x20, s10;
	[dreg:$0x8] =	wrdreg s10  }
0x16: {  	s29 =	sshrl.u32 s26, $0x3;
	s15 =	sadd.s32 $0x40, s10;
	[dreg:$0x9] =	wrdreg s14  }
0x17: {  	s3 =	simm.s32 $0x2;
	s11 =	sadd.s32 $0x60, s10;
	[dreg:$0xa] =	wrdreg s15  }
0x18: {  	s17 =	simm.s32 $0x4;
	s10 =	sadd.s32 $0x80, s10;
	[dreg:$0xb] =	wrdreg s11  }
0x19: {  	s19 =	simm.s32 $0xB;
	s6 =	sadd.s32 s0, s6;
	[dreg:$0xc] =	wrdreg s10  }
0x1a: {  	s0 =	sadd.s32 s0, s7;
	s23 =	sadd.s32 s22, s5;
	[dreg:$0xd] =	wrdreg s6  }
0x1b: {  	s30 =	sadd.s32 s29, s5;
	s0 =	sadd.s32 $0x24900, s0;
	[dreg:$0x12] =	wrdreg s23  }
0x1c: {  	s22 =	simm.s32 $0xC;
	[dreg:$0xe] =	wrdreg s0;
	s0 =	sshrl.u32 s18, $0x3  }
0x1d: {  	[dreg:$0x16] =	wrdreg s30;
	s14 =	simm.s32 $0xA;
	s0 =	sadd.s32 s0, s5  }
.Ltmp0:
0x1e: {  	[dreg:$0x10] =	wrdreg s0;
	s0 =	sadd.s32 s21, s5;
	(pc) =	sbr.rel .LBB2_1-.Ltmp0, $4  }
0x1f: {  	s10 =	simm.s32 $0x5;
	[dreg:$0x11] =	wrdreg s0;
	s0 =	sshrl.u32 s24, $0x3  }
0x20: {  	s6 =	simm.s32 $0xF;
	s18 =	simm.s32 $0x5800;
	s0 =	sadd.s32 s0, s5  }
0x21: {  	s21 =	simm.s32 $0xD;
	[dreg:$0x13] =	wrdreg s0;
	s0 =	sadd.s32 s28, s5  }
0x22: {  	s24 =	simm.s32 $0xE;
	[dreg:$0x15] =	wrdreg s0;
	s0 =	simm.s32 $0x800  }
.LBB2_5:
0x23: {  	[bflag:$0x0] =	sbarrier.arrive $0xFFFF  }
0x24: {  	s7 =	rddreg [dreg:$0xe]  }
0x25: {  	s4 =	simm.s32 @p0 $0x1FD1;
	s8 =	rddreg [dreg:$0x18]  }
0x26: {  	[hbm:s7], [sflag:s4] =	dma.local @p0 [spmem:s8], $0x2800  }
0x27: {  	s4 =	simm.s32 @p0 $0x11  }
0x28: {  	_ =	swait.ge @p0 [sflag:s4], $0x2800  }
0x29: {  	s7 =	rddreg [dreg:$0x19]  }
0x2a: {  	[sflag:s4] =	ssyncset.done @p0 $0x0;
	s8 =	rddreg [dreg:$0x1a]  }
0x2b: {  	[sflag:s4] =	ssyncadd.s32 @p0 $0xFFFFD800;
	s4 =	rddreg [dreg:$0xd]  }
0x2c: {  	[hbm:s4], [sflag:s7] =	dma.local @!p0 [spmem:s8], $0x2700  }
0x2d: {  	s4 =	simm.s32 @!p0 $0x11  }
0x2e: {  	_ =	swait.ge @!p0 [sflag:s4], $0x2700  }
0x2f: {  	s29 =	rddreg [dreg:$0x17]  }
0x30: {  	s30 =	rddreg [dreg:$0xf];
	s8 =	sadd.s32 $0x1, s29  }
0x31: {  	p1 =	sne.s32 s8, s30  }
.Ltmp1:
0x32: {  	_ = 	snop;
	(pc) =	sbr.rel @!p1 .LBB2_6-.Ltmp1, $3  }
0x33: {  	_ =	sdelay $0x1  }
0x34: {  	[sflag:s4] =	ssyncset.done @!p0 $0x0  }
0x35: {  	[sflag:s4] =	ssyncadd.s32 @!p0 $0xFFFFD900  }
.LBB2_1:
0x36: {  	[dreg:$0x17] =	wrdreg s8  }
0x37: {  	s4 =	rddreg [dreg:$0x7]  }
0x38: {  	s8 =	rddreg [dreg:$0x4];
	s7 =	sshrl.u32 @p0 s4, $0x3  }
0x39: {  	s4 =	simm.s32 @p0 $0x1FD1;
	[dreg:$0x18] =	wrdreg s7  }
0x3a: {  	[spmem:s7], [sflag:s4] =	dma.local @p0 [hbm:s8], $0x2800  }
0x3b: {  	s4 =	simm.s32 @p0 $0x11  }
0x3c: {  	s7 =	stileid.u32;
	_ =	swait.ge @p0 [sflag:s4], $0x2800  }
0x3d: {  	s7 =	sshll.u32 @!p0 s7, $0x6;
	[sflag:s4] =	ssyncset.done @p0 $0x0  }
0x3e: {  	s7 =	sor.u32 @!p0 $0x1C11, s7;
	[sflag:s4] =	ssyncadd.s32 @p0 $0xFFFFD800;
	s4 =	rddreg [dreg:$0x6]  }
0x3f: {  	[dreg:$0x19] =	wrdreg s7;
	s4 =	sshrl.u32 @!p0 s4, $0x3  }
0x40: {  	[dreg:$0x1a] =	wrdreg s4  }
0x41: {  	[spmem:s4], [sflag:s7] =	dma.local @!p0 [hbm:s8], $0x2700  }
0x42: {  	s4 =	simm.s32 @!p0 $0x11  }
0x43: {  	_ =	swait.ge @!p0 [sflag:s4], $0x2700  }
0x44: {  	[sflag:s4] =	ssyncset.done @!p0 $0x0  }
0x45: {  	[sflag:s4] =	ssyncadd.s32 @!p0 $0xFFFFD900  }
0x46: {  	[bflag:$0x0] =	sbarrier.arrive $0xFFFF  }
0x47: {  	s4 =	simm.s32 $0x0;
	s30 =	rddreg [dreg:$0x8]  }
0x48: {  	[tilespmem:s4], [sflag:$0x1] =	stream.linear.gather [hbm4b:s30+s4], $0x100, $0x38;
	[tilespmem:$0x1E080] =	vst v63  }
0x49: {  	s11 =	simm.s32 $0x100;
	s8 =	rddreg [dreg:$0x9]  }
0x4a: {  	[tilespmem:s11], [sflag:$0x2] =	stream.linear.gather [hbm4b:s8+s4], $0x100, $0x38;
	[tilespmem:$0x1E080] =	vst v63  }
0x4b: {  	s15 =	simm.s32 $0x200;
	s13 =	rddreg [dreg:$0xa]  }
0x4c: {  	[tilespmem:s15], [sflag:$0x3] =	stream.linear.gather [hbm4b:s13+s4], $0x100, $0x38;
	[tilespmem:$0x1E080] =	vst v63  }
0x4d: {  	s23 =	simm.s32 $0x300;
	s20 =	rddreg [dreg:$0xb]  }
0x4e: {  	[tilespmem:s23], [sflag:$0x4] =	stream.linear.gather [hbm4b:s20+s4], $0x100, $0x38;
	[tilespmem:$0x1E080] =	vst v63  }
0x4f: {  	s26 =	simm.s32 $0x400;
	s25 =	rddreg [dreg:$0xc];
	s30 =	simm.s32 $0x1  }
0x50: {  	[tilespmem:s26], [sflag:$0x5] =	stream.linear.gather [hbm4b:s25+s4], $0x100, $0x38;
	[tilespmem:$0x1E080] =	vst v63  }
0x51: {  	_ =	swait.ge [sflag:s30], $0x100  }
0x52: {  	s7 =	rddreg [dreg:$0x15]  }
0x53: {  	s26 =	rddreg [dreg:$0x14]  }
0x54: {  	s11 =	rddreg [dreg:$0x13]  }
.Ltmp2:
0x55: {  	s28 =	rddreg [dreg:$0x12];
	(pc) =	sbr.rel .LBB2_2-.Ltmp2, $4  }
0x56: {  	[sflag:s30] =	ssyncset.done $0x0;
	s29 =	rddreg [dreg:$0x11]  }
0x57: {  	s15 =	rddreg [dreg:$0x10];
	[sflag:s30] =	ssyncadd.s32 $0xFFFFFF00  }
0x58: {  	[tilespmem:s0], [sflag:$0x9] =	stream.indirect.gather [hbm4b:s1+s31], $0x80, s4, s31, $0xb8;
	[tilespmem:$0x1E080] =	vst v63  }
0x59: {  	s25 =	simm.s32 $0x7;
	s4 =	rddreg [dreg:$0x16]  }
.LBB2_4:
0x5a: {  	_ =	swait.ge [sflag:s17], $0x100  }
0x5b: {  	[sflag:s17] =	ssyncset.done $0x0  }
0x5c: {  	s8 =	simm.s32 $0x300;
	s13 =	simm.s32 $0x8000;
	[sflag:s17] =	ssyncadd.s32 $0xFFFFFF00  }
0x5d: {  	[tilespmem:s13], [sflag:$0xC] =	stream.indirect.gather [hbm4b:s1+s31], $0x80, s8, s31, $0xb8;
	[tilespmem:$0x1E080] =	vst v63  }
0x5e: {  	_ =	swait.ge [sflag:s19], $0x2800  }
0x5f: {  	[sflag:s19] =	ssyncset.done $0x0  }
0x60: {  	s30 =	simm.s32 $0x280;
	[sflag:s19] =	ssyncadd.s32 $0xFFFFD800  }
0x61: {  	[spmem:s2] =	stream.indirect.scatter.add.f32 [tilespmem:s18], [sflag:$0xF], $0x80, s30, s31, $0xb8;
	[tilespmem:$0x1E080] =	vst v63  }
0x62: {  	p4 =	seq.s32 s25, $0x7F;
	_ =	swait.ge [sflag:s21], $0x2800  }
0x63: {  	s30 =	sshrl.u32 @!p4 s26, $0x3;
	[sflag:s21] =	ssyncset.done $0x0  }
0x64: {  	s8 =	sadd.s32 @!p4 s5, s30;
	s30 =	simm.s32 @!p4 $0x0;
	[sflag:s21] =	ssyncadd.s32 $0xFFFFD800  }
0x65: {  	[tilespmem:s30], [sflag:$0x1] =	stream.linear.gather @!p4 [hbm4b:s8+s30], $0x100, $0x38;
	[tilespmem:$0x1E080] =	vst v63  }
0x66: {  	_ =	swait.ge [sflag:s10], $0x100  }
0x67: {  	[sflag:s10] =	ssyncset.done $0x0  }
0x68: {  	s18 =	simm.s32 $0x400;
	[sflag:s10] =	ssyncadd.s32 $0xFFFFFF00  }
0x69: {  	[tilespmem:s0], [sflag:$0x9] =	stream.indirect.gather [hbm4b:s1+s31], $0x80, s18, s31, $0xb8;
	[tilespmem:$0x1E080] =	vst v63  }
0x6a: {  	_ =	swait.ge [sflag:s22], $0x2800  }
0x6b: {  	[sflag:s22] =	ssyncset.done $0x0  }
0x6c: {  	s18 =	simm.s32 $0x380;
	[sflag:s22] =	ssyncadd.s32 $0xFFFFD800  }
0x6d: {  	[spmem:s2] =	stream.indirect.scatter.add.f32 [tilespmem:s13], [sflag:$0x10], $0x80, s18, s31, $0xb8;
	[tilespmem:$0x1E080] =	vst v63  }
0x6e: {  	_ =	swait.ge [sflag:s24], $0x2800  }
0x6f: {  	[sflag:s24] =	ssyncset.done $0x0  }
0x70: {  	s8 =	simm.s32 @!p4 $0x100;
	[sflag:s24] =	ssyncadd.s32 $0xFFFFD800  }
0x71: {  	[tilespmem:s8], [sflag:$0x2] =	stream.linear.gather @!p4 [hbm4b:s11+s30], $0x100, $0x38;
	[tilespmem:$0x1E080] =	vst v63  }
0x72: {  	s8 =	simm.s32 @!p1 $0x6  }
0x73: {  	_ =	swait.ge @!p1 [sflag:s8], $0x100  }
0x74: {  	[sflag:s8] =	ssyncset.done @!p1 $0x0  }
0x75: {  	s13 =	simm.s32 @!p1 $0x3000;
	[sflag:s8] =	ssyncadd.s32 @!p1 $0xFFFFFF00;
	s8 =	simm.s32 @!p1 $0x50  }
0x76: {  	[tilespmem:s13], [sflag:$0xA] =	stream.indirect.gather @!p1 [hbm4b:s1+s8], $0x80, s20, s8, $0xb8;
	[tilespmem:$0x1E080] =	vst v63  }
0x77: {  	_ =	swait.ge [sflag:s9], $0x2800  }
0x78: {  	[sflag:s9] =	ssyncset.done $0x0  }
0x79: {  	s20 =	simm.s32 $0x480;
	[sflag:s9] =	ssyncadd.s32 $0xFFFFD800  }
0x7a: {  	[spmem:s2] =	stream.indirect.scatter.add.f32 [tilespmem:s0], [sflag:$0xD], $0x80, s20, s31, $0xb8;
	[tilespmem:$0x1E080] =	vst v63  }
0x7b: {  	_ =	swait.ge [sflag:s6], $0x2800  }
0x7c: {  	[sflag:s6] =	ssyncset.done $0x0  }
0x7d: {  	s20 =	simm.s32 @!p4 $0x200;
	[sflag:s6] =	ssyncadd.s32 $0xFFFFD800  }
0x7e: {  	[tilespmem:s20], [sflag:$0x3] =	stream.linear.gather @!p4 [hbm4b:s28+s30], $0x100, $0x38;
	[tilespmem:$0x1E080] =	vst v63  }
0x7f: {  	s20 =	simm.s32 @!p2 $0x7  }
0x80: {  	_ =	swait.ge @!p2 [sflag:s20], $0x100  }
0x81: {  	[sflag:s20] =	ssyncset.done @!p2 $0x0  }
0x82: {  	s18 =	simm.s32 @!p2 $0x5800;
	[sflag:s20] =	ssyncadd.s32 @!p2 $0xFFFFFF00;
	s20 =	simm.s32 @!p2 $0x50  }
0x83: {  	[tilespmem:s18], [sflag:$0xB] =	stream.indirect.gather @!p2 [hbm4b:s1+s20], $0x80, s23, s20, $0xb8;
	[tilespmem:$0x1E080] =	vst v63  }
0x84: {  	s23 =	simm.s32 @!p1 $0xA  }
0x85: {  	_ =	swait.ge @!p1 [sflag:s23], $0x2800  }
0x86: {  	[sflag:s23] =	ssyncset.done @!p1 $0x0  }
0x87: {  	[sflag:s23] =	ssyncadd.s32 @!p1 $0xFFFFD800;
	s23 =	simm.s32 @!p1 $0x580  }
0x88: {  	[spmem:s2] =	stream.indirect.scatter.add.f32 @!p1 [tilespmem:s13], [sflag:$0xE], $0x80, s23, s8, $0xb8;
	[tilespmem:$0x1E080] =	vst v63  }
0x89: {  	_ =	swait.ge [sflag:s16], $0x2800  }
0x8a: {  	[sflag:s16] =	ssyncset.done $0x0  }
0x8b: {  	s8 =	simm.s32 @!p4 $0x300;
	[sflag:s16] =	ssyncadd.s32 $0xFFFFD800  }
0x8c: {  	[tilespmem:s8], [sflag:$0x4] =	stream.linear.gather @!p4 [hbm4b:s29+s30], $0x100, $0x38;
	[tilespmem:$0x1E080] =	vst v63  }
0x8d: {  	s8 =	simm.s32 @p3 $0x8  }
0x8e: {  	_ =	swait.ge @p3 [sflag:s8], $0x100  }
0x8f: {  	s13 =	simm.s32 @p3 $0x700;
	[sflag:s8] =	ssyncset.done @p3 $0x0  }
0x90: {  	s23 =	simm.s32 @p3 $0x8000;
	[sflag:s8] =	ssyncadd.s32 @p3 $0xFFFFFF00;
	s8 =	simm.s32 @p3 $0x50  }
0x91: {  	[tilespmem:s23], [sflag:$0xC] =	stream.indirect.gather @p3 [hbm4b:s1+s8], $0x80, s13, s8, $0xb8;
	[tilespmem:$0x1E080] =	vst v63  }
0x92: {  	s13 =	simm.s32 @!p2 $0xB  }
0x93: {  	_ =	swait.ge @!p2 [sflag:s13], $0x2800  }
0x94: {  	[sflag:s13] =	ssyncset.done @!p2 $0x0  }
0x95: {  	[sflag:s13] =	ssyncadd.s32 @!p2 $0xFFFFD800;
	s13 =	simm.s32 @!p2 $0x680  }
0x96: {  	[spmem:s2] =	stream.indirect.scatter.add.f32 @!p2 [tilespmem:s18], [sflag:$0xF], $0x80, s13, s20, $0xb8;
	[tilespmem:$0x1E080] =	vst v63  }
0x97: {  	_ =	swait.ge [sflag:s21], $0x2800  }
0x98: {  	[sflag:s21] =	ssyncset.done $0x0  }
0x99: {  	s13 =	simm.s32 @!p4 $0x400;
	[sflag:s21] =	ssyncadd.s32 $0xFFFFD800  }
0x9a: {  	[tilespmem:s13], [sflag:$0x5] =	stream.linear.gather @!p4 [hbm4b:s15+s30], $0x100, $0x38;
	[tilespmem:$0x1E080] =	vst v63  }
0x9b: {  	s13 =	simm.s32 @!p4 $0x1  }
0x9c: {  	s25 =	sadd.s32 $0x8, s25;
	s7 =	sadd.s32 $0x100, s7;
	_ =	swait.ge @!p4 [sflag:s13], $0x100  }
0x9d: {  	s4 =	sadd.s32 $0x100, s4;
	p1 =	sne.s32 s25, $0x87;
	[sflag:s13] =	ssyncset.done @!p4 $0x0  }
0x9e: {  	s18 =	simm.s32 @!p4 $0x800;
	[sflag:s13] =	ssyncadd.s32 @!p4 $0xFFFFFF00;
	s13 =	simm.s32 @!p4 $0x50  }
0x9f: {  	[tilespmem:s18], [sflag:$0x9] =	stream.indirect.gather @!p4 [hbm4b:s1+s13], $0x80, s30, s13, $0xb8;
	[tilespmem:$0x1E080] =	vst v63  }
.Ltmp3:
0xa0: {  	s26 =	sadd.s32 $0x800, s26;
	s13 =	simm.s32 @p3 $0xC;
	(pc) =	sbr.rel @!p1 .LBB2_5-.Ltmp3, $4  }
0xa1: {  	s11 =	sadd.s32 $0x100, s11;
	s28 =	sadd.s32 $0x100, s28;
	_ =	swait.ge @p3 [sflag:s13], $0x2800  }
0xa2: {  	s29 =	sadd.s32 $0x100, s29;
	s15 =	sadd.s32 $0x100, s15;
	[sflag:s13] =	ssyncset.done @p3 $0x0  }
0xa3: {  	s18 =	simm.s32 $0x5800;
	[sflag:s13] =	ssyncadd.s32 @p3 $0xFFFFD800;
	s13 =	simm.s32 @p3 $0x780  }
0xa4: {  	[spmem:s2] =	stream.indirect.scatter.add.f32 @p3 [tilespmem:s23], [sflag:$0x10], $0x80, s13, s8, $0xb8;
	[tilespmem:$0x1E080] =	vst v63  }
.LBB2_2:
0xa5: {  	s20 =	sadd.s32 $0xFFFFFFF6, s25  }
0xa6: {  	p2 =	sgt.u32 s20, $0x7C  }
0xa7: {  	s20 =	simm.s32 @!p2 $0xE  }
0xa8: {  	s23 =	sadd.s32 $0xFFFFFFFE, s25;
	_ =	swait.ge @!p2 [sflag:s20], $0x2800  }
0xa9: {  	p1 =	sgt.u32 s23, $0x7C;
	[sflag:s20] =	ssyncset.done @!p2 $0x0  }
0xaa: {  	s23 =	simm.s32 @!p1 $0x0;
	[sflag:s20] =	ssyncadd.s32 @!p2 $0xFFFFD800;
	s20 =	simm.s32 @!p1 $0x500  }
0xab: {  	[tilespmem:s20], [sflag:$0x6] =	stream.linear.gather @!p1 [hbm4b:s4+s23], $0x100, $0x38;
	[tilespmem:$0x1E080] =	vst v63  }
0xac: {  	_ =	swait.ge [sflag:s3], $0x100  }
0xad: {  	[sflag:s3] =	ssyncset.done $0x0  }
0xae: {  	s8 =	simm.s32 $0x100;
	s13 =	simm.s32 $0x3000;
	[sflag:s3] =	ssyncadd.s32 $0xFFFFFF00  }
0xaf: {  	[tilespmem:s13], [sflag:$0xA] =	stream.indirect.gather [hbm4b:s1+s31], $0x80, s8, s31, $0xb8;
	[tilespmem:$0x1E080] =	vst v63  }
0xb0: {  	s8 =	sadd.s32 $0xFFFFFFF7, s25;
	_ =	swait.ge [sflag:s9], $0x2800  }
0xb1: {  	p3 =	sgt.u32 s8, $0x7C;
	[sflag:s9] =	ssyncset.done $0x0  }
0xb2: {  	s30 =	simm.s32 $0x80;
	s23 =	simm.s32 @!p3 $0xF;
	[sflag:s9] =	ssyncadd.s32 $0xFFFFD800  }
0xb3: {  	[spmem:s2] =	stream.indirect.scatter.add.f32 [tilespmem:s0], [sflag:$0xD], $0x80, s30, s31, $0xb8;
	[tilespmem:$0x1E080] =	vst v63  }
0xb4: {  	s30 =	sadd.s32 $0xFFFFFFFF, s25;
	_ =	swait.ge @!p3 [sflag:s23], $0x2800  }
0xb5: {  	p2 =	sgt.u32 s30, $0x7C;
	[sflag:s23] =	ssyncset.done @!p3 $0x0  }
0xb6: {  	s30 =	simm.s32 @!p2 $0x0;
	[sflag:s23] =	ssyncadd.s32 @!p3 $0xFFFFD800;
	s23 =	simm.s32 @!p2 $0x600  }
0xb7: {  	[tilespmem:s23], [sflag:$0x7] =	stream.linear.gather @!p2 [hbm4b:s7+s30], $0x100, $0x38;
	[tilespmem:$0x1E080] =	vst v63  }
0xb8: {  	_ =	swait.ge [sflag:s12], $0x100  }
0xb9: {  	[sflag:s12] =	ssyncset.done $0x0  }
0xba: {  	s30 =	simm.s32 $0x200;
	[sflag:s12] =	ssyncadd.s32 $0xFFFFFF00  }
0xbb: {  	[tilespmem:s18], [sflag:$0xB] =	stream.indirect.gather [hbm4b:s1+s31], $0x80, s30, s31, $0xb8;
	[tilespmem:$0x1E080] =	vst v63  }
0xbc: {  	_ =	swait.ge [sflag:s14], $0x2800  }
0xbd: {  	[sflag:s14] =	ssyncset.done $0x0  }
0xbe: {  	s30 =	simm.s32 $0x180;
	[sflag:s14] =	ssyncadd.s32 $0xFFFFD800  }
0xbf: {  	[spmem:s2] =	stream.indirect.scatter.add.f32 [tilespmem:s13], [sflag:$0xE], $0x80, s30, s31, $0xb8;
	[tilespmem:$0x1E080] =	vst v63  }
0xc0: {  	s13 =	sadd.s32 $0xFFFFFFF8, s25  }
0xc1: {  	p4 =	sgt.u32 s13, $0x7C  }
0xc2: {  	p3 =	sgt.u32 @!p4 s25, $0x7C  }
0xc3: {  	p5 =	por p4, !p3  }
.Ltmp4:
0xc4: {  	_ = 	snop;
	(pc) =	sbr.rel @!p5 .LBB2_4-.Ltmp4, $4  }
0xc5: {  	s30 =	simm.s32 @!p4 $0x10  }
0xc6: {  	_ =	swait.ge @!p4 [sflag:s30], $0x2800  }
0xc7: {  	[sflag:s30] =	ssyncset.done @!p4 $0x0  }
0xc8: {  	p3 =	por @!p4 $0x0, $0x0;
	[sflag:s30] =	ssyncadd.s32 @!p4 $0xFFFFD800  }
0xc9: {  	s30 =	smov.u32 s25  }
0xca: {  	s30 =	simm.s32 @p4 $0x7  }
.Ltmp5:
0xcb: {  	s8 =	rddreg [dreg:$0x5];
	s30 =	sshll.u32 s30, $0x8;
	(pc) =	sbr.rel .LBB2_4-.Ltmp5, $4  }
0xcc: {  	s30 =	sadd.s32 s8, s30  }
0xcd: {  	s13 =	simm.s32 $0x700;
	s30 =	sshrl.u32 s30, $0x3  }
0xce: {  	p3 =	por $0x1, $0x1;
	s8 =	simm.s32 $0x0;
	s30 =	sadd.s32 s5, s30  }
0xcf: {  	[tilespmem:s13], [sflag:$0x8] =	stream.linear.gather [hbm4b:s30+s8], $0x100, $0x38;
	[tilespmem:$0x1E080] =	vst v63  }
.LBB2_6:
0xd0: {  	_ =	sfence.sel $0x180000  }
0xd1: {  	[bflag:$0x0] =	sbarrier.arrive $0xFFFF  }
0xd2: {  	_ =	strace $0x9000004D  }
0xd3: {  	s0 =	stileid.u32;
	[bflag:$0x2] =	sbarrier.arrive $0xFFFF  }
0xd4: {  	p0 =	sne.s32 s0, $0x0;
	s0 =	rddreg [dreg:$0x3]  }
0xd5: {  	s0 =	sadd.s32 @!p0 $0x100000, s0  }
0xd6: {  	[sflag:s0] =	ssyncadd.tile.s32 @!p0 $0x1;
	_ =	shalt  }
.Lfunc_end2:
_tile_overlayer_lowered:
.L_overlay_start_2:
0xd7: {  	(tag) =	ssettag $0x2  }
0xd8: {  	s0 =	rddreg [dreg:$0x0];
	s2 =	stileid.u32  }
0xd9: {  	s1 =	rddreg [dreg:$0x1];
	p0 =	sne.s32 s2, $0x0  }
0xda: {  	s3 =	rddreg [dreg:$0x2];
	[bflag:$0x3] =	sbarrier.arrive $0xFFFF;
	s2 =	simm.s32 @!p0 $0x1C11  }
0xdb: {  	[timem:s3], [sflag:s2] =	dma.local @!p0 [hbm:s0], s1  }
0xdc: {  	s0 =	simm.s32 @!p0 $0x11  }
0xdd: {  	_ =	swait.ge @!p0 [sflag:s0], s1  }
0xde: {  	s1 =	ssub.s32 @!p0 $0x0, s1;
	[sflag:s0] =	ssyncset.done @!p0 $0x0  }
0xdf: {  	[sflag:s0] =	ssyncadd.s32 @!p0 s1  }
0xe0: {  	[bflag:$0x3] =	sbarrier.arrive $0xFFFF  }
0xe1: {  	_ =	shalt  }

// kernel: kernel.8.cloned.1.call-start
scs
__scs_entry_jumppad:
0x0: {  	(pc) =	sbr.rel $0x88, $3  }
0x1: {  	(tag) =	ssettag $0x0;
	lr =	simm.s32 $0x1  }
0x2: {  	[smem:$0x3F97] =	sst lr;
	_ =	strace $0xD0000000  }
0x3: {  	_ = 	snop  }
0x4: {  	_ = 	snop  }
0x5: {  	_ = 	snop  }
0x6: {  	_ = 	snop  }
0x7: {  	_ = 	snop  }
__scs_overlays_trampoline_lowered:
0x8: {  	[smem:$0x3FA6] =	sst s0  }
0x9: {  	[smem:$0x3FA7] =	sst s1  }
0xa: {  	[smem:$0x3FA8] =	sst s2  }
0xb: {  	[smem:$0x3FA9] =	sst s3  }
0xc: {  	[smem:$0x3FAA] =	sst s4  }
0xd: {  	[smem:$0x3FAB] =	sst s5  }
0xe: {  	[smem:$0x3FAC] =	sst s6  }
0xf: {  	[smem:$0x3FAD] =	sst s7  }
0x10: {  	[smem:$0x3FAE] =	sst s8  }
0x11: {  	[smem:$0x3FAF] =	sst s9;
	s0 =	simm.s32 @!p0 $0x0  }
0x12: {  	s1 =	sld [smem:$0x3F95];
	s0 =	simm.s32 @p0 $0x1  }
0x13: {  	[smem:$0x3FB0] =	sst s0;
	s0 =	simm.s32 @!p1 $0x0  }
0x14: {  	s2 =	sld [smem:$0x3F94];
	s0 =	simm.s32 @p1 $0x1  }
0x15: {  	[smem:$0x3FB1] =	sst s0;
	s0 =	simm.s32 @!p2 $0x0  }
0x16: {  	s3 =	sld [smem:$0x3FDB];
	s0 =	simm.s32 @p2 $0x1  }
0x17: {  	s4 =	simm.s32 $0x1BF5;
	[smem:$0x3FB3] =	sst s0  }
0x18: {  	s0 =	sld [smem:$0x3F96];
	_ =	swait.ge [sflag:s4], $0x0  }
0x19: {  	s7 =	sld [smem:$0x3F97]  }
0x1a: {  	s8 =	sadd.s32 $0xFFFFE003, lr  }
0x1b: {  	s9 =	sadd.s32 $0xFFFFFEF7, lr;
	s5 =	simm.s32 $0xFFFFFFFF;
	p2 =	slt.u32 s8, $0xFFFFF086  }
0x1c: {  	p1 =	slt.u32 s9, $0xF7A;
	s5 =	simm.s32 @!p2 $0x0  }
0x1d: {  	s5 =	simm.s32 @p1 $0x1;
	p0 =	seq.s32 s7, s2  }
0x1e: {  	s7 =	smul.u32 @!p0 $0xF7A, s2;
	p2 =	seq.s32 @!p0 s5, $0x0  }
0x1f: {  	s9 =	smul.u32 $0xF7A, s1;
	s8 =	simm.s32 @!p0 $0x1BF5;
	p2 =	por !p2, p0  }
0x20: {  	[sflag:s8] =	ssyncset.s32 @!p0 $0xFFFFF086;
	s6 =	sadd.s32 @!p0 s3, s7;
	s7 =	simm.s32 @!p0 $0x108  }
0x21: {  	s3 =	sadd.s32 s3, s9;
	s6 =	sadd.s32 @!p0 $0x88, s6;
	s7 =	simm.s32 @p2 $0x1082  }
0x22: {  	[simem:s7], [sflag:s8] =	dma.local @!p0 [hbm:s6], $0xF7A  }
0x23: {  	s9 =	sor.u32 $0xD0000000, s2;
	s6 =	simm.s32 $0x108;
	_ =	swait.ge @!p0 [sflag:s8], $0x0  }
0x24: {  	s3 =	sadd.s32 $0x88, s3;
	s6 =	simm.s32 @!p1 $0x1082;
	[sflag:s4] =	ssyncset.s32 $0xFFFFF086  }
0x25: {  	[simem:s6], [sflag:s4] =	dma.local [hbm:s3], $0xF7A  }
0x26: {  	[smem:$0x3F97] =	sst s1;
	(tag) =	ssettag s2;
	_ =	strace s9  }
0x27: {  	s1 =	sld [smem:$0x3FA7]  }
0x28: {  	s2 =	sld [smem:$0x3FA8]  }
0x29: {  	s4 =	sld [smem:$0x3FAA]  }
0x2a: {  	p0 =	seq.s32 s5, $0x0;
	s5 =	sld [smem:$0x3FAB]  }
0x2b: {  	s6 =	sld [smem:$0x3FAC]  }
0x2c: {  	s7 =	sld [smem:$0x3FAD]  }
0x2d: {  	s3 =	simm.s32 $0x108;
	s8 =	sld [smem:$0x3FAE]  }
0x2e: {  	s3 =	simm.s32 @!p0 $0x1082;
	s9 =	sld [smem:$0x3FAF]  }
0x2f: {  	lr =	sadd.s32 s0, s3;
	s0 =	sld [smem:$0x3FA6]  }
0x30: {  	s3 =	sld [smem:$0x3FA9]  }
0x31: {  	[smem:$0x3FB2] =	sst s10  }
0x32: {  	s10 =	sld [smem:$0x3FB0];
	_ =	sdelay $0x3  }
0x33: {  	p0 =	seq.s32 s10, $0x1;
	s10 =	sld [smem:$0x3FB2];
	_ =	sdelay $0x3  }
0x34: {  	[smem:$0x3FB2] =	sst s10  }
0x35: {  	s10 =	sld [smem:$0x3FB1];
	_ =	sdelay $0x3  }
0x36: {  	p1 =	seq.s32 s10, $0x1;
	s10 =	sld [smem:$0x3FB2];
	_ =	sdelay $0x3  }
0x37: {  	[smem:$0x3FB2] =	sst s10  }
0x38: {  	s10 =	sld [smem:$0x3FB3]  }
0x39: {  	_ = 	snop;
	(pc) =	sbr.ind lr, $3  }
0x3a: {  	_ = 	snop  }
0x3b: {  	_ = 	snop  }
0x3c: {  	p2 =	seq.s32 s10, $0x1;
	s10 =	sld [smem:$0x3FB2]  }
0x3d: {  	_ =	shalt  }
0x3e: {  	_ =	shalt  }
0x3f: {  	_ =	shalt  }
0x40: {  	_ =	shalt  }
0x41: {  	_ =	shalt  }
0x42: {  	_ =	shalt  }
0x43: {  	_ =	shalt  }
0x44: {  	_ =	shalt  }
0x45: {  	_ =	shalt  }
0x46: {  	_ =	shalt  }
0x47: {  	_ =	shalt  }
0x48: {  	_ =	shalt  }
0x49: {  	_ =	shalt  }
0x4a: {  	_ =	shalt  }
0x4b: {  	_ =	shalt  }
0x4c: {  	_ =	shalt  }
0x4d: {  	_ =	shalt  }
0x4e: {  	_ =	shalt  }
0x4f: {  	_ =	shalt  }
0x50: {  	_ =	shalt  }
0x51: {  	_ =	shalt  }
0x52: {  	_ =	shalt  }
0x53: {  	_ =	shalt  }
0x54: {  	_ =	shalt  }
0x55: {  	_ =	shalt  }
0x56: {  	_ =	shalt  }
0x57: {  	_ =	shalt  }
0x58: {  	_ =	shalt  }
0x59: {  	_ =	shalt  }
0x5a: {  	_ =	shalt  }
0x5b: {  	_ =	shalt  }
0x5c: {  	_ =	shalt  }
0x5d: {  	_ =	shalt  }
0x5e: {  	_ =	shalt  }
0x5f: {  	_ =	shalt  }
0x60: {  	_ =	shalt  }
0x61: {  	_ =	shalt  }
0x62: {  	_ =	shalt  }
0x63: {  	_ =	shalt  }
0x64: {  	_ =	shalt  }
0x65: {  	_ =	shalt  }
0x66: {  	_ =	shalt  }
0x67: {  	_ =	shalt  }
0x68: {  	_ =	shalt  }
0x69: {  	_ =	shalt  }
0x6a: {  	_ =	shalt  }
0x6b: {  	_ =	shalt  }
0x6c: {  	_ =	shalt  }
0x6d: {  	_ =	shalt  }
0x6e: {  	_ =	shalt  }
0x6f: {  	_ =	shalt  }
0x70: {  	_ =	shalt  }
0x71: {  	_ =	shalt  }
0x72: {  	_ =	shalt  }
0x73: {  	_ =	shalt  }
0x74: {  	_ =	shalt  }
0x75: {  	_ =	shalt  }
0x76: {  	_ =	shalt  }
0x77: {  	_ =	shalt  }
0x78: {  	_ =	shalt  }
0x79: {  	_ =	shalt  }
0x7a: {  	_ =	shalt  }
0x7b: {  	_ =	shalt  }
0x7c: {  	_ =	shalt  }
0x7d: {  	_ =	shalt  }
0x7e: {  	_ =	shalt  }
0x7f: {  	_ =	shalt  }
0x80: {  	_ =	shalt  }
0x81: {  	_ =	shalt  }
0x82: {  	_ =	shalt  }
0x83: {  	_ =	shalt  }
0x84: {  	_ =	shalt  }
0x85: {  	_ =	shalt  }
0x86: {  	_ =	shalt  }
0x87: {  	_ =	shalt  }
.Lfunc_end0:
.L_simem_size_0:
called_computation_lowered:
.L_overlay_start_0:
0x88: {  	s2 =	sld [smem:$0x3FD9]  }
0x89: {  	s3 =	sld [smem:$0x3FFE];
	_ =	sdelay $0x1  }
0x8a: {  	s1 =	srdreg.scid  }
0x8b: {  	s0 =	sand.u32 $0x1, s1  }
0x8c: {  	s17 =	sshll.u32 s0, $0xA;
	s2 =	sadd.s32 s3, s2  }
0x8d: {  	s2 =	sadd.s32 s2, s17  }
0x8e: {  	[smem:$0x3FBE] =	sst s2  }
0x8f: {  	_ = 	snop  }
0x90: {  	s2 =	sld [smem:$0x3FD0];
	(tm) =	ssettm $0x1  }
0x91: {  	s18 =	sld [smem:$0x3FFB];
	_ =	sdelay $0x3  }
0x92: {  	_ =	strace s18  }
0x93: {  	s3 =	sld [smem:$0x3FFC];
	_ =	sdelay $0x3  }
0x94: {  	_ =	strace s3  }
0x95: {  	s3 =	sld [smem:$0x3FFD];
	_ =	sdelay $0x3  }
0x96: {  	_ =	strace s3  }
0x97: {  	_ =	strace $0x8FFFFFFF  }
0x98: {  	s19 =	sld [smem:$0x3FDB];
	_ =	sdelay $0x1  }
0x99: {  	s4 =	simm.s32 $_scs_section_size  }
0x9a: {  	s5 =	simm.s32 $_size__tile_overlayer_lowered;
	s6 =	simm.s32 $_tile_overlayer_lowered  }
0x9b: {  	s22 =	simm.s32 $0x1BFF;
	s21 =	sshll.u32 s6, $0x1;
	s3 =	sadd.s32 s4, s19  }
0x9c: {  	s7 =	simm.s32 $0x0;
	s20 =	sshll.u32 s5, $0x1;
	s5 =	sadd.s32 s21, s3  }
0x9d: {  	[timem:s7], [sflag:s22] =	dma.local [hbm:s5], s20  }
0x9e: {  	_ =	swait.ge [sflag:s22], s20  }
0x9f: {  	s4 =	ssub.s32 $0x0, s20;
	[sflag:s22] =	ssyncset.done $0x0  }
0xa0: {  	[sflag:s22] =	ssyncadd.s32 s4;
	_ =	sdelay $0x1  }
0xa1: {  	s23 =	simm.s32 $0x1B8B  }
0xa2: {  	_ =	swait.ge [sflag:s23], $0x1  }
0xa3: {  	[sflag:s23] =	ssyncset.done $0x0  }
0xa4: {  	s25 =	simm.s32 $0x1B8E;
	s24 =	sld [smem:$0x3FFE];
	[sflag:s23] =	ssyncadd.s32 $0xFFFFFFFF  }
0xa5: {  	s26 =	simm.s32 $execute0_lowered;
	[smem:$0x3FD2] =	sst s25  }
0xa6: {  	s5 =	sshll.u32 s26, $0x1;
	_ =	strace $0x80000046;
	[dreg:$0x1] =	wrdreg $0xFFFFFFFF  }
0xa7: {  	s28 =	simm.s32 $_size_execute0_lowered;
	s3 =	sadd.s32 s3, s5;
	[dreg:$0x0] =	wrdreg $0x0  }
0xa8: {  	s5 =	sshll.u32 s28, $0x1;
	[dreg:$0x2] =	wrdreg s3  }
0xa9: {  	[dreg:$0x3] =	wrdreg s5  }
0xaa: {  	[dreg:$0x4] =	wrdreg $0xC0  }
0xab: {  	_ =	task [dreg:s7], $0x5FFFF  }
0xac: {  	[dreg:$0x1] =	wrdreg $0xFFFFFFFF  }
0xad: {  	[dreg:$0x0] =	wrdreg $0x60  }
0xae: {  	[dreg:$0x2] =	wrdreg s2  }
0xaf: {  	[dreg:$0x3] =	wrdreg s24  }
0xb0: {  	[dreg:$0x4] =	wrdreg $0x2C100  }
0xb1: {  	[dreg:$0x5] =	wrdreg $0x9  }
0xb2: {  	_ =	task.clear_ibuf [dreg:s7], $0x6FFFF;
	_ =	strace $0x90000046  }
0xb3: {  	s29 =	simm.s32 $0x9;
	_ =	strace $0x80000048  }
0xb4: {  	_ =	swait.ge [sflag:s29], $0x1  }
0xb5: {  	[sflag:s29] =	ssyncadd.s32 $0xFFFFFFFF  }
0xb6: {  	_ =	strace $0x90000048  }
0xb7: {  	_ =	sfence  }
0xb8: {  	s30 =	sld [smem:$0x0];
	_ =	sdelay $0x2  }
0xb9: {  	s31 =	sshll.u32 s1, $0xD;
	s1 =	sshrl.u32 s1, $0x2  }
0xba: {  	s3 =	sand.u32 $0x4000, s31;
	s1 =	sadd.s32 s1, s30  }
0xbb: {  	s0 =	sor.u32 s3, s0;
	s1 =	sshll.u32 s1, $0x11  }
0xbc: {  	s0 =	sor.u32 s1, s0  }
0xbd: {  	s0 =	sadd.s32 $0x8F2B, s0  }
0xbe: {  	[sflag:s0] =	ssyncadd.remote.s32 $0x1  }
0xbf: {  	_ =	sfence.sel $0xFFFF  }
0xc0: {  	[dreg:$0x0] =	wrdreg $0xFFFFFFFF;
	(pc) =	sbr.abs _section_cstart, $3  }
0xc1: {  	[dreg:$0x1] =	wrdreg $0xFFFFFFFF  }
0xc2: {  	_ =	task.clear_ibuf [dreg:s7], $0x2FFFF;
	_ =	strace $0x9FFFFFFF  }
0xc3: {  	(tm) =	ssettm $0x7FFFFFFF  }
tec
execute0_lowered:
.L_overlay_start_1:
0x0: {  	(tag) =	ssettag $0x1  }
0x1: {  	s6 =	rddreg [dreg:$0x0]  }
0x2: {  	s7 =	rddreg [dreg:$0x1]  }
0x3: {  	s1 =	rddreg [dreg:$0x2]  }
0x4: {  	s0 =	rddreg [dreg:$0x3];
	s3 =	simm.s32 $0x0;
	s5 =	srdreg.scid  }
0x5: {  	s2 =	stileid.u32;
	s16 =	simm.s32 $0x1;
	s18 =	simm.s32 $0x0  }
0x6: {  	[smem:$0x7FF] =	sst s3;
	s4 =	sadd.s32 $0x3200, s7;
	s8 =	sand.u32 $0x1, s5  }
0x7: {  	s9 =	smul.u32 $0x9C00, s2;
	s5 =	sadd.s32 $0x3400, s7;
	s13 =	sshll.u32 s2, $0x1  }
0x8: {  	s14 =	smul.u32 $0x2700, s2;
	s15 =	sadd.s32 $0x3A00, s7;
	p0 =	seq.s32 s2, $0xF  }
0x9: {  	_ =	strace $0x80000047;
	s10 =	ssub.s32 $0x2, s8;
	s11 =	smul.u32 $0x27100, s8  }
0xa: {  	s26 =	sor.u32 s8, s13;
	s13 =	sadd.s32 $0x24900, s1;
	s12 =	sshrl.u32 s10, $0x1  }
0xb: {  	s28 =	sshrl.u32 s9, $0x2;
	s7 =	smul.u32 $0x4E2, s26;
	s17 =	sadd.s32 s14, s1  }
0xc: {  	s10 =	ssub.s32 s10, s12;
	s29 =	sadd.s32 s14, s11;
	s12 =	sadd.s32 s28, s1  }
0xd: {  	s31 =	sshrl.u32 s11, $0x3;
	s11 =	sshll.u32 @!p0 s2, $0x6;
	s14 =	simm.s32 $0x2  }
0xe: {  	s17 =	sshrl.u32 @!p0 s17, $0x3;
	s30 =	sshrl.u32 s29, $0x3;
	s6 =	sadd.s32 s6, s7  }
0xf: {  	s8 =	sadd.s32 s15, s31;
	s9 =	smax.u32 s10, $0x1;
	s10 =	sshrl.u32 @p0 s13, $0x3  }
0x10: {  	s11 =	sor.u32 @!p0 $0x1C02, s11;
	s12 =	sshrl.u32 @!p0 s12, $0x3;
	s13 =	simm.s32 $0x2710  }
0x11: {  	s7 =	sadd.s32 s15, s30;
	s8 =	sadd.s32 $0x4920, s8;
	s15 =	simm.s32 $0x50  }
.LBB2_1:
0x12: {  	s19 =	simm.s32 @p0 $0x1FC2  }
0x13: {  	[spmem:s10], [sflag:s19] =	dma.local @p0 [hbm:s5], $0x500  }
0x14: {  	s19 =	simm.s32 @p0 $0x2  }
0x15: {  	_ =	swait.ge @p0 [sflag:s19], $0x500  }
0x16: {  	[sflag:s19] =	ssyncset.done @p0 $0x0  }
0x17: {  	[sflag:s19] =	ssyncadd.s32 @p0 $0xFFFFFB00;
	s19 =	simm.s32 @!p0 $0x2  }
0x18: {  	[spmem:s12], [sflag:s11] =	dma.local @!p0 [hbm:s5], $0x4E0  }
0x19: {  	_ =	swait.ge @!p0 [sflag:s19], $0x4E0  }
0x1a: {  	[sflag:s19] =	ssyncset.done @!p0 $0x0  }
0x1b: {  	[sflag:s19] =	ssyncadd.s32 @!p0 $0xFFFFFB20  }
0x1c: {  	[tilespmem:s13], [sflag:$0x2] =	stream.linear.gather [hbm4b:s4+s3], $0x500, $0x38;
	[tilespmem:$0x5320] =	vst v63  }
0x1d: {  	_ =	swait.ge [sflag:s14], $0x500  }
0x1e: {  	[sflag:s14] =	ssyncset.done $0x0  }
0x1f: {  	[sflag:s14] =	ssyncadd.s32 $0xFFFFFB00  }
0x20: {  	[tilespmem:s3], [sflag:$0x2] =	stream.linear.gather [hbm4b:s6+s3], $0x2710, $0x38;
	[tilespmem:$0x5320] =	vst v63  }
0x21: {  	_ =	swait.ge [sflag:s14], $0x2710  }
0x22: {  	[sflag:s14] =	ssyncset.done $0x0  }
0x23: {  	p1 =	por $0x1, $0x1;
	[sflag:s14] =	ssyncadd.s32 $0xFFFFD8F0  }
0x24: {  	s20 =	simm.s32 @!p1 $0x1;
	[bflag:$0x0] =	sbarrier.arrive $0xFFFF  }
0x25: {  	_ =	swait.ge @!p1 [sflag:s20], $0x500  }
0x26: {  	s21 =	simm.s32 $0x0;
	[sflag:s20] =	ssyncset.done @!p1 $0x0  }
0x27: {  	s19 =	simm.s32 $0x1;
	[sflag:s20] =	ssyncadd.s32 @!p1 $0xFFFFFB00;
	s20 =	simm.s32 $0x50  }
.LBB2_2:
0x28: {  	[spmem:s1] =	stream.indirect.scatter.add.f32 [tilespmem:s13], [sflag:$0x1], $0x10, s21, s15, $0xb8;
	[tilespmem:$0x5320] =	vst v63  }
0x29: {  	p1 =	slt.u32 s19, $0x8;
	s19 =	sadd.s32 $0x1, s19  }
0x2a: {  	p2 =	sne.s32 s19, $0x7D  }
.Ltmp0:
0x2b: {  	(pc) =	sbr.rel @p2 .LBB2_2-.Ltmp0, $4  }
0x2c: {  	s21 =	smov.u32 s20;
	s22 =	simm.s32 @!p1 $0x1  }
0x2d: {  	_ =	swait.ge @!p1 [sflag:s22], $0x500  }
0x2e: {  	[sflag:s22] =	ssyncset.done @!p1 $0x0  }
0x2f: {  	s20 =	sadd.s32 $0x50, s20;
	[sflag:s22] =	ssyncadd.s32 @!p1 $0xFFFFFB00  }
0x30: {  	[spmem:s1] =	stream.indirect.scatter.add.f32 [tilespmem:s13], [sflag:$0x1], $0x10, s21, s15, $0xb8;
	[tilespmem:$0x5320] =	vst v63  }
0x31: {  	_ =	swait.ge [sflag:s16], $0x500  }
0x32: {  	[sflag:s16] =	ssyncset.done $0x0  }
0x33: {  	[sflag:s16] =	ssyncadd.s32 $0xFFFFFB00  }
0x34: {  	_ =	swait.ge [sflag:s16], $0x500  }
0x35: {  	[sflag:s16] =	ssyncset.done $0x0  }
0x36: {  	[sflag:s16] =	ssyncadd.s32 $0xFFFFFB00  }
0x37: {  	_ =	swait.ge [sflag:s16], $0x500  }
0x38: {  	[sflag:s16] =	ssyncset.done $0x0  }
0x39: {  	[sflag:s16] =	ssyncadd.s32 $0xFFFFFB00  }
0x3a: {  	_ =	swait.ge [sflag:s16], $0x500  }
0x3b: {  	[sflag:s16] =	ssyncset.done $0x0  }
0x3c: {  	[sflag:s16] =	ssyncadd.s32 $0xFFFFFB00  }
0x3d: {  	_ =	swait.ge [sflag:s16], $0x500  }
0x3e: {  	[sflag:s16] =	ssyncset.done $0x0  }
0x3f: {  	[sflag:s16] =	ssyncadd.s32 $0xFFFFFB00  }
0x40: {  	_ =	swait.ge [sflag:s16], $0x500  }
0x41: {  	[sflag:s16] =	ssyncset.done $0x0  }
0x42: {  	[sflag:s16] =	ssyncadd.s32 $0xFFFFFB00  }
0x43: {  	_ =	swait.ge [sflag:s16], $0x500  }
0x44: {  	[sflag:s16] =	ssyncset.done $0x0  }
0x45: {  	[sflag:s16] =	ssyncadd.s32 $0xFFFFFB00  }
0x46: {  	_ =	swait.ge [sflag:s16], $0x500  }
0x47: {  	[sflag:s16] =	ssyncset.done $0x0  }
0x48: {  	[sflag:s16] =	ssyncadd.s32 $0xFFFFFB00  }
0x49: {  	s19 =	simm.s32 @p0 $0x1FC2;
	[bflag:$0x0] =	sbarrier.arrive $0xFFFF  }
0x4a: {  	[hbm:s8], [sflag:s19] =	dma.local @p0 [spmem:s10], $0x500  }
0x4b: {  	s19 =	simm.s32 @p0 $0x2  }
0x4c: {  	s18 =	sadd.s32 $0x1, s18;
	_ =	swait.ge @p0 [sflag:s19], $0x500  }
0x4d: {  	p1 =	sne.s32 s18, s9;
	[sflag:s19] =	ssyncset.done @p0 $0x0  }
.Ltmp1:
0x4e: {  	[sflag:s19] =	ssyncadd.s32 @p0 $0xFFFFFB00;
	s19 =	simm.s32 @!p0 $0x2;
	(pc) =	sbr.rel @p1 .LBB2_1-.Ltmp1, $4  }
0x4f: {  	[hbm:s7], [sflag:s11] =	dma.local @!p0 [spmem:s17], $0x4E0  }
0x50: {  	_ =	swait.ge @!p0 [sflag:s19], $0x4E0  }
0x51: {  	[sflag:s19] =	ssyncset.done @!p0 $0x0  }
0x52: {  	[sflag:s19] =	ssyncadd.s32 @!p0 $0xFFFFFB20  }
0x53: {  	_ =	sfence.sel $0x180000  }
0x54: {  	[bflag:$0x0] =	sbarrier.arrive $0xFFFF  }
0x55: {  	p0 =	sne.s32 s2, $0x0;
	_ =	strace $0x90000047  }
0x56: {  	s0 =	sadd.s32 @!p0 $0x100000, s0;
	[bflag:$0x2] =	sbarrier.arrive $0xFFFF  }
0x57: {  	[sflag:s0] =	ssyncadd.tile.s32 @!p0 $0x1;
	_ =	shalt  }
.Lfunc_end2:
_tile_overlayer_lowered:
.L_overlay_start_2:
0x58: {  	(tag) =	ssettag $0x2  }
0x59: {  	s0 =	rddreg [dreg:$0x0];
	s2 =	stileid.u32  }
0x5a: {  	s1 =	rddreg [dreg:$0x1];
	p0 =	sne.s32 s2, $0x0  }
0x5b: {  	s3 =	rddreg [dreg:$0x2];
	[bflag:$0x3] =	sbarrier.arrive $0xFFFF;
	s2 =	simm.s32 @!p0 $0x1C02  }
0x5c: {  	[timem:s3], [sflag:s2] =	dma.local @!p0 [hbm:s0], s1  }
0x5d: {  	s0 =	simm.s32 @!p0 $0x2  }
0x5e: {  	_ =	swait.ge @!p0 [sflag:s0], s1  }
0x5f: {  	s1 =	ssub.s32 @!p0 $0x0, s1;
	[sflag:s0] =	ssyncset.done @!p0 $0x0  }
0x60: {  	[sflag:s0] =	ssyncadd.s32 @!p0 s1  }
0x61: {  	[bflag:$0x3] =	sbarrier.arrive $0xFFFF  }
0x62: {  	_ =	shalt  }

</sc_bundles>
